<compile_context>
chip_gen: v7x
topology: tpu7x:2x2x1
jax: 0.10.2.dev20260603
libtpu: 0.0.44.dev20260713+nightly
codegen_flags: <defaults>
</compile_context>

<pallas_src>
import functools

import jax
import jax.numpy as jnp
from jax import lax
from jax.experimental import pallas as pl
from jax.experimental.pallas import tpu as pltpu
from jax.experimental.pallas import tpu_sc as plsc

NC = 2
NS = 16
NW = NC * NS
CH = 128


def _sc_aggregate(x, idx2d):
    n, d = x.shape
    nwin = idx2d.shape[0]
    nw_w = nwin // NW
    extra = nwin - nw_w * NW
    nmain = (nw_w // 4) * 4
    nrc = n // CH
    nt = n - nrc * CH

    mesh = plsc.VectorSubcoreMesh(core_axis_name="c", subcore_axis_name="s")

    scratch = [
        pltpu.VMEM((2, CH), jnp.int32),
        pltpu.VMEM((2, CH), jnp.int32),
        pltpu.VMEM((2, CH), jnp.int32),
        pltpu.VMEM((2, CH), jnp.int32),
        pltpu.VMEM((CH, d), jnp.float32),
        pltpu.VMEM((CH, d), jnp.float32),
        pltpu.VMEM((CH, d), jnp.float32),
        pltpu.VMEM_SHARED((n, d), jnp.float32),
        pltpu.SemaphoreType.DMA,
        pltpu.SemaphoreType.DMA,
        pltpu.SemaphoreType.DMA,
        pltpu.SemaphoreType.DMA,
        pltpu.SemaphoreType.DMA,
        pltpu.SemaphoreType.DMA,
        pltpu.SemaphoreType.DMA,
    ]

    @functools.partial(
        pl.kernel,
        out_type=jax.ShapeDtypeStruct((NC, n, d), jnp.float32),
        mesh=mesh,
        scratch_types=scratch,
    )
    def agg_kernel(x_hbm, idx_hbm, out_hbm, ib0, ib1, ib2, ib3, rows0,
                   rows1, rows2, agg_sh, is0, is1, is2, is3, gs0, gs1,
                   gs2):
        cid = lax.axis_index("c")
        sid = lax.axis_index("s")
        wid = sid * NC + cid
        wbase = wid * nw_w
        ibufs = (ib0, ib1, ib2, ib3)
        isems = (is0, is1, is2, is3)
        rbufs = (rows0, rows1, rows2)
        gsems = (gs0, gs1, gs2)

        def idx_req(j, t):
            pltpu.async_copy(idx_hbm.at[wbase + j], ibufs[t], isems[t])

        def idx_wait(t):
            pltpu.make_async_copy(idx_hbm.at[0], ibufs[t], isems[t]).wait()

        def gather(t_idx, t_row):
            pltpu.async_copy(x_hbm.at[ibufs[t_idx].at[0]], rbufs[t_row],
                             gsems[t_row])

        def rows_wait(t_row):
            pltpu.make_async_copy(x_hbm.at[pl.ds(0, CH)], rbufs[t_row],
                                  gsems[t_row]).wait()

        def scat(t_idx, t_row):
            pltpu.sync_copy(rbufs[t_row], agg_sh.at[ibufs[t_idx].at[1]],
                            add=True)

        for j in range(3):
            idx_req(j, j)

        zv = jnp.zeros((16,), jnp.float32)

        def zrow(i, carry):
            for t in range(d // 16):
                rows0[i, pl.ds(t * 16, 16)] = zv
            return carry

        lax.fori_loop(0, CH, zrow, 0)
        for k in range((nrc + NS - 1) // NS):
            c = sid + NS * k

            @pl.when(c < nrc)
            def _():
                r0 = pl.multiple_of(c * CH, 8)
                pltpu.sync_copy(rows0, agg_sh.at[pl.ds(r0, CH)])

        if nt:

            @pl.when(sid == 0)
            def _():
                pltpu.sync_copy(rows0.at[pl.ds(0, nt)],
                                agg_sh.at[pl.ds(nrc * CH, nt)])

        plsc.subcore_barrier()

        nfull = nw_w // 12
        ep = nw_w - 12 * nfull
        if ep < 3 and nfull > 0:
            nfull -= 1
            ep += 12

        idx_wait(0)
        gather(0, 0)
        if nw_w > 1:
            idx_wait(1)
            gather(1, 1)

        def body(k, carry):
            for u in range(12):
                j = 12 * k + u
                idx_wait((u + 2) % 4)
                gather((u + 2) % 4, (u + 2) % 3)
                idx_req(j + 3, (u + 3) % 4)
                rows_wait(u % 3)
                scat(u % 4, u % 3)
            return carry

        if nfull:
            lax.fori_loop(0, nfull, body, 0)

        for je in range(12 * nfull, nw_w):
            if je + 2 < nw_w:
                idx_wait((je + 2) % 4)
                gather((je + 2) % 4, (je + 2) % 3)
            if je + 3 < nw_w:
                idx_req(je + 3, (je + 3) % 4)
            rows_wait(je % 3)
            scat(je % 4, je % 3)

        if extra:

            @pl.when(wid < extra)
            def _():
                pltpu.sync_copy(idx_hbm.at[NW * nw_w + wid], ibufs[0])
                gather(0, 0)
                rows_wait(0)
                scat(0, 0)

        plsc.subcore_barrier()

        for k in range((nrc + NS - 1) // NS):
            c = sid + NS * k

            @pl.when(c < nrc)
            def _():
                r0 = pl.multiple_of(c * CH, 8)
                pltpu.sync_copy(agg_sh.at[pl.ds(r0, CH)],
                                out_hbm.at[cid, pl.ds(r0, CH)])

        if nt:

            @pl.when(sid == 0)
            def _():
                r0 = nrc * CH
                pltpu.sync_copy(agg_sh.at[pl.ds(r0, nt)],
                                out_hbm.at[cid, pl.ds(r0, nt)])

    return agg_kernel(x, idx2d)


def _tc_mlp(x, partials, w, b2d):
    n, d = x.shape
    br = 2000

    def body(x_ref, p_ref, w_ref, b_ref, o_ref):
        h = x_ref[...] + p_ref[0] + p_ref[1]
        o_ref[...] = (
            jnp.dot(h, w_ref[...], preferred_element_type=jnp.float32)
            + b_ref[...]
        )

    return pl.pallas_call(
        body,
        grid=(n // br,),
        in_specs=[
            pl.BlockSpec((br, d), lambda i: (i, 0)),
            pl.BlockSpec((NC, br, d), lambda i: (0, i, 0)),
            pl.BlockSpec((d, d), lambda i: (0, 0)),
            pl.BlockSpec((1, d), lambda i: (0, 0)),
        ],
        out_specs=pl.BlockSpec((br, d), lambda i: (i, 0)),
        out_shape=jax.ShapeDtypeStruct((n, d), jnp.float32),
    )(x, partials, w, b2d)


def kernel(X, edge_index, W, b):
    n, d = X.shape
    idx2d = jnp.swapaxes(edge_index.reshape(2, -1, CH), 0, 1)
    partials = _sc_aggregate(X, idx2d)
    return _tc_mlp(X, partials, W, b.reshape(1, d))

# --- scband reference (transcript-rebuilt; emitter-appended) ---
"""Pipeline reference for scband-ginconv-69123203662130 (READ-ONLY COPY).

The authoritative reference and input builder live on the scoring server;
editing this copy changes nothing except your own understanding.
"""

import jax, jax.numpy as jnp
import numpy as np

N = 10000
E = 320000
D = 128
EPS = 0.0

def setup_inputs(seed: int = 0) -> dict:
    key = jax.random.key(seed)
    k1, k2, k3 = jax.random.split(key, 3)
    X = jax.random.normal(k1, (N, D), dtype=jnp.float32)
    edge_index = jax.random.randint(k2, (2, E), 0, N, dtype=jnp.int32)
    # MLP = nn.Linear(D, D) parameters
    W = jax.random.normal(k3, (D, D), dtype=jnp.float32) * 0.05
    b = jnp.zeros((D,), dtype=jnp.float32)
    return {"X": X, "edge_index": edge_index, "W": W, "b": b}

def reference(X, edge_index, W, b):
    src = edge_index[0]
    dst = edge_index[1]
    # g.v2v(X, aggr='sum'): gather neighbor features along edges, scatter-add to dst
    msgs = jnp.take(X, src, axis=0)
    agg = jax.ops.segment_sum(msgs, dst, num_segments=N)
    H = (1.0 + EPS) * X + agg
    # MLP: single linear layer
    out = H @ W + b
    return out

if __name__ == "__main__":
    import jax
    _d = setup_inputs()
    print(jax.jit(kernel)(*tuple(_d.values())))

</pallas_src>

<mosaic_0001>
#map = affine_map<(d0, d1) -> (0, 0)>
#map1 = affine_map<(d0, d1) -> (0, 0, 0)>
module attributes {stable_mosaic.version = 14 : i64} {
  func.func @agg_kernel(%arg0: i32, %arg1: i32, %arg2: memref<10000x128xf32, #tpu.memory_space<hbm>>, %arg3: memref<2500x2x128xi32, #tpu.memory_space<hbm>>, %arg4: memref<2x10000x128xf32, #tpu.memory_space<hbm>>, %arg5: memref<2x128xi32, #tpu.memory_space<vmem>>, %arg6: memref<2x128xi32, #tpu.memory_space<vmem>>, %arg7: memref<2x128xi32, #tpu.memory_space<vmem>>, %arg8: memref<2x128xi32, #tpu.memory_space<vmem>>, %arg9: memref<128x128xf32, #tpu.memory_space<vmem>>, %arg10: memref<128x128xf32, #tpu.memory_space<vmem>>, %arg11: memref<128x128xf32, #tpu.memory_space<vmem>>, %arg12: memref<10000x128xf32, #tpu.memory_space<vmem_shared>>, %arg13: memref<!tpu.dma_semaphore, #tpu.memory_space<semaphore_mem>>, %arg14: memref<!tpu.dma_semaphore, #tpu.memory_space<semaphore_mem>>, %arg15: memref<!tpu.dma_semaphore, #tpu.memory_space<semaphore_mem>>, %arg16: memref<!tpu.dma_semaphore, #tpu.memory_space<semaphore_mem>>, %arg17: memref<!tpu.dma_semaphore, #tpu.memory_space<semaphore_mem>>, %arg18: memref<!tpu.dma_semaphore, #tpu.memory_space<semaphore_mem>>, %arg19: memref<!tpu.dma_semaphore, #tpu.memory_space<semaphore_mem>>) attributes {dimension_semantics = [#tpu.dimension_semantics<core_parallel>, #tpu.dimension_semantics<subcore_parallel>], iteration_bounds = array<i64: 2, 16>, scalar_prefetch = 0 : i64, scratch_operands = 15 : i64, tpu.core_type = #tpu.core_type<sc_vector_subcore>, window_params = [{transform_indices = #map}, {transform_indices = #map1}, {transform_indices = #map1}]} {
    %mul3A = arith.constant 2 : i32
    %mul3A_0 = arith.muli %arg1, %mul3A : i32
    %add3A = arith.addi %mul3A_0, %arg0 : i32
    %mul3A_1 = arith.constant 78 : i32
    %mul3A_2 = arith.muli %add3A, %mul3A_1 : i32
    %add3A_3 = arith.constant 0 : i32
    %add3A_4 = arith.addi %mul3A_2, %add3A_3 : i32
    %dma_start3A = arith.constant 0 : i32
    %dma_start3A_5 = arith.constant 0 : i32
    %dma_start3A_6 = tpu.memref_slice %arg3[%add3A_4, %dma_start3A, %dma_start3A_5] : memref<2500x2x128xi32, #tpu.memory_space<hbm>> -> memref<1x2x128xi32, #tpu.memory_space<hbm>>
    %dma_start3A_7 = tpu.memref_squeeze %dma_start3A_6 : memref<1x2x128xi32, #tpu.memory_space<hbm>> -> memref<2x128xi32, #tpu.memory_space<hbm>>
    %dma_start3A_8 = arith.constant 0 : i32
    %dma_start3A_9 = arith.constant 0 : i32
    %dma_start3A_10 = tpu.memref_slice %arg3[%add3A_4, %dma_start3A_8, %dma_start3A_9] : memref<2500x2x128xi32, #tpu.memory_space<hbm>> -> memref<1x2x128xi32, #tpu.memory_space<hbm>>
    %dma_start3A_11 = tpu.memref_squeeze %dma_start3A_10 : memref<1x2x128xi32, #tpu.memory_space<hbm>> -> memref<2x128xi32, #tpu.memory_space<hbm>>
    tpu.enqueue_dma source(%dma_start3A_11 : memref<2x128xi32, #tpu.memory_space<hbm>>) target(%arg5 : memref<2x128xi32, #tpu.memory_space<vmem>>) target_semaphore(%arg13 : memref<!tpu.dma_semaphore, #tpu.memory_space<semaphore_mem>>)
    %add3A_12 = arith.constant 1 : i32
    %add3A_13 = arith.addi %mul3A_2, %add3A_12 : i32
    %dma_start3A_14 = arith.constant 0 : i32
    %dma_start3A_15 = arith.constant 0 : i32
    %dma_start3A_16 = tpu.memref_slice %arg3[%add3A_13, %dma_start3A_14, %dma_start3A_15] : memref<2500x2x128xi32, #tpu.memory_space<hbm>> -> memref<1x2x128xi32, #tpu.memory_space<hbm>>
    %dma_start3A_17 = tpu.memref_squeeze %dma_start3A_16 : memref<1x2x128xi32, #tpu.memory_space<hbm>> -> memref<2x128xi32, #tpu.memory_space<hbm>>
    %dma_start3A_18 = arith.constant 0 : i32
    %dma_start3A_19 = arith.constant 0 : i32
    %dma_start3A_20 = tpu.memref_slice %arg3[%add3A_13, %dma_start3A_18, %dma_start3A_19] : memref<2500x2x128xi32, #tpu.memory_space<hbm>> -> memref<1x2x128xi32, #tpu.memory_space<hbm>>
    %dma_start3A_21 = tpu.memref_squeeze %dma_start3A_20 : memref<1x2x128xi32, #tpu.memory_space<hbm>> -> memref<2x128xi32, #tpu.memory_space<hbm>>
    tpu.enqueue_dma source(%dma_start3A_21 : memref<2x128xi32, #tpu.memory_space<hbm>>) target(%arg6 : memref<2x128xi32, #tpu.memory_space<vmem>>) target_semaphore(%arg14 : memref<!tpu.dma_semaphore, #tpu.memory_space<semaphore_mem>>)
    %add3A_22 = arith.constant 2 : i32
    %add3A_23 = arith.addi %mul3A_2, %add3A_22 : i32
    %dma_start3A_24 = arith.constant 0 : i32
    %dma_start3A_25 = arith.constant 0 : i32
    %dma_start3A_26 = tpu.memref_slice %arg3[%add3A_23, %dma_start3A_24, %dma_start3A_25] : memref<2500x2x128xi32, #tpu.memory_space<hbm>> -> memref<1x2x128xi32, #tpu.memory_space<hbm>>
    %dma_start3A_27 = tpu.memref_squeeze %dma_start3A_26 : memref<1x2x128xi32, #tpu.memory_space<hbm>> -> memref<2x128xi32, #tpu.memory_space<hbm>>
    %dma_start3A_28 = arith.constant 0 : i32
    %dma_start3A_29 = arith.constant 0 : i32
    %dma_start3A_30 = tpu.memref_slice %arg3[%add3A_23, %dma_start3A_28, %dma_start3A_29] : memref<2500x2x128xi32, #tpu.memory_space<hbm>> -> memref<1x2x128xi32, #tpu.memory_space<hbm>>
    %dma_start3A_31 = tpu.memref_squeeze %dma_start3A_30 : memref<1x2x128xi32, #tpu.memory_space<hbm>> -> memref<2x128xi32, #tpu.memory_space<hbm>>
    tpu.enqueue_dma source(%dma_start3A_31 : memref<2x128xi32, #tpu.memory_space<hbm>>) target(%arg7 : memref<2x128xi32, #tpu.memory_space<vmem>>) target_semaphore(%arg15 : memref<!tpu.dma_semaphore, #tpu.memory_space<semaphore_mem>>)
    %broadcast_in_dim3A = arith.constant 0.000000e+00 : f32
    %broadcast_in_dim3A_32 = vector.broadcast %broadcast_in_dim3A : f32 to vector<16xf32>
    %scan3A = arith.constant 0 : i32
    %scan3A_33 = arith.constant 0 : i32
    %scan3A_34 = arith.constant 128 : i32
    %scan3A_35 = arith.addi %scan3A_33, %scan3A_34 : i32
    %scan3A_36 = arith.constant 1 : i32
    scf.for %scan3A_292 = %scan3A_33 to %scan3A_35 step %scan3A_36  : i32 {
      %swap3A = arith.index_cast %scan3A_292 : i32 to index
      %swap3A_293 = arith.constant 0 : index
      %swap3A_294 = tpu.vector_load %arg9[%swap3A, %swap3A_293] {strides = array<i32>} : memref<128x128xf32, #tpu.memory_space<vmem>>, vector<1x16xf32>,
      %swap3A_295 = vector.shape_cast %swap3A_294 : vector<1x16xf32> to vector<16xf32>
      %swap3A_296 = vector.shape_cast %broadcast_in_dim3A_32 : vector<16xf32> to vector<1x16xf32>
      tpu.vector_store %arg9[%swap3A, %swap3A_293], %swap3A_296 {strides = array<i32>} : memref<128x128xf32, #tpu.memory_space<vmem>>, vector<1x16xf32>,
      %swap3A_297 = arith.index_cast %scan3A_292 : i32 to index
      %swap3A_298 = arith.constant 16 : index
      %swap3A_299 = tpu.vector_load %arg9[%swap3A_297, %swap3A_298] {strides = array<i32>} : memref<128x128xf32, #tpu.memory_space<vmem>>, vector<1x16xf32>,
      %swap3A_300 = vector.shape_cast %swap3A_299 : vector<1x16xf32> to vector<16xf32>
      %swap3A_301 = vector.shape_cast %broadcast_in_dim3A_32 : vector<16xf32> to vector<1x16xf32>
      tpu.vector_store %arg9[%swap3A_297, %swap3A_298], %swap3A_301 {strides = array<i32>} : memref<128x128xf32, #tpu.memory_space<vmem>>, vector<1x16xf32>,
      %swap3A_302 = arith.index_cast %scan3A_292 : i32 to index
      %swap3A_303 = arith.constant 32 : index
      %swap3A_304 = tpu.vector_load %arg9[%swap3A_302, %swap3A_303] {strides = array<i32>} : memref<128x128xf32, #tpu.memory_space<vmem>>, vector<1x16xf32>,
      %swap3A_305 = vector.shape_cast %swap3A_304 : vector<1x16xf32> to vector<16xf32>
      %swap3A_306 = vector.shape_cast %broadcast_in_dim3A_32 : vector<16xf32> to vector<1x16xf32>
      tpu.vector_store %arg9[%swap3A_302, %swap3A_303], %swap3A_306 {strides = array<i32>} : memref<128x128xf32, #tpu.memory_space<vmem>>, vector<1x16xf32>,
      %swap3A_307 = arith.index_cast %scan3A_292 : i32 to index
      %swap3A_308 = arith.constant 48 : index
      %swap3A_309 = tpu.vector_load %arg9[%swap3A_307, %swap3A_308] {strides = array<i32>} : memref<128x128xf32, #tpu.memory_space<vmem>>, vector<1x16xf32>,
      %swap3A_310 = vector.shape_cast %swap3A_309 : vector<1x16xf32> to vector<16xf32>
      %swap3A_311 = vector.shape_cast %broadcast_in_dim3A_32 : vector<16xf32> to vector<1x16xf32>
      tpu.vector_store %arg9[%swap3A_307, %swap3A_308], %swap3A_311 {strides = array<i32>} : memref<128x128xf32, #tpu.memory_space<vmem>>, vector<1x16xf32>,
      %swap3A_312 = arith.index_cast %scan3A_292 : i32 to index
      %swap3A_313 = arith.constant 64 : index
      %swap3A_314 = tpu.vector_load %arg9[%swap3A_312, %swap3A_313] {strides = array<i32>} : memref<128x128xf32, #tpu.memory_space<vmem>>, vector<1x16xf32>,
      %swap3A_315 = vector.shape_cast %swap3A_314 : vector<1x16xf32> to vector<16xf32>
      %swap3A_316 = vector.shape_cast %broadcast_in_dim3A_32 : vector<16xf32> to vector<1x16xf32>
      tpu.vector_store %arg9[%swap3A_312, %swap3A_313], %swap3A_316 {strides = array<i32>} : memref<128x128xf32, #tpu.memory_space<vmem>>, vector<1x16xf32>,
      %swap3A_317 = arith.index_cast %scan3A_292 : i32 to index
      %swap3A_318 = arith.constant 80 : index
      %swap3A_319 = tpu.vector_load %arg9[%swap3A_317, %swap3A_318] {strides = array<i32>} : memref<128x128xf32, #tpu.memory_space<vmem>>, vector<1x16xf32>,
      %swap3A_320 = vector.shape_cast %swap3A_319 : vector<1x16xf32> to vector<16xf32>
      %swap3A_321 = vector.shape_cast %broadcast_in_dim3A_32 : vector<16xf32> to vector<1x16xf32>
      tpu.vector_store %arg9[%swap3A_317, %swap3A_318], %swap3A_321 {strides = array<i32>} : memref<128x128xf32, #tpu.memory_space<vmem>>, vector<1x16xf32>,
      %swap3A_322 = arith.index_cast %scan3A_292 : i32 to index
      %swap3A_323 = arith.constant 96 : index
      %swap3A_324 = tpu.vector_load %arg9[%swap3A_322, %swap3A_323] {strides = array<i32>} : memref<128x128xf32, #tpu.memory_space<vmem>>, vector<1x16xf32>,
      %swap3A_325 = vector.shape_cast %swap3A_324 : vector<1x16xf32> to vector<16xf32>
      %swap3A_326 = vector.shape_cast %broadcast_in_dim3A_32 : vector<16xf32> to vector<1x16xf32>
      tpu.vector_store %arg9[%swap3A_322, %swap3A_323], %swap3A_326 {strides = array<i32>} : memref<128x128xf32, #tpu.memory_space<vmem>>, vector<1x16xf32>,
      %swap3A_327 = arith.index_cast %scan3A_292 : i32 to index
      %swap3A_328 = arith.constant 112 : index
      %swap3A_329 = tpu.vector_load %arg9[%swap3A_327, %swap3A_328] {strides = array<i32>} : memref<128x128xf32, #tpu.memory_space<vmem>>, vector<1x16xf32>,
      %swap3A_330 = vector.shape_cast %swap3A_329 : vector<1x16xf32> to vector<16xf32>
      %swap3A_331 = vector.shape_cast %broadcast_in_dim3A_32 : vector<16xf32> to vector<1x16xf32>
      tpu.vector_store %arg9[%swap3A_327, %swap3A_328], %swap3A_331 {strides = array<i32>} : memref<128x128xf32, #tpu.memory_space<vmem>>, vector<1x16xf32>,
    }
    %scan3A_37 = arith.constant 128 : i32
    %add3A_38 = arith.constant 0 : i32
    %add3A_39 = arith.addi %arg1, %add3A_38 : i32
    %lt3A = arith.constant 78 : i32
    %lt3A_40 = arith.cmpi slt, %add3A_39, %lt3A : i32
    %convert_element_type3A = arith.extui %lt3A_40 : i1 to i32
    %cond3A = arith.constant 0 : i32
    %cond3A_41 = arith.cmpi ne, %convert_element_type3A, %cond3A : i32
    scf.if %cond3A_41 {
      %mul3A_292 = arith.constant 128 : i32
      %mul3A_293 = arith.muli %add3A_39, %mul3A_292 : i32
      %multiple_of3A = tpu.assume_multiple %mul3A_293, 8 : i32
      "tpu.region"() ({
        %run_scoped3A_294 = tpu.sem_alloc : memref<!tpu.dma_semaphore, #tpu.memory_space<semaphore_mem>>
        %dma_start3A_295 = arith.constant 0 : i32
        %dma_start3A_296 = tpu.memref_slice %arg12[%multiple_of3A, %dma_start3A_295] : memref<10000x128xf32, #tpu.memory_space<vmem_shared>> -> memref<128x128xf32, #tpu.memory_space<vmem_shared>>
        %dma_start3A_297 = arith.constant 0 : i32
        %dma_start3A_298 = tpu.memref_slice %arg12[%multiple_of3A, %dma_start3A_297] : memref<10000x128xf32, #tpu.memory_space<vmem_shared>> -> memref<128x128xf32, #tpu.memory_space<vmem_shared>>
        tpu.enqueue_dma source(%arg9 : memref<128x128xf32, #tpu.memory_space<vmem>>) target(%dma_start3A_298 : memref<128x128xf32, #tpu.memory_space<vmem_shared>>) target_semaphore(%run_scoped3A_294 : memref<!tpu.dma_semaphore, #tpu.memory_space<semaphore_mem>>)
        %dma_wait3A_299 = arith.constant 0 : i32
        %dma_wait3A_300 = tpu.memref_slice %arg12[%multiple_of3A, %dma_wait3A_299] : memref<10000x128xf32, #tpu.memory_space<vmem_shared>> -> memref<128x128xf32, #tpu.memory_space<vmem_shared>>
        %dma_wait3A_301 = arith.constant 0 : i32
        %dma_wait3A_302 = tpu.memref_slice %arg12[%multiple_of3A, %dma_wait3A_301] : memref<10000x128xf32, #tpu.memory_space<vmem_shared>> -> memref<128x128xf32, #tpu.memory_space<vmem_shared>>
        tpu.wait_dma2 semaphore(%run_scoped3A_294 : memref<!tpu.dma_semaphore, #tpu.memory_space<semaphore_mem>>) src(%arg9 : memref<128x128xf32, #tpu.memory_space<vmem>>) dst(%dma_wait3A_302 : memref<128x128xf32, #tpu.memory_space<vmem_shared>>)
        tpu.yield
      }) : () -> ()
    } else {
    }
    %add3A_42 = arith.constant 16 : i32
    %add3A_43 = arith.addi %arg1, %add3A_42 : i32
    %lt3A_44 = arith.constant 78 : i32
    %lt3A_45 = arith.cmpi slt, %add3A_43, %lt3A_44 : i32
    %convert_element_type3A_46 = arith.extui %lt3A_45 : i1 to i32
    %cond3A_47 = arith.constant 0 : i32
    %cond3A_48 = arith.cmpi ne, %convert_element_type3A_46, %cond3A_47 : i32
    scf.if %cond3A_48 {
      %mul3A_292 = arith.constant 128 : i32
      %mul3A_293 = arith.muli %add3A_43, %mul3A_292 : i32
      %multiple_of3A = tpu.assume_multiple %mul3A_293, 8 : i32
      "tpu.region"() ({
        %run_scoped3A_294 = tpu.sem_alloc : memref<!tpu.dma_semaphore, #tpu.memory_space<semaphore_mem>>
        %dma_start3A_295 = arith.constant 0 : i32
        %dma_start3A_296 = tpu.memref_slice %arg12[%multiple_of3A, %dma_start3A_295] : memref<10000x128xf32, #tpu.memory_space<vmem_shared>> -> memref<128x128xf32, #tpu.memory_space<vmem_shared>>
        %dma_start3A_297 = arith.constant 0 : i32
        %dma_start3A_298 = tpu.memref_slice %arg12[%multiple_of3A, %dma_start3A_297] : memref<10000x128xf32, #tpu.memory_space<vmem_shared>> -> memref<128x128xf32, #tpu.memory_space<vmem_shared>>
        tpu.enqueue_dma source(%arg9 : memref<128x128xf32, #tpu.memory_space<vmem>>) target(%dma_start3A_298 : memref<128x128xf32, #tpu.memory_space<vmem_shared>>) target_semaphore(%run_scoped3A_294 : memref<!tpu.dma_semaphore, #tpu.memory_space<semaphore_mem>>)
        %dma_wait3A_299 = arith.constant 0 : i32
        %dma_wait3A_300 = tpu.memref_slice %arg12[%multiple_of3A, %dma_wait3A_299] : memref<10000x128xf32, #tpu.memory_space<vmem_shared>> -> memref<128x128xf32, #tpu.memory_space<vmem_shared>>
        %dma_wait3A_301 = arith.constant 0 : i32
        %dma_wait3A_302 = tpu.memref_slice %arg12[%multiple_of3A, %dma_wait3A_301] : memref<10000x128xf32, #tpu.memory_space<vmem_shared>> -> memref<128x128xf32, #tpu.memory_space<vmem_shared>>
        tpu.wait_dma2 semaphore(%run_scoped3A_294 : memref<!tpu.dma_semaphore, #tpu.memory_space<semaphore_mem>>) src(%arg9 : memref<128x128xf32, #tpu.memory_space<vmem>>) dst(%dma_wait3A_302 : memref<128x128xf32, #tpu.memory_space<vmem_shared>>)
        tpu.yield
      }) : () -> ()
    } else {
    }
    %add3A_49 = arith.constant 32 : i32
    %add3A_50 = arith.addi %arg1, %add3A_49 : i32
    %lt3A_51 = arith.constant 78 : i32
    %lt3A_52 = arith.cmpi slt, %add3A_50, %lt3A_51 : i32
    %convert_element_type3A_53 = arith.extui %lt3A_52 : i1 to i32
    %cond3A_54 = arith.constant 0 : i32
    %cond3A_55 = arith.cmpi ne, %convert_element_type3A_53, %cond3A_54 : i32
    scf.if %cond3A_55 {
      %mul3A_292 = arith.constant 128 : i32
      %mul3A_293 = arith.muli %add3A_50, %mul3A_292 : i32
      %multiple_of3A = tpu.assume_multiple %mul3A_293, 8 : i32
      "tpu.region"() ({
        %run_scoped3A_294 = tpu.sem_alloc : memref<!tpu.dma_semaphore, #tpu.memory_space<semaphore_mem>>
        %dma_start3A_295 = arith.constant 0 : i32
        %dma_start3A_296 = tpu.memref_slice %arg12[%multiple_of3A, %dma_start3A_295] : memref<10000x128xf32, #tpu.memory_space<vmem_shared>> -> memref<128x128xf32, #tpu.memory_space<vmem_shared>>
        %dma_start3A_297 = arith.constant 0 : i32
        %dma_start3A_298 = tpu.memref_slice %arg12[%multiple_of3A, %dma_start3A_297] : memref<10000x128xf32, #tpu.memory_space<vmem_shared>> -> memref<128x128xf32, #tpu.memory_space<vmem_shared>>
        tpu.enqueue_dma source(%arg9 : memref<128x128xf32, #tpu.memory_space<vmem>>) target(%dma_start3A_298 : memref<128x128xf32, #tpu.memory_space<vmem_shared>>) target_semaphore(%run_scoped3A_294 : memref<!tpu.dma_semaphore, #tpu.memory_space<semaphore_mem>>)
        %dma_wait3A_299 = arith.constant 0 : i32
        %dma_wait3A_300 = tpu.memref_slice %arg12[%multiple_of3A, %dma_wait3A_299] : memref<10000x128xf32, #tpu.memory_space<vmem_shared>> -> memref<128x128xf32, #tpu.memory_space<vmem_shared>>
        %dma_wait3A_301 = arith.constant 0 : i32
        %dma_wait3A_302 = tpu.memref_slice %arg12[%multiple_of3A, %dma_wait3A_301] : memref<10000x128xf32, #tpu.memory_space<vmem_shared>> -> memref<128x128xf32, #tpu.memory_space<vmem_shared>>
        tpu.wait_dma2 semaphore(%run_scoped3A_294 : memref<!tpu.dma_semaphore, #tpu.memory_space<semaphore_mem>>) src(%arg9 : memref<128x128xf32, #tpu.memory_space<vmem>>) dst(%dma_wait3A_302 : memref<128x128xf32, #tpu.memory_space<vmem_shared>>)
        tpu.yield
      }) : () -> ()
    } else {
    }
    %add3A_56 = arith.constant 48 : i32
    %add3A_57 = arith.addi %arg1, %add3A_56 : i32
    %lt3A_58 = arith.constant 78 : i32
    %lt3A_59 = arith.cmpi slt, %add3A_57, %lt3A_58 : i32
    %convert_element_type3A_60 = arith.extui %lt3A_59 : i1 to i32
    %cond3A_61 = arith.constant 0 : i32
    %cond3A_62 = arith.cmpi ne, %convert_element_type3A_60, %cond3A_61 : i32
    scf.if %cond3A_62 {
      %mul3A_292 = arith.constant 128 : i32
      %mul3A_293 = arith.muli %add3A_57, %mul3A_292 : i32
      %multiple_of3A = tpu.assume_multiple %mul3A_293, 8 : i32
      "tpu.region"() ({
        %run_scoped3A_294 = tpu.sem_alloc : memref<!tpu.dma_semaphore, #tpu.memory_space<semaphore_mem>>
        %dma_start3A_295 = arith.constant 0 : i32
        %dma_start3A_296 = tpu.memref_slice %arg12[%multiple_of3A, %dma_start3A_295] : memref<10000x128xf32, #tpu.memory_space<vmem_shared>> -> memref<128x128xf32, #tpu.memory_space<vmem_shared>>
        %dma_start3A_297 = arith.constant 0 : i32
        %dma_start3A_298 = tpu.memref_slice %arg12[%multiple_of3A, %dma_start3A_297] : memref<10000x128xf32, #tpu.memory_space<vmem_shared>> -> memref<128x128xf32, #tpu.memory_space<vmem_shared>>
        tpu.enqueue_dma source(%arg9 : memref<128x128xf32, #tpu.memory_space<vmem>>) target(%dma_start3A_298 : memref<128x128xf32, #tpu.memory_space<vmem_shared>>) target_semaphore(%run_scoped3A_294 : memref<!tpu.dma_semaphore, #tpu.memory_space<semaphore_mem>>)
        %dma_wait3A_299 = arith.constant 0 : i32
        %dma_wait3A_300 = tpu.memref_slice %arg12[%multiple_of3A, %dma_wait3A_299] : memref<10000x128xf32, #tpu.memory_space<vmem_shared>> -> memref<128x128xf32, #tpu.memory_space<vmem_shared>>
        %dma_wait3A_301 = arith.constant 0 : i32
        %dma_wait3A_302 = tpu.memref_slice %arg12[%multiple_of3A, %dma_wait3A_301] : memref<10000x128xf32, #tpu.memory_space<vmem_shared>> -> memref<128x128xf32, #tpu.memory_space<vmem_shared>>
        tpu.wait_dma2 semaphore(%run_scoped3A_294 : memref<!tpu.dma_semaphore, #tpu.memory_space<semaphore_mem>>) src(%arg9 : memref<128x128xf32, #tpu.memory_space<vmem>>) dst(%dma_wait3A_302 : memref<128x128xf32, #tpu.memory_space<vmem_shared>>)
        tpu.yield
      }) : () -> ()
    } else {
    }
    %add3A_63 = arith.constant 64 : i32
    %add3A_64 = arith.addi %arg1, %add3A_63 : i32
    %lt3A_65 = arith.constant 78 : i32
    %lt3A_66 = arith.cmpi slt, %add3A_64, %lt3A_65 : i32
    %convert_element_type3A_67 = arith.extui %lt3A_66 : i1 to i32
    %cond3A_68 = arith.constant 0 : i32
    %cond3A_69 = arith.cmpi ne, %convert_element_type3A_67, %cond3A_68 : i32
    scf.if %cond3A_69 {
      %mul3A_292 = arith.constant 128 : i32
      %mul3A_293 = arith.muli %add3A_64, %mul3A_292 : i32
      %multiple_of3A = tpu.assume_multiple %mul3A_293, 8 : i32
      "tpu.region"() ({
        %run_scoped3A_294 = tpu.sem_alloc : memref<!tpu.dma_semaphore, #tpu.memory_space<semaphore_mem>>
        %dma_start3A_295 = arith.constant 0 : i32
        %dma_start3A_296 = tpu.memref_slice %arg12[%multiple_of3A, %dma_start3A_295] : memref<10000x128xf32, #tpu.memory_space<vmem_shared>> -> memref<128x128xf32, #tpu.memory_space<vmem_shared>>
        %dma_start3A_297 = arith.constant 0 : i32
        %dma_start3A_298 = tpu.memref_slice %arg12[%multiple_of3A, %dma_start3A_297] : memref<10000x128xf32, #tpu.memory_space<vmem_shared>> -> memref<128x128xf32, #tpu.memory_space<vmem_shared>>
        tpu.enqueue_dma source(%arg9 : memref<128x128xf32, #tpu.memory_space<vmem>>) target(%dma_start3A_298 : memref<128x128xf32, #tpu.memory_space<vmem_shared>>) target_semaphore(%run_scoped3A_294 : memref<!tpu.dma_semaphore, #tpu.memory_space<semaphore_mem>>)
        %dma_wait3A_299 = arith.constant 0 : i32
        %dma_wait3A_300 = tpu.memref_slice %arg12[%multiple_of3A, %dma_wait3A_299] : memref<10000x128xf32, #tpu.memory_space<vmem_shared>> -> memref<128x128xf32, #tpu.memory_space<vmem_shared>>
        %dma_wait3A_301 = arith.constant 0 : i32
        %dma_wait3A_302 = tpu.memref_slice %arg12[%multiple_of3A, %dma_wait3A_301] : memref<10000x128xf32, #tpu.memory_space<vmem_shared>> -> memref<128x128xf32, #tpu.memory_space<vmem_shared>>
        tpu.wait_dma2 semaphore(%run_scoped3A_294 : memref<!tpu.dma_semaphore, #tpu.memory_space<semaphore_mem>>) src(%arg9 : memref<128x128xf32, #tpu.memory_space<vmem>>) dst(%dma_wait3A_302 : memref<128x128xf32, #tpu.memory_space<vmem_shared>>)
        tpu.yield
      }) : () -> ()
    } else {
    }
    %eq3A = arith.constant 0 : i32
    %eq3A_70 = arith.cmpi eq, %arg1, %eq3A : i32
    %convert_element_type3A_71 = arith.extui %eq3A_70 : i1 to i32
    %cond3A_72 = arith.constant 0 : i32
    %cond3A_73 = arith.cmpi ne, %convert_element_type3A_71, %cond3A_72 : i32
    scf.if %cond3A_73 {
      "tpu.region"() ({
        %run_scoped3A_292 = tpu.sem_alloc : memref<!tpu.dma_semaphore, #tpu.memory_space<semaphore_mem>>
        %dma_start3A_293 = arith.constant 0 : i32
        %dma_start3A_294 = arith.constant 0 : i32
        %dma_start3A_295 = tpu.memref_slice %arg9[%dma_start3A_293, %dma_start3A_294] : memref<128x128xf32, #tpu.memory_space<vmem>> -> memref<16x128xf32, #tpu.memory_space<vmem>>
        %dma_start3A_296 = arith.constant 9984 : i32
        %dma_start3A_297 = arith.constant 0 : i32
        %dma_start3A_298 = tpu.memref_slice %arg12[%dma_start3A_296, %dma_start3A_297] : memref<10000x128xf32, #tpu.memory_space<vmem_shared>> -> memref<16x128xf32, #tpu.memory_space<vmem_shared>>
        %dma_start3A_299 = arith.constant 9984 : i32
        %dma_start3A_300 = arith.constant 0 : i32
        %dma_start3A_301 = tpu.memref_slice %arg12[%dma_start3A_299, %dma_start3A_300] : memref<10000x128xf32, #tpu.memory_space<vmem_shared>> -> memref<16x128xf32, #tpu.memory_space<vmem_shared>>
        %dma_start3A_302 = arith.constant 0 : i32
        %dma_start3A_303 = arith.constant 0 : i32
        %dma_start3A_304 = tpu.memref_slice %arg9[%dma_start3A_302, %dma_start3A_303] : memref<128x128xf32, #tpu.memory_space<vmem>> -> memref<16x128xf32, #tpu.memory_space<vmem>>
        tpu.enqueue_dma source(%dma_start3A_304 : memref<16x128xf32, #tpu.memory_space<vmem>>) target(%dma_start3A_301 : memref<16x128xf32, #tpu.memory_space<vmem_shared>>) target_semaphore(%run_scoped3A_292 : memref<!tpu.dma_semaphore, #tpu.memory_space<semaphore_mem>>)
        %dma_wait3A_305 = arith.constant 0 : i32
        %dma_wait3A_306 = arith.constant 0 : i32
        %dma_wait3A_307 = tpu.memref_slice %arg9[%dma_wait3A_305, %dma_wait3A_306] : memref<128x128xf32, #tpu.memory_space<vmem>> -> memref<16x128xf32, #tpu.memory_space<vmem>>
        %dma_wait3A_308 = arith.constant 9984 : i32
        %dma_wait3A_309 = arith.constant 0 : i32
        %dma_wait3A_310 = tpu.memref_slice %arg12[%dma_wait3A_308, %dma_wait3A_309] : memref<10000x128xf32, #tpu.memory_space<vmem_shared>> -> memref<16x128xf32, #tpu.memory_space<vmem_shared>>
        %dma_wait3A_311 = arith.constant 9984 : i32
        %dma_wait3A_312 = arith.constant 0 : i32
        %dma_wait3A_313 = tpu.memref_slice %arg12[%dma_wait3A_311, %dma_wait3A_312] : memref<10000x128xf32, #tpu.memory_space<vmem_shared>> -> memref<16x128xf32, #tpu.memory_space<vmem_shared>>
        %dma_wait3A_314 = arith.constant 0 : i32
        %dma_wait3A_315 = arith.constant 0 : i32
        %dma_wait3A_316 = tpu.memref_slice %arg9[%dma_wait3A_314, %dma_wait3A_315] : memref<128x128xf32, #tpu.memory_space<vmem>> -> memref<16x128xf32, #tpu.memory_space<vmem>>
        tpu.wait_dma2 semaphore(%run_scoped3A_292 : memref<!tpu.dma_semaphore, #tpu.memory_space<semaphore_mem>>) src(%dma_wait3A_316 : memref<16x128xf32, #tpu.memory_space<vmem>>) dst(%dma_wait3A_313 : memref<16x128xf32, #tpu.memory_space<vmem_shared>>)
        tpu.yield
      }) : () -> ()
    } else {
    }
    %barrier3A = arith.constant 0 : index
    tpu.barrier barrier_id(%barrier3A)
    %dma_wait3A = arith.constant 0 : i32
    %dma_wait3A_74 = arith.constant 0 : i32
    %dma_wait3A_75 = arith.constant 0 : i32
    %dma_wait3A_76 = tpu.memref_slice %arg3[%dma_wait3A, %dma_wait3A_74, %dma_wait3A_75] : memref<2500x2x128xi32, #tpu.memory_space<hbm>> -> memref<1x2x128xi32, #tpu.memory_space<hbm>>
    %dma_wait3A_77 = tpu.memref_squeeze %dma_wait3A_76 : memref<1x2x128xi32, #tpu.memory_space<hbm>> -> memref<2x128xi32, #tpu.memory_space<hbm>>
    %dma_wait3A_78 = arith.constant 0 : i32
    %dma_wait3A_79 = arith.constant 0 : i32
    %dma_wait3A_80 = tpu.memref_slice %arg3[%dma_wait3A, %dma_wait3A_78, %dma_wait3A_79] : memref<2500x2x128xi32, #tpu.memory_space<hbm>> -> memref<1x2x128xi32, #tpu.memory_space<hbm>>
    %dma_wait3A_81 = tpu.memref_squeeze %dma_wait3A_80 : memref<1x2x128xi32, #tpu.memory_space<hbm>> -> memref<2x128xi32, #tpu.memory_space<hbm>>
    tpu.wait_dma2 semaphore(%arg13 : memref<!tpu.dma_semaphore, #tpu.memory_space<semaphore_mem>>) src(%dma_wait3A_81 : memref<2x128xi32, #tpu.memory_space<hbm>>) dst(%arg5 : memref<2x128xi32, #tpu.memory_space<vmem>>)
    %dma_start3A_82 = arith.constant 0 : i32
    %dma_start3A_83 = arith.constant 0 : i32
    %dma_start3A_84 = tpu.memref_slice %arg5[%dma_start3A_82, %dma_start3A_83] : memref<2x128xi32, #tpu.memory_space<vmem>> -> memref<1x128xi32, #tpu.memory_space<vmem>>
    %dma_start3A_85 = tpu.memref_squeeze %dma_start3A_84 : memref<1x128xi32, #tpu.memory_space<vmem>> -> memref<128xi32, #tpu.memory_space<vmem>>
    %dma_start3A_86 = arith.constant 0 : i32
    %dma_start3A_87 = arith.constant 0 : i32
    %dma_start3A_88 = tpu.memref_slice %arg2[%dma_start3A_86, %dma_start3A_87] : memref<10000x128xf32, #tpu.memory_space<hbm>> -> memref<10000x128xf32, #tpu.memory_space<hbm>>
    tpu.enqueue_indirect_dma source(%dma_start3A_88 : memref<10000x128xf32, #tpu.memory_space<hbm>>) target(%arg9 : memref<128x128xf32, #tpu.memory_space<vmem>>) offsets(%dma_start3A_85 : memref<128xi32, #tpu.memory_space<vmem>>) semaphore(%arg17 : memref<!tpu.dma_semaphore, #tpu.memory_space<semaphore_mem>>)
    %dma_wait3A_89 = arith.constant 0 : i32
    %dma_wait3A_90 = arith.constant 0 : i32
    %dma_wait3A_91 = arith.constant 0 : i32
    %dma_wait3A_92 = tpu.memref_slice %arg3[%dma_wait3A_89, %dma_wait3A_90, %dma_wait3A_91] : memref<2500x2x128xi32, #tpu.memory_space<hbm>> -> memref<1x2x128xi32, #tpu.memory_space<hbm>>
    %dma_wait3A_93 = tpu.memref_squeeze %dma_wait3A_92 : memref<1x2x128xi32, #tpu.memory_space<hbm>> -> memref<2x128xi32, #tpu.memory_space<hbm>>
    %dma_wait3A_94 = arith.constant 0 : i32
    %dma_wait3A_95 = arith.constant 0 : i32
    %dma_wait3A_96 = tpu.memref_slice %arg3[%dma_wait3A_89, %dma_wait3A_94, %dma_wait3A_95] : memref<2500x2x128xi32, #tpu.memory_space<hbm>> -> memref<1x2x128xi32, #tpu.memory_space<hbm>>
    %dma_wait3A_97 = tpu.memref_squeeze %dma_wait3A_96 : memref<1x2x128xi32, #tpu.memory_space<hbm>> -> memref<2x128xi32, #tpu.memory_space<hbm>>
    tpu.wait_dma2 semaphore(%arg14 : memref<!tpu.dma_semaphore, #tpu.memory_space<semaphore_mem>>) src(%dma_wait3A_97 : memref<2x128xi32, #tpu.memory_space<hbm>>) dst(%arg6 : memref<2x128xi32, #tpu.memory_space<vmem>>)
    %dma_start3A_98 = arith.constant 0 : i32
    %dma_start3A_99 = arith.constant 0 : i32
    %dma_start3A_100 = tpu.memref_slice %arg6[%dma_start3A_98, %dma_start3A_99] : memref<2x128xi32, #tpu.memory_space<vmem>> -> memref<1x128xi32, #tpu.memory_space<vmem>>
    %dma_start3A_101 = tpu.memref_squeeze %dma_start3A_100 : memref<1x128xi32, #tpu.memory_space<vmem>> -> memref<128xi32, #tpu.memory_space<vmem>>
    %dma_start3A_102 = arith.constant 0 : i32
    %dma_start3A_103 = arith.constant 0 : i32
    %dma_start3A_104 = tpu.memref_slice %arg2[%dma_start3A_102, %dma_start3A_103] : memref<10000x128xf32, #tpu.memory_space<hbm>> -> memref<10000x128xf32, #tpu.memory_space<hbm>>
    tpu.enqueue_indirect_dma source(%dma_start3A_104 : memref<10000x128xf32, #tpu.memory_space<hbm>>) target(%arg10 : memref<128x128xf32, #tpu.memory_space<vmem>>) offsets(%dma_start3A_101 : memref<128xi32, #tpu.memory_space<vmem>>) semaphore(%arg18 : memref<!tpu.dma_semaphore, #tpu.memory_space<semaphore_mem>>)
    %scan3A_105 = arith.constant 0 : i32
    %scan3A_106 = arith.constant 0 : i32
    %scan3A_107 = arith.constant 6 : i32
    %scan3A_108 = arith.addi %scan3A_106, %scan3A_107 : i32
    %scan3A_109 = arith.constant 1 : i32
    scf.for %scan3A_292 = %scan3A_106 to %scan3A_108 step %scan3A_109  : i32 {
      %mul3A_293 = arith.constant 12 : i32
      %mul3A_294 = arith.muli %mul3A_293, %scan3A_292 : i32
      %add3A_295 = arith.constant 0 : i32
      %add3A_296 = arith.addi %mul3A_294, %add3A_295 : i32
      %dma_wait3A_297 = arith.constant 0 : i32
      %dma_wait3A_298 = arith.constant 0 : i32
      %dma_wait3A_299 = arith.constant 0 : i32
      %dma_wait3A_300 = tpu.memref_slice %arg3[%dma_wait3A_297, %dma_wait3A_298, %dma_wait3A_299] : memref<2500x2x128xi32, #tpu.memory_space<hbm>> -> memref<1x2x128xi32, #tpu.memory_space<hbm>>
      %dma_wait3A_301 = tpu.memref_squeeze %dma_wait3A_300 : memref<1x2x128xi32, #tpu.memory_space<hbm>> -> memref<2x128xi32, #tpu.memory_space<hbm>>
      %dma_wait3A_302 = arith.constant 0 : i32
      %dma_wait3A_303 = arith.constant 0 : i32
      %dma_wait3A_304 = tpu.memref_slice %arg3[%dma_wait3A_297, %dma_wait3A_302, %dma_wait3A_303] : memref<2500x2x128xi32, #tpu.memory_space<hbm>> -> memref<1x2x128xi32, #tpu.memory_space<hbm>>
      %dma_wait3A_305 = tpu.memref_squeeze %dma_wait3A_304 : memref<1x2x128xi32, #tpu.memory_space<hbm>> -> memref<2x128xi32, #tpu.memory_space<hbm>>
      tpu.wait_dma2 semaphore(%arg15 : memref<!tpu.dma_semaphore, #tpu.memory_space<semaphore_mem>>) src(%dma_wait3A_305 : memref<2x128xi32, #tpu.memory_space<hbm>>) dst(%arg7 : memref<2x128xi32, #tpu.memory_space<vmem>>)
      %dma_start3A_306 = arith.constant 0 : i32
      %dma_start3A_307 = arith.constant 0 : i32
      %dma_start3A_308 = tpu.memref_slice %arg7[%dma_start3A_306, %dma_start3A_307] : memref<2x128xi32, #tpu.memory_space<vmem>> -> memref<1x128xi32, #tpu.memory_space<vmem>>
      %dma_start3A_309 = tpu.memref_squeeze %dma_start3A_308 : memref<1x128xi32, #tpu.memory_space<vmem>> -> memref<128xi32, #tpu.memory_space<vmem>>
      %dma_start3A_310 = arith.constant 0 : i32
      %dma_start3A_311 = arith.constant 0 : i32
      %dma_start3A_312 = tpu.memref_slice %arg2[%dma_start3A_310, %dma_start3A_311] : memref<10000x128xf32, #tpu.memory_space<hbm>> -> memref<10000x128xf32, #tpu.memory_space<hbm>>
      tpu.enqueue_indirect_dma source(%dma_start3A_312 : memref<10000x128xf32, #tpu.memory_space<hbm>>) target(%arg11 : memref<128x128xf32, #tpu.memory_space<vmem>>) offsets(%dma_start3A_309 : memref<128xi32, #tpu.memory_space<vmem>>) semaphore(%arg19 : memref<!tpu.dma_semaphore, #tpu.memory_space<semaphore_mem>>)
      %add3A_313 = arith.constant 3 : i32
      %add3A_314 = arith.addi %add3A_296, %add3A_313 : i32
      %add3A_315 = arith.addi %mul3A_2, %add3A_314 : i32
      %dma_start3A_316 = arith.constant 0 : i32
      %dma_start3A_317 = arith.constant 0 : i32
      %dma_start3A_318 = tpu.memref_slice %arg3[%add3A_315, %dma_start3A_316, %dma_start3A_317] : memref<2500x2x128xi32, #tpu.memory_space<hbm>> -> memref<1x2x128xi32, #tpu.memory_space<hbm>>
      %dma_start3A_319 = tpu.memref_squeeze %dma_start3A_318 : memref<1x2x128xi32, #tpu.memory_space<hbm>> -> memref<2x128xi32, #tpu.memory_space<hbm>>
      %dma_start3A_320 = arith.constant 0 : i32
      %dma_start3A_321 = arith.constant 0 : i32
      %dma_start3A_322 = tpu.memref_slice %arg3[%add3A_315, %dma_start3A_320, %dma_start3A_321] : memref<2500x2x128xi32, #tpu.memory_space<hbm>> -> memref<1x2x128xi32, #tpu.memory_space<hbm>>
      %dma_start3A_323 = tpu.memref_squeeze %dma_start3A_322 : memref<1x2x128xi32, #tpu.memory_space<hbm>> -> memref<2x128xi32, #tpu.memory_space<hbm>>
      tpu.enqueue_dma source(%dma_start3A_323 : memref<2x128xi32, #tpu.memory_space<hbm>>) target(%arg8 : memref<2x128xi32, #tpu.memory_space<vmem>>) target_semaphore(%arg16 : memref<!tpu.dma_semaphore, #tpu.memory_space<semaphore_mem>>)
      %dma_wait3A_324 = arith.constant 0 : i32
      %dma_wait3A_325 = arith.constant 0 : i32
      %dma_wait3A_326 = tpu.memref_slice %arg2[%dma_wait3A_324, %dma_wait3A_325] : memref<10000x128xf32, #tpu.memory_space<hbm>> -> memref<128x128xf32, #tpu.memory_space<hbm>>
      %dma_wait3A_327 = arith.constant 0 : i32
      %dma_wait3A_328 = arith.constant 0 : i32
      %dma_wait3A_329 = tpu.memref_slice %arg2[%dma_wait3A_327, %dma_wait3A_328] : memref<10000x128xf32, #tpu.memory_space<hbm>> -> memref<128x128xf32, #tpu.memory_space<hbm>>
      tpu.wait_dma2 semaphore(%arg17 : memref<!tpu.dma_semaphore, #tpu.memory_space<semaphore_mem>>) src(%dma_wait3A_329 : memref<128x128xf32, #tpu.memory_space<hbm>>) dst(%arg9 : memref<128x128xf32, #tpu.memory_space<vmem>>)
      %run_scoped3A_330 = arith.constant 1 : i32
      "tpu.region"() ({
        %run_scoped3A_749 = tpu.sem_alloc : memref<!tpu.dma_semaphore, #tpu.memory_space<semaphore_mem>>
        %dma_start3A_750 = arith.constant 0 : i32
        %dma_start3A_751 = tpu.memref_slice %arg5[%run_scoped3A_330, %dma_start3A_750] : memref<2x128xi32, #tpu.memory_space<vmem>> -> memref<1x128xi32, #tpu.memory_space<vmem>>
        %dma_start3A_752 = tpu.memref_squeeze %dma_start3A_751 : memref<1x128xi32, #tpu.memory_space<vmem>> -> memref<128xi32, #tpu.memory_space<vmem>>
        %dma_start3A_753 = arith.constant 0 : i32
        %dma_start3A_754 = arith.constant 0 : i32
        %dma_start3A_755 = tpu.memref_slice %arg12[%dma_start3A_753, %dma_start3A_754] : memref<10000x128xf32, #tpu.memory_space<vmem_shared>> -> memref<10000x128xf32, #tpu.memory_space<vmem_shared>>
        tpu.enqueue_indirect_dma source(%arg9 : memref<128x128xf32, #tpu.memory_space<vmem>>) target(%dma_start3A_755 : memref<10000x128xf32, #tpu.memory_space<vmem_shared>>) offsets(%dma_start3A_752 : memref<128xi32, #tpu.memory_space<vmem>>) semaphore(%run_scoped3A_749 : memref<!tpu.dma_semaphore, #tpu.memory_space<semaphore_mem>>) {add = true}
        %dma_wait3A_756 = arith.constant 0 : i32
        %dma_wait3A_757 = tpu.memref_slice %arg5[%run_scoped3A_330, %dma_wait3A_756] : memref<2x128xi32, #tpu.memory_space<vmem>> -> memref<1x128xi32, #tpu.memory_space<vmem>>
        %dma_wait3A_758 = tpu.memref_squeeze %dma_wait3A_757 : memref<1x128xi32, #tpu.memory_space<vmem>> -> memref<128xi32, #tpu.memory_space<vmem>>
        %dma_wait3A_759 = arith.constant 0 : i32
        %dma_wait3A_760 = arith.constant 0 : i32
        %dma_wait3A_761 = tpu.memref_slice %arg12[%dma_wait3A_759, %dma_wait3A_760] : memref<10000x128xf32, #tpu.memory_space<vmem_shared>> -> memref<10000x128xf32, #tpu.memory_space<vmem_shared>>
        tpu.wait_indirect_dma semaphore(%run_scoped3A_749 : memref<!tpu.dma_semaphore, #tpu.memory_space<semaphore_mem>>) src(%arg9 : memref<128x128xf32, #tpu.memory_space<vmem>>) dst(%dma_wait3A_761 : memref<10000x128xf32, #tpu.memory_space<vmem_shared>>)
        tpu.yield
      }) : () -> ()
      %mul3A_331 = arith.constant 12 : i32
      %mul3A_332 = arith.muli %mul3A_331, %scan3A_292 : i32
      %add3A_333 = arith.constant 1 : i32
      %add3A_334 = arith.addi %mul3A_332, %add3A_333 : i32
      %dma_wait3A_335 = arith.constant 0 : i32
      %dma_wait3A_336 = arith.constant 0 : i32
      %dma_wait3A_337 = arith.constant 0 : i32
      %dma_wait3A_338 = tpu.memref_slice %arg3[%dma_wait3A_335, %dma_wait3A_336, %dma_wait3A_337] : memref<2500x2x128xi32, #tpu.memory_space<hbm>> -> memref<1x2x128xi32, #tpu.memory_space<hbm>>
      %dma_wait3A_339 = tpu.memref_squeeze %dma_wait3A_338 : memref<1x2x128xi32, #tpu.memory_space<hbm>> -> memref<2x128xi32, #tpu.memory_space<hbm>>
      %dma_wait3A_340 = arith.constant 0 : i32
      %dma_wait3A_341 = arith.constant 0 : i32
      %dma_wait3A_342 = tpu.memref_slice %arg3[%dma_wait3A_335, %dma_wait3A_340, %dma_wait3A_341] : memref<2500x2x128xi32, #tpu.memory_space<hbm>> -> memref<1x2x128xi32, #tpu.memory_space<hbm>>
      %dma_wait3A_343 = tpu.memref_squeeze %dma_wait3A_342 : memref<1x2x128xi32, #tpu.memory_space<hbm>> -> memref<2x128xi32, #tpu.memory_space<hbm>>
      tpu.wait_dma2 semaphore(%arg16 : memref<!tpu.dma_semaphore, #tpu.memory_space<semaphore_mem>>) src(%dma_wait3A_343 : memref<2x128xi32, #tpu.memory_space<hbm>>) dst(%arg8 : memref<2x128xi32, #tpu.memory_space<vmem>>)
      %dma_start3A_344 = arith.constant 0 : i32
      %dma_start3A_345 = arith.constant 0 : i32
      %dma_start3A_346 = tpu.memref_slice %arg8[%dma_start3A_344, %dma_start3A_345] : memref<2x128xi32, #tpu.memory_space<vmem>> -> memref<1x128xi32, #tpu.memory_space<vmem>>
      %dma_start3A_347 = tpu.memref_squeeze %dma_start3A_346 : memref<1x128xi32, #tpu.memory_space<vmem>> -> memref<128xi32, #tpu.memory_space<vmem>>
      %dma_start3A_348 = arith.constant 0 : i32
      %dma_start3A_349 = arith.constant 0 : i32
      %dma_start3A_350 = tpu.memref_slice %arg2[%dma_start3A_348, %dma_start3A_349] : memref<10000x128xf32, #tpu.memory_space<hbm>> -> memref<10000x128xf32, #tpu.memory_space<hbm>>
      tpu.enqueue_indirect_dma source(%dma_start3A_350 : memref<10000x128xf32, #tpu.memory_space<hbm>>) target(%arg9 : memref<128x128xf32, #tpu.memory_space<vmem>>) offsets(%dma_start3A_347 : memref<128xi32, #tpu.memory_space<vmem>>) semaphore(%arg17 : memref<!tpu.dma_semaphore, #tpu.memory_space<semaphore_mem>>)
      %add3A_351 = arith.constant 3 : i32
      %add3A_352 = arith.addi %add3A_334, %add3A_351 : i32
      %add3A_353 = arith.addi %mul3A_2, %add3A_352 : i32
      %dma_start3A_354 = arith.constant 0 : i32
      %dma_start3A_355 = arith.constant 0 : i32
      %dma_start3A_356 = tpu.memref_slice %arg3[%add3A_353, %dma_start3A_354, %dma_start3A_355] : memref<2500x2x128xi32, #tpu.memory_space<hbm>> -> memref<1x2x128xi32, #tpu.memory_space<hbm>>
      %dma_start3A_357 = tpu.memref_squeeze %dma_start3A_356 : memref<1x2x128xi32, #tpu.memory_space<hbm>> -> memref<2x128xi32, #tpu.memory_space<hbm>>
      %dma_start3A_358 = arith.constant 0 : i32
      %dma_start3A_359 = arith.constant 0 : i32
      %dma_start3A_360 = tpu.memref_slice %arg3[%add3A_353, %dma_start3A_358, %dma_start3A_359] : memref<2500x2x128xi32, #tpu.memory_space<hbm>> -> memref<1x2x128xi32, #tpu.memory_space<hbm>>
      %dma_start3A_361 = tpu.memref_squeeze %dma_start3A_360 : memref<1x2x128xi32, #tpu.memory_space<hbm>> -> memref<2x128xi32, #tpu.memory_space<hbm>>
      tpu.enqueue_dma source(%dma_start3A_361 : memref<2x128xi32, #tpu.memory_space<hbm>>) target(%arg5 : memref<2x128xi32, #tpu.memory_space<vmem>>) target_semaphore(%arg13 : memref<!tpu.dma_semaphore, #tpu.memory_space<semaphore_mem>>)
      %dma_wait3A_362 = arith.constant 0 : i32
      %dma_wait3A_363 = arith.constant 0 : i32
      %dma_wait3A_364 = tpu.memref_slice %arg2[%dma_wait3A_362, %dma_wait3A_363] : memref<10000x128xf32, #tpu.memory_space<hbm>> -> memref<128x128xf32, #tpu.memory_space<hbm>>
      %dma_wait3A_365 = arith.constant 0 : i32
      %dma_wait3A_366 = arith.constant 0 : i32
      %dma_wait3A_367 = tpu.memref_slice %arg2[%dma_wait3A_365, %dma_wait3A_366] : memref<10000x128xf32, #tpu.memory_space<hbm>> -> memref<128x128xf32, #tpu.memory_space<hbm>>
      tpu.wait_dma2 semaphore(%arg18 : memref<!tpu.dma_semaphore, #tpu.memory_space<semaphore_mem>>) src(%dma_wait3A_367 : memref<128x128xf32, #tpu.memory_space<hbm>>) dst(%arg10 : memref<128x128xf32, #tpu.memory_space<vmem>>)
      %run_scoped3A_368 = arith.constant 1 : i32
      "tpu.region"() ({
        %run_scoped3A_749 = tpu.sem_alloc : memref<!tpu.dma_semaphore, #tpu.memory_space<semaphore_mem>>
        %dma_start3A_750 = arith.constant 0 : i32
        %dma_start3A_751 = tpu.memref_slice %arg6[%run_scoped3A_368, %dma_start3A_750] : memref<2x128xi32, #tpu.memory_space<vmem>> -> memref<1x128xi32, #tpu.memory_space<vmem>>
        %dma_start3A_752 = tpu.memref_squeeze %dma_start3A_751 : memref<1x128xi32, #tpu.memory_space<vmem>> -> memref<128xi32, #tpu.memory_space<vmem>>
        %dma_start3A_753 = arith.constant 0 : i32
        %dma_start3A_754 = arith.constant 0 : i32
        %dma_start3A_755 = tpu.memref_slice %arg12[%dma_start3A_753, %dma_start3A_754] : memref<10000x128xf32, #tpu.memory_space<vmem_shared>> -> memref<10000x128xf32, #tpu.memory_space<vmem_shared>>
        tpu.enqueue_indirect_dma source(%arg10 : memref<128x128xf32, #tpu.memory_space<vmem>>) target(%dma_start3A_755 : memref<10000x128xf32, #tpu.memory_space<vmem_shared>>) offsets(%dma_start3A_752 : memref<128xi32, #tpu.memory_space<vmem>>) semaphore(%run_scoped3A_749 : memref<!tpu.dma_semaphore, #tpu.memory_space<semaphore_mem>>) {add = true}
        %dma_wait3A_756 = arith.constant 0 : i32
        %dma_wait3A_757 = tpu.memref_slice %arg6[%run_scoped3A_368, %dma_wait3A_756] : memref<2x128xi32, #tpu.memory_space<vmem>> -> memref<1x128xi32, #tpu.memory_space<vmem>>
        %dma_wait3A_758 = tpu.memref_squeeze %dma_wait3A_757 : memref<1x128xi32, #tpu.memory_space<vmem>> -> memref<128xi32, #tpu.memory_space<vmem>>
        %dma_wait3A_759 = arith.constant 0 : i32
        %dma_wait3A_760 = arith.constant 0 : i32
        %dma_wait3A_761 = tpu.memref_slice %arg12[%dma_wait3A_759, %dma_wait3A_760] : memref<10000x128xf32, #tpu.memory_space<vmem_shared>> -> memref<10000x128xf32, #tpu.memory_space<vmem_shared>>
        tpu.wait_indirect_dma semaphore(%run_scoped3A_749 : memref<!tpu.dma_semaphore, #tpu.memory_space<semaphore_mem>>) src(%arg10 : memref<128x128xf32, #tpu.memory_space<vmem>>) dst(%dma_wait3A_761 : memref<10000x128xf32, #tpu.memory_space<vmem_shared>>)
        tpu.yield
      }) : () -> ()
      %mul3A_369 = arith.constant 12 : i32
      %mul3A_370 = arith.muli %mul3A_369, %scan3A_292 : i32
      %add3A_371 = arith.constant 2 : i32
      %add3A_372 = arith.addi %mul3A_370, %add3A_371 : i32
      %dma_wait3A_373 = arith.constant 0 : i32
      %dma_wait3A_374 = arith.constant 0 : i32
      %dma_wait3A_375 = arith.constant 0 : i32
      %dma_wait3A_376 = tpu.memref_slice %arg3[%dma_wait3A_373, %dma_wait3A_374, %dma_wait3A_375] : memref<2500x2x128xi32, #tpu.memory_space<hbm>> -> memref<1x2x128xi32, #tpu.memory_space<hbm>>
      %dma_wait3A_377 = tpu.memref_squeeze %dma_wait3A_376 : memref<1x2x128xi32, #tpu.memory_space<hbm>> -> memref<2x128xi32, #tpu.memory_space<hbm>>
      %dma_wait3A_378 = arith.constant 0 : i32
      %dma_wait3A_379 = arith.constant 0 : i32
      %dma_wait3A_380 = tpu.memref_slice %arg3[%dma_wait3A_373, %dma_wait3A_378, %dma_wait3A_379] : memref<2500x2x128xi32, #tpu.memory_space<hbm>> -> memref<1x2x128xi32, #tpu.memory_space<hbm>>
      %dma_wait3A_381 = tpu.memref_squeeze %dma_wait3A_380 : memref<1x2x128xi32, #tpu.memory_space<hbm>> -> memref<2x128xi32, #tpu.memory_space<hbm>>
      tpu.wait_dma2 semaphore(%arg13 : memref<!tpu.dma_semaphore, #tpu.memory_space<semaphore_mem>>) src(%dma_wait3A_381 : memref<2x128xi32, #tpu.memory_space<hbm>>) dst(%arg5 : memref<2x128xi32, #tpu.memory_space<vmem>>)
      %dma_start3A_382 = arith.constant 0 : i32
      %dma_start3A_383 = arith.constant 0 : i32
      %dma_start3A_384 = tpu.memref_slice %arg5[%dma_start3A_382, %dma_start3A_383] : memref<2x128xi32, #tpu.memory_space<vmem>> -> memref<1x128xi32, #tpu.memory_space<vmem>>
      %dma_start3A_385 = tpu.memref_squeeze %dma_start3A_384 : memref<1x128xi32, #tpu.memory_space<vmem>> -> memref<128xi32, #tpu.memory_space<vmem>>
      %dma_start3A_386 = arith.constant 0 : i32
      %dma_start3A_387 = arith.constant 0 : i32
      %dma_start3A_388 = tpu.memref_slice %arg2[%dma_start3A_386, %dma_start3A_387] : memref<10000x128xf32, #tpu.memory_space<hbm>> -> memref<10000x128xf32, #tpu.memory_space<hbm>>
      tpu.enqueue_indirect_dma source(%dma_start3A_388 : memref<10000x128xf32, #tpu.memory_space<hbm>>) target(%arg10 : memref<128x128xf32, #tpu.memory_space<vmem>>) offsets(%dma_start3A_385 : memref<128xi32, #tpu.memory_space<vmem>>) semaphore(%arg18 : memref<!tpu.dma_semaphore, #tpu.memory_space<semaphore_mem>>)
      %add3A_389 = arith.constant 3 : i32
      %add3A_390 = arith.addi %add3A_372, %add3A_389 : i32
      %add3A_391 = arith.addi %mul3A_2, %add3A_390 : i32
      %dma_start3A_392 = arith.constant 0 : i32
      %dma_start3A_393 = arith.constant 0 : i32
      %dma_start3A_394 = tpu.memref_slice %arg3[%add3A_391, %dma_start3A_392, %dma_start3A_393] : memref<2500x2x128xi32, #tpu.memory_space<hbm>> -> memref<1x2x128xi32, #tpu.memory_space<hbm>>
      %dma_start3A_395 = tpu.memref_squeeze %dma_start3A_394 : memref<1x2x128xi32, #tpu.memory_space<hbm>> -> memref<2x128xi32, #tpu.memory_space<hbm>>
      %dma_start3A_396 = arith.constant 0 : i32
      %dma_start3A_397 = arith.constant 0 : i32
      %dma_start3A_398 = tpu.memref_slice %arg3[%add3A_391, %dma_start3A_396, %dma_start3A_397] : memref<2500x2x128xi32, #tpu.memory_space<hbm>> -> memref<1x2x128xi32, #tpu.memory_space<hbm>>
      %dma_start3A_399 = tpu.memref_squeeze %dma_start3A_398 : memref<1x2x128xi32, #tpu.memory_space<hbm>> -> memref<2x128xi32, #tpu.memory_space<hbm>>
      tpu.enqueue_dma source(%dma_start3A_399 : memref<2x128xi32, #tpu.memory_space<hbm>>) target(%arg6 : memref<2x128xi32, #tpu.memory_space<vmem>>) target_semaphore(%arg14 : memref<!tpu.dma_semaphore, #tpu.memory_space<semaphore_mem>>)
      %dma_wait3A_400 = arith.constant 0 : i32
      %dma_wait3A_401 = arith.constant 0 : i32
      %dma_wait3A_402 = tpu.memref_slice %arg2[%dma_wait3A_400, %dma_wait3A_401] : memref<10000x128xf32, #tpu.memory_space<hbm>> -> memref<128x128xf32, #tpu.memory_space<hbm>>
      %dma_wait3A_403 = arith.constant 0 : i32
      %dma_wait3A_404 = arith.constant 0 : i32
      %dma_wait3A_405 = tpu.memref_slice %arg2[%dma_wait3A_403, %dma_wait3A_404] : memref<10000x128xf32, #tpu.memory_space<hbm>> -> memref<128x128xf32, #tpu.memory_space<hbm>>
      tpu.wait_dma2 semaphore(%arg19 : memref<!tpu.dma_semaphore, #tpu.memory_space<semaphore_mem>>) src(%dma_wait3A_405 : memref<128x128xf32, #tpu.memory_space<hbm>>) dst(%arg11 : memref<128x128xf32, #tpu.memory_space<vmem>>)
      %run_scoped3A_406 = arith.constant 1 : i32
      "tpu.region"() ({
        %run_scoped3A_749 = tpu.sem_alloc : memref<!tpu.dma_semaphore, #tpu.memory_space<semaphore_mem>>
        %dma_start3A_750 = arith.constant 0 : i32
        %dma_start3A_751 = tpu.memref_slice %arg7[%run_scoped3A_406, %dma_start3A_750] : memref<2x128xi32, #tpu.memory_space<vmem>> -> memref<1x128xi32, #tpu.memory_space<vmem>>
        %dma_start3A_752 = tpu.memref_squeeze %dma_start3A_751 : memref<1x128xi32, #tpu.memory_space<vmem>> -> memref<128xi32, #tpu.memory_space<vmem>>
        %dma_start3A_753 = arith.constant 0 : i32
        %dma_start3A_754 = arith.constant 0 : i32
        %dma_start3A_755 = tpu.memref_slice %arg12[%dma_start3A_753, %dma_start3A_754] : memref<10000x128xf32, #tpu.memory_space<vmem_shared>> -> memref<10000x128xf32, #tpu.memory_space<vmem_shared>>
        tpu.enqueue_indirect_dma source(%arg11 : memref<128x128xf32, #tpu.memory_space<vmem>>) target(%dma_start3A_755 : memref<10000x128xf32, #tpu.memory_space<vmem_shared>>) offsets(%dma_start3A_752 : memref<128xi32, #tpu.memory_space<vmem>>) semaphore(%run_scoped3A_749 : memref<!tpu.dma_semaphore, #tpu.memory_space<semaphore_mem>>) {add = true}
        %dma_wait3A_756 = arith.constant 0 : i32
        %dma_wait3A_757 = tpu.memref_slice %arg7[%run_scoped3A_406, %dma_wait3A_756] : memref<2x128xi32, #tpu.memory_space<vmem>> -> memref<1x128xi32, #tpu.memory_space<vmem>>
        %dma_wait3A_758 = tpu.memref_squeeze %dma_wait3A_757 : memref<1x128xi32, #tpu.memory_space<vmem>> -> memref<128xi32, #tpu.memory_space<vmem>>
        %dma_wait3A_759 = arith.constant 0 : i32
        %dma_wait3A_760 = arith.constant 0 : i32
        %dma_wait3A_761 = tpu.memref_slice %arg12[%dma_wait3A_759, %dma_wait3A_760] : memref<10000x128xf32, #tpu.memory_space<vmem_shared>> -> memref<10000x128xf32, #tpu.memory_space<vmem_shared>>
        tpu.wait_indirect_dma semaphore(%run_scoped3A_749 : memref<!tpu.dma_semaphore, #tpu.memory_space<semaphore_mem>>) src(%arg11 : memref<128x128xf32, #tpu.memory_space<vmem>>) dst(%dma_wait3A_761 : memref<10000x128xf32, #tpu.memory_space<vmem_shared>>)
        tpu.yield
      }) : () -> ()
      %mul3A_407 = arith.constant 12 : i32
      %mul3A_408 = arith.muli %mul3A_407, %scan3A_292 : i32
      %add3A_409 = arith.constant 3 : i32
      %add3A_410 = arith.addi %mul3A_408, %add3A_409 : i32
      %dma_wait3A_411 = arith.constant 0 : i32
      %dma_wait3A_412 = arith.constant 0 : i32
      %dma_wait3A_413 = arith.constant 0 : i32
      %dma_wait3A_414 = tpu.memref_slice %arg3[%dma_wait3A_411, %dma_wait3A_412, %dma_wait3A_413] : memref<2500x2x128xi32, #tpu.memory_space<hbm>> -> memref<1x2x128xi32, #tpu.memory_space<hbm>>
      %dma_wait3A_415 = tpu.memref_squeeze %dma_wait3A_414 : memref<1x2x128xi32, #tpu.memory_space<hbm>> -> memref<2x128xi32, #tpu.memory_space<hbm>>
      %dma_wait3A_416 = arith.constant 0 : i32
      %dma_wait3A_417 = arith.constant 0 : i32
      %dma_wait3A_418 = tpu.memref_slice %arg3[%dma_wait3A_411, %dma_wait3A_416, %dma_wait3A_417] : memref<2500x2x128xi32, #tpu.memory_space<hbm>> -> memref<1x2x128xi32, #tpu.memory_space<hbm>>
      %dma_wait3A_419 = tpu.memref_squeeze %dma_wait3A_418 : memref<1x2x128xi32, #tpu.memory_space<hbm>> -> memref<2x128xi32, #tpu.memory_space<hbm>>
      tpu.wait_dma2 semaphore(%arg14 : memref<!tpu.dma_semaphore, #tpu.memory_space<semaphore_mem>>) src(%dma_wait3A_419 : memref<2x128xi32, #tpu.memory_space<hbm>>) dst(%arg6 : memref<2x128xi32, #tpu.memory_space<vmem>>)
      %dma_start3A_420 = arith.constant 0 : i32
      %dma_start3A_421 = arith.constant 0 : i32
      %dma_start3A_422 = tpu.memref_slice %arg6[%dma_start3A_420, %dma_start3A_421] : memref<2x128xi32, #tpu.memory_space<vmem>> -> memref<1x128xi32, #tpu.memory_space<vmem>>
      %dma_start3A_423 = tpu.memref_squeeze %dma_start3A_422 : memref<1x128xi32, #tpu.memory_space<vmem>> -> memref<128xi32, #tpu.memory_space<vmem>>
      %dma_start3A_424 = arith.constant 0 : i32
      %dma_start3A_425 = arith.constant 0 : i32
      %dma_start3A_426 = tpu.memref_slice %arg2[%dma_start3A_424, %dma_start3A_425] : memref<10000x128xf32, #tpu.memory_space<hbm>> -> memref<10000x128xf32, #tpu.memory_space<hbm>>
      tpu.enqueue_indirect_dma source(%dma_start3A_426 : memref<10000x128xf32, #tpu.memory_space<hbm>>) target(%arg11 : memref<128x128xf32, #tpu.memory_space<vmem>>) offsets(%dma_start3A_423 : memref<128xi32, #tpu.memory_space<vmem>>) semaphore(%arg19 : memref<!tpu.dma_semaphore, #tpu.memory_space<semaphore_mem>>)
      %add3A_427 = arith.constant 3 : i32
      %add3A_428 = arith.addi %add3A_410, %add3A_427 : i32
      %add3A_429 = arith.addi %mul3A_2, %add3A_428 : i32
      %dma_start3A_430 = arith.constant 0 : i32
      %dma_start3A_431 = arith.constant 0 : i32
      %dma_start3A_432 = tpu.memref_slice %arg3[%add3A_429, %dma_start3A_430, %dma_start3A_431] : memref<2500x2x128xi32, #tpu.memory_space<hbm>> -> memref<1x2x128xi32, #tpu.memory_space<hbm>>
      %dma_start3A_433 = tpu.memref_squeeze %dma_start3A_432 : memref<1x2x128xi32, #tpu.memory_space<hbm>> -> memref<2x128xi32, #tpu.memory_space<hbm>>
      %dma_start3A_434 = arith.constant 0 : i32
      %dma_start3A_435 = arith.constant 0 : i32
      %dma_start3A_436 = tpu.memref_slice %arg3[%add3A_429, %dma_start3A_434, %dma_start3A_435] : memref<2500x2x128xi32, #tpu.memory_space<hbm>> -> memref<1x2x128xi32, #tpu.memory_space<hbm>>
      %dma_start3A_437 = tpu.memref_squeeze %dma_start3A_436 : memref<1x2x128xi32, #tpu.memory_space<hbm>> -> memref<2x128xi32, #tpu.memory_space<hbm>>
      tpu.enqueue_dma source(%dma_start3A_437 : memref<2x128xi32, #tpu.memory_space<hbm>>) target(%arg7 : memref<2x128xi32, #tpu.memory_space<vmem>>) target_semaphore(%arg15 : memref<!tpu.dma_semaphore, #tpu.memory_space<semaphore_mem>>)
      %dma_wait3A_438 = arith.constant 0 : i32
      %dma_wait3A_439 = arith.constant 0 : i32
      %dma_wait3A_440 = tpu.memref_slice %arg2[%dma_wait3A_438, %dma_wait3A_439] : memref<10000x128xf32, #tpu.memory_space<hbm>> -> memref<128x128xf32, #tpu.memory_space<hbm>>
      %dma_wait3A_441 = arith.constant 0 : i32
      %dma_wait3A_442 = arith.constant 0 : i32
      %dma_wait3A_443 = tpu.memref_slice %arg2[%dma_wait3A_441, %dma_wait3A_442] : memref<10000x128xf32, #tpu.memory_space<hbm>> -> memref<128x128xf32, #tpu.memory_space<hbm>>
      tpu.wait_dma2 semaphore(%arg17 : memref<!tpu.dma_semaphore, #tpu.memory_space<semaphore_mem>>) src(%dma_wait3A_443 : memref<128x128xf32, #tpu.memory_space<hbm>>) dst(%arg9 : memref<128x128xf32, #tpu.memory_space<vmem>>)
      %run_scoped3A_444 = arith.constant 1 : i32
      "tpu.region"() ({
        %run_scoped3A_749 = tpu.sem_alloc : memref<!tpu.dma_semaphore, #tpu.memory_space<semaphore_mem>>
        %dma_start3A_750 = arith.constant 0 : i32
        %dma_start3A_751 = tpu.memref_slice %arg8[%run_scoped3A_444, %dma_start3A_750] : memref<2x128xi32, #tpu.memory_space<vmem>> -> memref<1x128xi32, #tpu.memory_space<vmem>>
        %dma_start3A_752 = tpu.memref_squeeze %dma_start3A_751 : memref<1x128xi32, #tpu.memory_space<vmem>> -> memref<128xi32, #tpu.memory_space<vmem>>
        %dma_start3A_753 = arith.constant 0 : i32
        %dma_start3A_754 = arith.constant 0 : i32
        %dma_start3A_755 = tpu.memref_slice %arg12[%dma_start3A_753, %dma_start3A_754] : memref<10000x128xf32, #tpu.memory_space<vmem_shared>> -> memref<10000x128xf32, #tpu.memory_space<vmem_shared>>
        tpu.enqueue_indirect_dma source(%arg9 : memref<128x128xf32, #tpu.memory_space<vmem>>) target(%dma_start3A_755 : memref<10000x128xf32, #tpu.memory_space<vmem_shared>>) offsets(%dma_start3A_752 : memref<128xi32, #tpu.memory_space<vmem>>) semaphore(%run_scoped3A_749 : memref<!tpu.dma_semaphore, #tpu.memory_space<semaphore_mem>>) {add = true}
        %dma_wait3A_756 = arith.constant 0 : i32
        %dma_wait3A_757 = tpu.memref_slice %arg8[%run_scoped3A_444, %dma_wait3A_756] : memref<2x128xi32, #tpu.memory_space<vmem>> -> memref<1x128xi32, #tpu.memory_space<vmem>>
        %dma_wait3A_758 = tpu.memref_squeeze %dma_wait3A_757 : memref<1x128xi32, #tpu.memory_space<vmem>> -> memref<128xi32, #tpu.memory_space<vmem>>
        %dma_wait3A_759 = arith.constant 0 : i32
        %dma_wait3A_760 = arith.constant 0 : i32
        %dma_wait3A_761 = tpu.memref_slice %arg12[%dma_wait3A_759, %dma_wait3A_760] : memref<10000x128xf32, #tpu.memory_space<vmem_shared>> -> memref<10000x128xf32, #tpu.memory_space<vmem_shared>>
        tpu.wait_indirect_dma semaphore(%run_scoped3A_749 : memref<!tpu.dma_semaphore, #tpu.memory_space<semaphore_mem>>) src(%arg9 : memref<128x128xf32, #tpu.memory_space<vmem>>) dst(%dma_wait3A_761 : memref<10000x128xf32, #tpu.memory_space<vmem_shared>>)
        tpu.yield
      }) : () -> ()
      %mul3A_445 = arith.constant 12 : i32
      %mul3A_446 = arith.muli %mul3A_445, %scan3A_292 : i32
      %add3A_447 = arith.constant 4 : i32
      %add3A_448 = arith.addi %mul3A_446, %add3A_447 : i32
      %dma_wait3A_449 = arith.constant 0 : i32
      %dma_wait3A_450 = arith.constant 0 : i32
      %dma_wait3A_451 = arith.constant 0 : i32
      %dma_wait3A_452 = tpu.memref_slice %arg3[%dma_wait3A_449, %dma_wait3A_450, %dma_wait3A_451] : memref<2500x2x128xi32, #tpu.memory_space<hbm>> -> memref<1x2x128xi32, #tpu.memory_space<hbm>>
      %dma_wait3A_453 = tpu.memref_squeeze %dma_wait3A_452 : memref<1x2x128xi32, #tpu.memory_space<hbm>> -> memref<2x128xi32, #tpu.memory_space<hbm>>
      %dma_wait3A_454 = arith.constant 0 : i32
      %dma_wait3A_455 = arith.constant 0 : i32
      %dma_wait3A_456 = tpu.memref_slice %arg3[%dma_wait3A_449, %dma_wait3A_454, %dma_wait3A_455] : memref<2500x2x128xi32, #tpu.memory_space<hbm>> -> memref<1x2x128xi32, #tpu.memory_space<hbm>>
      %dma_wait3A_457 = tpu.memref_squeeze %dma_wait3A_456 : memref<1x2x128xi32, #tpu.memory_space<hbm>> -> memref<2x128xi32, #tpu.memory_space<hbm>>
      tpu.wait_dma2 semaphore(%arg15 : memref<!tpu.dma_semaphore, #tpu.memory_space<semaphore_mem>>) src(%dma_wait3A_457 : memref<2x128xi32, #tpu.memory_space<hbm>>) dst(%arg7 : memref<2x128xi32, #tpu.memory_space<vmem>>)
      %dma_start3A_458 = arith.constant 0 : i32
      %dma_start3A_459 = arith.constant 0 : i32
      %dma_start3A_460 = tpu.memref_slice %arg7[%dma_start3A_458, %dma_start3A_459] : memref<2x128xi32, #tpu.memory_space<vmem>> -> memref<1x128xi32, #tpu.memory_space<vmem>>
      %dma_start3A_461 = tpu.memref_squeeze %dma_start3A_460 : memref<1x128xi32, #tpu.memory_space<vmem>> -> memref<128xi32, #tpu.memory_space<vmem>>
      %dma_start3A_462 = arith.constant 0 : i32
      %dma_start3A_463 = arith.constant 0 : i32
      %dma_start3A_464 = tpu.memref_slice %arg2[%dma_start3A_462, %dma_start3A_463] : memref<10000x128xf32, #tpu.memory_space<hbm>> -> memref<10000x128xf32, #tpu.memory_space<hbm>>
      tpu.enqueue_indirect_dma source(%dma_start3A_464 : memref<10000x128xf32, #tpu.memory_space<hbm>>) target(%arg9 : memref<128x128xf32, #tpu.memory_space<vmem>>) offsets(%dma_start3A_461 : memref<128xi32, #tpu.memory_space<vmem>>) semaphore(%arg17 : memref<!tpu.dma_semaphore, #tpu.memory_space<semaphore_mem>>)
      %add3A_465 = arith.constant 3 : i32
      %add3A_466 = arith.addi %add3A_448, %add3A_465 : i32
      %add3A_467 = arith.addi %mul3A_2, %add3A_466 : i32
      %dma_start3A_468 = arith.constant 0 : i32
      %dma_start3A_469 = arith.constant 0 : i32
      %dma_start3A_470 = tpu.memref_slice %arg3[%add3A_467, %dma_start3A_468, %dma_start3A_469] : memref<2500x2x128xi32, #tpu.memory_space<hbm>> -> memref<1x2x128xi32, #tpu.memory_space<hbm>>
      %dma_start3A_471 = tpu.memref_squeeze %dma_start3A_470 : memref<1x2x128xi32, #tpu.memory_space<hbm>> -> memref<2x128xi32, #tpu.memory_space<hbm>>
      %dma_start3A_472 = arith.constant 0 : i32
      %dma_start3A_473 = arith.constant 0 : i32
      %dma_start3A_474 = tpu.memref_slice %arg3[%add3A_467, %dma_start3A_472, %dma_start3A_473] : memref<2500x2x128xi32, #tpu.memory_space<hbm>> -> memref<1x2x128xi32, #tpu.memory_space<hbm>>
      %dma_start3A_475 = tpu.memref_squeeze %dma_start3A_474 : memref<1x2x128xi32, #tpu.memory_space<hbm>> -> memref<2x128xi32, #tpu.memory_space<hbm>>
      tpu.enqueue_dma source(%dma_start3A_475 : memref<2x128xi32, #tpu.memory_space<hbm>>) target(%arg8 : memref<2x128xi32, #tpu.memory_space<vmem>>) target_semaphore(%arg16 : memref<!tpu.dma_semaphore, #tpu.memory_space<semaphore_mem>>)
      %dma_wait3A_476 = arith.constant 0 : i32
      %dma_wait3A_477 = arith.constant 0 : i32
      %dma_wait3A_478 = tpu.memref_slice %arg2[%dma_wait3A_476, %dma_wait3A_477] : memref<10000x128xf32, #tpu.memory_space<hbm>> -> memref<128x128xf32, #tpu.memory_space<hbm>>
      %dma_wait3A_479 = arith.constant 0 : i32
      %dma_wait3A_480 = arith.constant 0 : i32
      %dma_wait3A_481 = tpu.memref_slice %arg2[%dma_wait3A_479, %dma_wait3A_480] : memref<10000x128xf32, #tpu.memory_space<hbm>> -> memref<128x128xf32, #tpu.memory_space<hbm>>
      tpu.wait_dma2 semaphore(%arg18 : memref<!tpu.dma_semaphore, #tpu.memory_space<semaphore_mem>>) src(%dma_wait3A_481 : memref<128x128xf32, #tpu.memory_space<hbm>>) dst(%arg10 : memref<128x128xf32, #tpu.memory_space<vmem>>)
      %run_scoped3A_482 = arith.constant 1 : i32
      "tpu.region"() ({
        %run_scoped3A_749 = tpu.sem_alloc : memref<!tpu.dma_semaphore, #tpu.memory_space<semaphore_mem>>
        %dma_start3A_750 = arith.constant 0 : i32
        %dma_start3A_751 = tpu.memref_slice %arg5[%run_scoped3A_482, %dma_start3A_750] : memref<2x128xi32, #tpu.memory_space<vmem>> -> memref<1x128xi32, #tpu.memory_space<vmem>>
        %dma_start3A_752 = tpu.memref_squeeze %dma_start3A_751 : memref<1x128xi32, #tpu.memory_space<vmem>> -> memref<128xi32, #tpu.memory_space<vmem>>
        %dma_start3A_753 = arith.constant 0 : i32
        %dma_start3A_754 = arith.constant 0 : i32
        %dma_start3A_755 = tpu.memref_slice %arg12[%dma_start3A_753, %dma_start3A_754] : memref<10000x128xf32, #tpu.memory_space<vmem_shared>> -> memref<10000x128xf32, #tpu.memory_space<vmem_shared>>
        tpu.enqueue_indirect_dma source(%arg10 : memref<128x128xf32, #tpu.memory_space<vmem>>) target(%dma_start3A_755 : memref<10000x128xf32, #tpu.memory_space<vmem_shared>>) offsets(%dma_start3A_752 : memref<128xi32, #tpu.memory_space<vmem>>) semaphore(%run_scoped3A_749 : memref<!tpu.dma_semaphore, #tpu.memory_space<semaphore_mem>>) {add = true}
        %dma_wait3A_756 = arith.constant 0 : i32
        %dma_wait3A_757 = tpu.memref_slice %arg5[%run_scoped3A_482, %dma_wait3A_756] : memref<2x128xi32, #tpu.memory_space<vmem>> -> memref<1x128xi32, #tpu.memory_space<vmem>>
        %dma_wait3A_758 = tpu.memref_squeeze %dma_wait3A_757 : memref<1x128xi32, #tpu.memory_space<vmem>> -> memref<128xi32, #tpu.memory_space<vmem>>
        %dma_wait3A_759 = arith.constant 0 : i32
        %dma_wait3A_760 = arith.constant 0 : i32
        %dma_wait3A_761 = tpu.memref_slice %arg12[%dma_wait3A_759, %dma_wait3A_760] : memref<10000x128xf32, #tpu.memory_space<vmem_shared>> -> memref<10000x128xf32, #tpu.memory_space<vmem_shared>>
        tpu.wait_indirect_dma semaphore(%run_scoped3A_749 : memref<!tpu.dma_semaphore, #tpu.memory_space<semaphore_mem>>) src(%arg10 : memref<128x128xf32, #tpu.memory_space<vmem>>) dst(%dma_wait3A_761 : memref<10000x128xf32, #tpu.memory_space<vmem_shared>>)
        tpu.yield
      }) : () -> ()
      %mul3A_483 = arith.constant 12 : i32
      %mul3A_484 = arith.muli %mul3A_483, %scan3A_292 : i32
      %add3A_485 = arith.constant 5 : i32
      %add3A_486 = arith.addi %mul3A_484, %add3A_485 : i32
      %dma_wait3A_487 = arith.constant 0 : i32
      %dma_wait3A_488 = arith.constant 0 : i32
      %dma_wait3A_489 = arith.constant 0 : i32
      %dma_wait3A_490 = tpu.memref_slice %arg3[%dma_wait3A_487, %dma_wait3A_488, %dma_wait3A_489] : memref<2500x2x128xi32, #tpu.memory_space<hbm>> -> memref<1x2x128xi32, #tpu.memory_space<hbm>>
      %dma_wait3A_491 = tpu.memref_squeeze %dma_wait3A_490 : memref<1x2x128xi32, #tpu.memory_space<hbm>> -> memref<2x128xi32, #tpu.memory_space<hbm>>
      %dma_wait3A_492 = arith.constant 0 : i32
      %dma_wait3A_493 = arith.constant 0 : i32
      %dma_wait3A_494 = tpu.memref_slice %arg3[%dma_wait3A_487, %dma_wait3A_492, %dma_wait3A_493] : memref<2500x2x128xi32, #tpu.memory_space<hbm>> -> memref<1x2x128xi32, #tpu.memory_space<hbm>>
      %dma_wait3A_495 = tpu.memref_squeeze %dma_wait3A_494 : memref<1x2x128xi32, #tpu.memory_space<hbm>> -> memref<2x128xi32, #tpu.memory_space<hbm>>
      tpu.wait_dma2 semaphore(%arg16 : memref<!tpu.dma_semaphore, #tpu.memory_space<semaphore_mem>>) src(%dma_wait3A_495 : memref<2x128xi32, #tpu.memory_space<hbm>>) dst(%arg8 : memref<2x128xi32, #tpu.memory_space<vmem>>)
      %dma_start3A_496 = arith.constant 0 : i32
      %dma_start3A_497 = arith.constant 0 : i32
      %dma_start3A_498 = tpu.memref_slice %arg8[%dma_start3A_496, %dma_start3A_497] : memref<2x128xi32, #tpu.memory_space<vmem>> -> memref<1x128xi32, #tpu.memory_space<vmem>>
      %dma_start3A_499 = tpu.memref_squeeze %dma_start3A_498 : memref<1x128xi32, #tpu.memory_space<vmem>> -> memref<128xi32, #tpu.memory_space<vmem>>
      %dma_start3A_500 = arith.constant 0 : i32
      %dma_start3A_501 = arith.constant 0 : i32
      %dma_start3A_502 = tpu.memref_slice %arg2[%dma_start3A_500, %dma_start3A_501] : memref<10000x128xf32, #tpu.memory_space<hbm>> -> memref<10000x128xf32, #tpu.memory_space<hbm>>
      tpu.enqueue_indirect_dma source(%dma_start3A_502 : memref<10000x128xf32, #tpu.memory_space<hbm>>) target(%arg10 : memref<128x128xf32, #tpu.memory_space<vmem>>) offsets(%dma_start3A_499 : memref<128xi32, #tpu.memory_space<vmem>>) semaphore(%arg18 : memref<!tpu.dma_semaphore, #tpu.memory_space<semaphore_mem>>)
      %add3A_503 = arith.constant 3 : i32
      %add3A_504 = arith.addi %add3A_486, %add3A_503 : i32
      %add3A_505 = arith.addi %mul3A_2, %add3A_504 : i32
      %dma_start3A_506 = arith.constant 0 : i32
      %dma_start3A_507 = arith.constant 0 : i32
      %dma_start3A_508 = tpu.memref_slice %arg3[%add3A_505, %dma_start3A_506, %dma_start3A_507] : memref<2500x2x128xi32, #tpu.memory_space<hbm>> -> memref<1x2x128xi32, #tpu.memory_space<hbm>>
      %dma_start3A_509 = tpu.memref_squeeze %dma_start3A_508 : memref<1x2x128xi32, #tpu.memory_space<hbm>> -> memref<2x128xi32, #tpu.memory_space<hbm>>
      %dma_start3A_510 = arith.constant 0 : i32
      %dma_start3A_511 = arith.constant 0 : i32
      %dma_start3A_512 = tpu.memref_slice %arg3[%add3A_505, %dma_start3A_510, %dma_start3A_511] : memref<2500x2x128xi32, #tpu.memory_space<hbm>> -> memref<1x2x128xi32, #tpu.memory_space<hbm>>
      %dma_start3A_513 = tpu.memref_squeeze %dma_start3A_512 : memref<1x2x128xi32, #tpu.memory_space<hbm>> -> memref<2x128xi32, #tpu.memory_space<hbm>>
      tpu.enqueue_dma source(%dma_start3A_513 : memref<2x128xi32, #tpu.memory_space<hbm>>) target(%arg5 : memref<2x128xi32, #tpu.memory_space<vmem>>) target_semaphore(%arg13 : memref<!tpu.dma_semaphore, #tpu.memory_space<semaphore_mem>>)
      %dma_wait3A_514 = arith.constant 0 : i32
      %dma_wait3A_515 = arith.constant 0 : i32
      %dma_wait3A_516 = tpu.memref_slice %arg2[%dma_wait3A_514, %dma_wait3A_515] : memref<10000x128xf32, #tpu.memory_space<hbm>> -> memref<128x128xf32, #tpu.memory_space<hbm>>
      %dma_wait3A_517 = arith.constant 0 : i32
      %dma_wait3A_518 = arith.constant 0 : i32
      %dma_wait3A_519 = tpu.memref_slice %arg2[%dma_wait3A_517, %dma_wait3A_518] : memref<10000x128xf32, #tpu.memory_space<hbm>> -> memref<128x128xf32, #tpu.memory_space<hbm>>
      tpu.wait_dma2 semaphore(%arg19 : memref<!tpu.dma_semaphore, #tpu.memory_space<semaphore_mem>>) src(%dma_wait3A_519 : memref<128x128xf32, #tpu.memory_space<hbm>>) dst(%arg11 : memref<128x128xf32, #tpu.memory_space<vmem>>)
      %run_scoped3A_520 = arith.constant 1 : i32
      "tpu.region"() ({
        %run_scoped3A_749 = tpu.sem_alloc : memref<!tpu.dma_semaphore, #tpu.memory_space<semaphore_mem>>
        %dma_start3A_750 = arith.constant 0 : i32
        %dma_start3A_751 = tpu.memref_slice %arg6[%run_scoped3A_520, %dma_start3A_750] : memref<2x128xi32, #tpu.memory_space<vmem>> -> memref<1x128xi32, #tpu.memory_space<vmem>>
        %dma_start3A_752 = tpu.memref_squeeze %dma_start3A_751 : memref<1x128xi32, #tpu.memory_space<vmem>> -> memref<128xi32, #tpu.memory_space<vmem>>
        %dma_start3A_753 = arith.constant 0 : i32
        %dma_start3A_754 = arith.constant 0 : i32
        %dma_start3A_755 = tpu.memref_slice %arg12[%dma_start3A_753, %dma_start3A_754] : memref<10000x128xf32, #tpu.memory_space<vmem_shared>> -> memref<10000x128xf32, #tpu.memory_space<vmem_shared>>
        tpu.enqueue_indirect_dma source(%arg11 : memref<128x128xf32, #tpu.memory_space<vmem>>) target(%dma_start3A_755 : memref<10000x128xf32, #tpu.memory_space<vmem_shared>>) offsets(%dma_start3A_752 : memref<128xi32, #tpu.memory_space<vmem>>) semaphore(%run_scoped3A_749 : memref<!tpu.dma_semaphore, #tpu.memory_space<semaphore_mem>>) {add = true}
        %dma_wait3A_756 = arith.constant 0 : i32
        %dma_wait3A_757 = tpu.memref_slice %arg6[%run_scoped3A_520, %dma_wait3A_756] : memref<2x128xi32, #tpu.memory_space<vmem>> -> memref<1x128xi32, #tpu.memory_space<vmem>>
        %dma_wait3A_758 = tpu.memref_squeeze %dma_wait3A_757 : memref<1x128xi32, #tpu.memory_space<vmem>> -> memref<128xi32, #tpu.memory_space<vmem>>
        %dma_wait3A_759 = arith.constant 0 : i32
        %dma_wait3A_760 = arith.constant 0 : i32
        %dma_wait3A_761 = tpu.memref_slice %arg12[%dma_wait3A_759, %dma_wait3A_760] : memref<10000x128xf32, #tpu.memory_space<vmem_shared>> -> memref<10000x128xf32, #tpu.memory_space<vmem_shared>>
        tpu.wait_indirect_dma semaphore(%run_scoped3A_749 : memref<!tpu.dma_semaphore, #tpu.memory_space<semaphore_mem>>) src(%arg11 : memref<128x128xf32, #tpu.memory_space<vmem>>) dst(%dma_wait3A_761 : memref<10000x128xf32, #tpu.memory_space<vmem_shared>>)
        tpu.yield
      }) : () -> ()
      %mul3A_521 = arith.constant 12 : i32
      %mul3A_522 = arith.muli %mul3A_521, %scan3A_292 : i32
      %add3A_523 = arith.constant 6 : i32
      %add3A_524 = arith.addi %mul3A_522, %add3A_523 : i32
      %dma_wait3A_525 = arith.constant 0 : i32
      %dma_wait3A_526 = arith.constant 0 : i32
      %dma_wait3A_527 = arith.constant 0 : i32
      %dma_wait3A_528 = tpu.memref_slice %arg3[%dma_wait3A_525, %dma_wait3A_526, %dma_wait3A_527] : memref<2500x2x128xi32, #tpu.memory_space<hbm>> -> memref<1x2x128xi32, #tpu.memory_space<hbm>>
      %dma_wait3A_529 = tpu.memref_squeeze %dma_wait3A_528 : memref<1x2x128xi32, #tpu.memory_space<hbm>> -> memref<2x128xi32, #tpu.memory_space<hbm>>
      %dma_wait3A_530 = arith.constant 0 : i32
      %dma_wait3A_531 = arith.constant 0 : i32
      %dma_wait3A_532 = tpu.memref_slice %arg3[%dma_wait3A_525, %dma_wait3A_530, %dma_wait3A_531] : memref<2500x2x128xi32, #tpu.memory_space<hbm>> -> memref<1x2x128xi32, #tpu.memory_space<hbm>>
      %dma_wait3A_533 = tpu.memref_squeeze %dma_wait3A_532 : memref<1x2x128xi32, #tpu.memory_space<hbm>> -> memref<2x128xi32, #tpu.memory_space<hbm>>
      tpu.wait_dma2 semaphore(%arg13 : memref<!tpu.dma_semaphore, #tpu.memory_space<semaphore_mem>>) src(%dma_wait3A_533 : memref<2x128xi32, #tpu.memory_space<hbm>>) dst(%arg5 : memref<2x128xi32, #tpu.memory_space<vmem>>)
      %dma_start3A_534 = arith.constant 0 : i32
      %dma_start3A_535 = arith.constant 0 : i32
      %dma_start3A_536 = tpu.memref_slice %arg5[%dma_start3A_534, %dma_start3A_535] : memref<2x128xi32, #tpu.memory_space<vmem>> -> memref<1x128xi32, #tpu.memory_space<vmem>>
      %dma_start3A_537 = tpu.memref_squeeze %dma_start3A_536 : memref<1x128xi32, #tpu.memory_space<vmem>> -> memref<128xi32, #tpu.memory_space<vmem>>
      %dma_start3A_538 = arith.constant 0 : i32
      %dma_start3A_539 = arith.constant 0 : i32
      %dma_start3A_540 = tpu.memref_slice %arg2[%dma_start3A_538, %dma_start3A_539] : memref<10000x128xf32, #tpu.memory_space<hbm>> -> memref<10000x128xf32, #tpu.memory_space<hbm>>
      tpu.enqueue_indirect_dma source(%dma_start3A_540 : memref<10000x128xf32, #tpu.memory_space<hbm>>) target(%arg11 : memref<128x128xf32, #tpu.memory_space<vmem>>) offsets(%dma_start3A_537 : memref<128xi32, #tpu.memory_space<vmem>>) semaphore(%arg19 : memref<!tpu.dma_semaphore, #tpu.memory_space<semaphore_mem>>)
      %add3A_541 = arith.constant 3 : i32
      %add3A_542 = arith.addi %add3A_524, %add3A_541 : i32
      %add3A_543 = arith.addi %mul3A_2, %add3A_542 : i32
      %dma_start3A_544 = arith.constant 0 : i32
      %dma_start3A_545 = arith.constant 0 : i32
      %dma_start3A_546 = tpu.memref_slice %arg3[%add3A_543, %dma_start3A_544, %dma_start3A_545] : memref<2500x2x128xi32, #tpu.memory_space<hbm>> -> memref<1x2x128xi32, #tpu.memory_space<hbm>>
      %dma_start3A_547 = tpu.memref_squeeze %dma_start3A_546 : memref<1x2x128xi32, #tpu.memory_space<hbm>> -> memref<2x128xi32, #tpu.memory_space<hbm>>
      %dma_start3A_548 = arith.constant 0 : i32
      %dma_start3A_549 = arith.constant 0 : i32
      %dma_start3A_550 = tpu.memref_slice %arg3[%add3A_543, %dma_start3A_548, %dma_start3A_549] : memref<2500x2x128xi32, #tpu.memory_space<hbm>> -> memref<1x2x128xi32, #tpu.memory_space<hbm>>
      %dma_start3A_551 = tpu.memref_squeeze %dma_start3A_550 : memref<1x2x128xi32, #tpu.memory_space<hbm>> -> memref<2x128xi32, #tpu.memory_space<hbm>>
      tpu.enqueue_dma source(%dma_start3A_551 : memref<2x128xi32, #tpu.memory_space<hbm>>) target(%arg6 : memref<2x128xi32, #tpu.memory_space<vmem>>) target_semaphore(%arg14 : memref<!tpu.dma_semaphore, #tpu.memory_space<semaphore_mem>>)
      %dma_wait3A_552 = arith.constant 0 : i32
      %dma_wait3A_553 = arith.constant 0 : i32
      %dma_wait3A_554 = tpu.memref_slice %arg2[%dma_wait3A_552, %dma_wait3A_553] : memref<10000x128xf32, #tpu.memory_space<hbm>> -> memref<128x128xf32, #tpu.memory_space<hbm>>
      %dma_wait3A_555 = arith.constant 0 : i32
      %dma_wait3A_556 = arith.constant 0 : i32
      %dma_wait3A_557 = tpu.memref_slice %arg2[%dma_wait3A_555, %dma_wait3A_556] : memref<10000x128xf32, #tpu.memory_space<hbm>> -> memref<128x128xf32, #tpu.memory_space<hbm>>
      tpu.wait_dma2 semaphore(%arg17 : memref<!tpu.dma_semaphore, #tpu.memory_space<semaphore_mem>>) src(%dma_wait3A_557 : memref<128x128xf32, #tpu.memory_space<hbm>>) dst(%arg9 : memref<128x128xf32, #tpu.memory_space<vmem>>)
      %run_scoped3A_558 = arith.constant 1 : i32
      "tpu.region"() ({
        %run_scoped3A_749 = tpu.sem_alloc : memref<!tpu.dma_semaphore, #tpu.memory_space<semaphore_mem>>
        %dma_start3A_750 = arith.constant 0 : i32
        %dma_start3A_751 = tpu.memref_slice %arg7[%run_scoped3A_558, %dma_start3A_750] : memref<2x128xi32, #tpu.memory_space<vmem>> -> memref<1x128xi32, #tpu.memory_space<vmem>>
        %dma_start3A_752 = tpu.memref_squeeze %dma_start3A_751 : memref<1x128xi32, #tpu.memory_space<vmem>> -> memref<128xi32, #tpu.memory_space<vmem>>
        %dma_start3A_753 = arith.constant 0 : i32
        %dma_start3A_754 = arith.constant 0 : i32
        %dma_start3A_755 = tpu.memref_slice %arg12[%dma_start3A_753, %dma_start3A_754] : memref<10000x128xf32, #tpu.memory_space<vmem_shared>> -> memref<10000x128xf32, #tpu.memory_space<vmem_shared>>
        tpu.enqueue_indirect_dma source(%arg9 : memref<128x128xf32, #tpu.memory_space<vmem>>) target(%dma_start3A_755 : memref<10000x128xf32, #tpu.memory_space<vmem_shared>>) offsets(%dma_start3A_752 : memref<128xi32, #tpu.memory_space<vmem>>) semaphore(%run_scoped3A_749 : memref<!tpu.dma_semaphore, #tpu.memory_space<semaphore_mem>>) {add = true}
        %dma_wait3A_756 = arith.constant 0 : i32
        %dma_wait3A_757 = tpu.memref_slice %arg7[%run_scoped3A_558, %dma_wait3A_756] : memref<2x128xi32, #tpu.memory_space<vmem>> -> memref<1x128xi32, #tpu.memory_space<vmem>>
        %dma_wait3A_758 = tpu.memref_squeeze %dma_wait3A_757 : memref<1x128xi32, #tpu.memory_space<vmem>> -> memref<128xi32, #tpu.memory_space<vmem>>
        %dma_wait3A_759 = arith.constant 0 : i32
        %dma_wait3A_760 = arith.constant 0 : i32
        %dma_wait3A_761 = tpu.memref_slice %arg12[%dma_wait3A_759, %dma_wait3A_760] : memref<10000x128xf32, #tpu.memory_space<vmem_shared>> -> memref<10000x128xf32, #tpu.memory_space<vmem_shared>>
        tpu.wait_indirect_dma semaphore(%run_scoped3A_749 : memref<!tpu.dma_semaphore, #tpu.memory_space<semaphore_mem>>) src(%arg9 : memref<128x128xf32, #tpu.memory_space<vmem>>) dst(%dma_wait3A_761 : memref<10000x128xf32, #tpu.memory_space<vmem_shared>>)
        tpu.yield
      }) : () -> ()
      %mul3A_559 = arith.constant 12 : i32
      %mul3A_560 = arith.muli %mul3A_559, %scan3A_292 : i32
      %add3A_561 = arith.constant 7 : i32
      %add3A_562 = arith.addi %mul3A_560, %add3A_561 : i32
      %dma_wait3A_563 = arith.constant 0 : i32
      %dma_wait3A_564 = arith.constant 0 : i32
      %dma_wait3A_565 = arith.constant 0 : i32
      %dma_wait3A_566 = tpu.memref_slice %arg3[%dma_wait3A_563, %dma_wait3A_564, %dma_wait3A_565] : memref<2500x2x128xi32, #tpu.memory_space<hbm>> -> memref<1x2x128xi32, #tpu.memory_space<hbm>>
      %dma_wait3A_567 = tpu.memref_squeeze %dma_wait3A_566 : memref<1x2x128xi32, #tpu.memory_space<hbm>> -> memref<2x128xi32, #tpu.memory_space<hbm>>
      %dma_wait3A_568 = arith.constant 0 : i32
      %dma_wait3A_569 = arith.constant 0 : i32
      %dma_wait3A_570 = tpu.memref_slice %arg3[%dma_wait3A_563, %dma_wait3A_568, %dma_wait3A_569] : memref<2500x2x128xi32, #tpu.memory_space<hbm>> -> memref<1x2x128xi32, #tpu.memory_space<hbm>>
      %dma_wait3A_571 = tpu.memref_squeeze %dma_wait3A_570 : memref<1x2x128xi32, #tpu.memory_space<hbm>> -> memref<2x128xi32, #tpu.memory_space<hbm>>
      tpu.wait_dma2 semaphore(%arg14 : memref<!tpu.dma_semaphore, #tpu.memory_space<semaphore_mem>>) src(%dma_wait3A_571 : memref<2x128xi32, #tpu.memory_space<hbm>>) dst(%arg6 : memref<2x128xi32, #tpu.memory_space<vmem>>)
      %dma_start3A_572 = arith.constant 0 : i32
      %dma_start3A_573 = arith.constant 0 : i32
      %dma_start3A_574 = tpu.memref_slice %arg6[%dma_start3A_572, %dma_start3A_573] : memref<2x128xi32, #tpu.memory_space<vmem>> -> memref<1x128xi32, #tpu.memory_space<vmem>>
      %dma_start3A_575 = tpu.memref_squeeze %dma_start3A_574 : memref<1x128xi32, #tpu.memory_space<vmem>> -> memref<128xi32, #tpu.memory_space<vmem>>
      %dma_start3A_576 = arith.constant 0 : i32
      %dma_start3A_577 = arith.constant 0 : i32
      %dma_start3A_578 = tpu.memref_slice %arg2[%dma_start3A_576, %dma_start3A_577] : memref<10000x128xf32, #tpu.memory_space<hbm>> -> memref<10000x128xf32, #tpu.memory_space<hbm>>
      tpu.enqueue_indirect_dma source(%dma_start3A_578 : memref<10000x128xf32, #tpu.memory_space<hbm>>) target(%arg9 : memref<128x128xf32, #tpu.memory_space<vmem>>) offsets(%dma_start3A_575 : memref<128xi32, #tpu.memory_space<vmem>>) semaphore(%arg17 : memref<!tpu.dma_semaphore, #tpu.memory_space<semaphore_mem>>)
      %add3A_579 = arith.constant 3 : i32
      %add3A_580 = arith.addi %add3A_562, %add3A_579 : i32
      %add3A_581 = arith.addi %mul3A_2, %add3A_580 : i32
      %dma_start3A_582 = arith.constant 0 : i32
      %dma_start3A_583 = arith.constant 0 : i32
      %dma_start3A_584 = tpu.memref_slice %arg3[%add3A_581, %dma_start3A_582, %dma_start3A_583] : memref<2500x2x128xi32, #tpu.memory_space<hbm>> -> memref<1x2x128xi32, #tpu.memory_space<hbm>>
      %dma_start3A_585 = tpu.memref_squeeze %dma_start3A_584 : memref<1x2x128xi32, #tpu.memory_space<hbm>> -> memref<2x128xi32, #tpu.memory_space<hbm>>
      %dma_start3A_586 = arith.constant 0 : i32
      %dma_start3A_587 = arith.constant 0 : i32
      %dma_start3A_588 = tpu.memref_slice %arg3[%add3A_581, %dma_start3A_586, %dma_start3A_587] : memref<2500x2x128xi32, #tpu.memory_space<hbm>> -> memref<1x2x128xi32, #tpu.memory_space<hbm>>
      %dma_start3A_589 = tpu.memref_squeeze %dma_start3A_588 : memref<1x2x128xi32, #tpu.memory_space<hbm>> -> memref<2x128xi32, #tpu.memory_space<hbm>>
      tpu.enqueue_dma source(%dma_start3A_589 : memref<2x128xi32, #tpu.memory_space<hbm>>) target(%arg7 : memref<2x128xi32, #tpu.memory_space<vmem>>) target_semaphore(%arg15 : memref<!tpu.dma_semaphore, #tpu.memory_space<semaphore_mem>>)
      %dma_wait3A_590 = arith.constant 0 : i32
      %dma_wait3A_591 = arith.constant 0 : i32
      %dma_wait3A_592 = tpu.memref_slice %arg2[%dma_wait3A_590, %dma_wait3A_591] : memref<10000x128xf32, #tpu.memory_space<hbm>> -> memref<128x128xf32, #tpu.memory_space<hbm>>
      %dma_wait3A_593 = arith.constant 0 : i32
      %dma_wait3A_594 = arith.constant 0 : i32
      %dma_wait3A_595 = tpu.memref_slice %arg2[%dma_wait3A_593, %dma_wait3A_594] : memref<10000x128xf32, #tpu.memory_space<hbm>> -> memref<128x128xf32, #tpu.memory_space<hbm>>
      tpu.wait_dma2 semaphore(%arg18 : memref<!tpu.dma_semaphore, #tpu.memory_space<semaphore_mem>>) src(%dma_wait3A_595 : memref<128x128xf32, #tpu.memory_space<hbm>>) dst(%arg10 : memref<128x128xf32, #tpu.memory_space<vmem>>)
      %run_scoped3A_596 = arith.constant 1 : i32
      "tpu.region"() ({
        %run_scoped3A_749 = tpu.sem_alloc : memref<!tpu.dma_semaphore, #tpu.memory_space<semaphore_mem>>
        %dma_start3A_750 = arith.constant 0 : i32
        %dma_start3A_751 = tpu.memref_slice %arg8[%run_scoped3A_596, %dma_start3A_750] : memref<2x128xi32, #tpu.memory_space<vmem>> -> memref<1x128xi32, #tpu.memory_space<vmem>>
        %dma_start3A_752 = tpu.memref_squeeze %dma_start3A_751 : memref<1x128xi32, #tpu.memory_space<vmem>> -> memref<128xi32, #tpu.memory_space<vmem>>
        %dma_start3A_753 = arith.constant 0 : i32
        %dma_start3A_754 = arith.constant 0 : i32
        %dma_start3A_755 = tpu.memref_slice %arg12[%dma_start3A_753, %dma_start3A_754] : memref<10000x128xf32, #tpu.memory_space<vmem_shared>> -> memref<10000x128xf32, #tpu.memory_space<vmem_shared>>
        tpu.enqueue_indirect_dma source(%arg10 : memref<128x128xf32, #tpu.memory_space<vmem>>) target(%dma_start3A_755 : memref<10000x128xf32, #tpu.memory_space<vmem_shared>>) offsets(%dma_start3A_752 : memref<128xi32, #tpu.memory_space<vmem>>) semaphore(%run_scoped3A_749 : memref<!tpu.dma_semaphore, #tpu.memory_space<semaphore_mem>>) {add = true}
        %dma_wait3A_756 = arith.constant 0 : i32
        %dma_wait3A_757 = tpu.memref_slice %arg8[%run_scoped3A_596, %dma_wait3A_756] : memref<2x128xi32, #tpu.memory_space<vmem>> -> memref<1x128xi32, #tpu.memory_space<vmem>>
        %dma_wait3A_758 = tpu.memref_squeeze %dma_wait3A_757 : memref<1x128xi32, #tpu.memory_space<vmem>> -> memref<128xi32, #tpu.memory_space<vmem>>
        %dma_wait3A_759 = arith.constant 0 : i32
        %dma_wait3A_760 = arith.constant 0 : i32
        %dma_wait3A_761 = tpu.memref_slice %arg12[%dma_wait3A_759, %dma_wait3A_760] : memref<10000x128xf32, #tpu.memory_space<vmem_shared>> -> memref<10000x128xf32, #tpu.memory_space<vmem_shared>>
        tpu.wait_indirect_dma semaphore(%run_scoped3A_749 : memref<!tpu.dma_semaphore, #tpu.memory_space<semaphore_mem>>) src(%arg10 : memref<128x128xf32, #tpu.memory_space<vmem>>) dst(%dma_wait3A_761 : memref<10000x128xf32, #tpu.memory_space<vmem_shared>>)
        tpu.yield
      }) : () -> ()
      %mul3A_597 = arith.constant 12 : i32
      %mul3A_598 = arith.muli %mul3A_597, %scan3A_292 : i32
      %add3A_599 = arith.constant 8 : i32
      %add3A_600 = arith.addi %mul3A_598, %add3A_599 : i32
      %dma_wait3A_601 = arith.constant 0 : i32
      %dma_wait3A_602 = arith.constant 0 : i32
      %dma_wait3A_603 = arith.constant 0 : i32
      %dma_wait3A_604 = tpu.memref_slice %arg3[%dma_wait3A_601, %dma_wait3A_602, %dma_wait3A_603] : memref<2500x2x128xi32, #tpu.memory_space<hbm>> -> memref<1x2x128xi32, #tpu.memory_space<hbm>>
      %dma_wait3A_605 = tpu.memref_squeeze %dma_wait3A_604 : memref<1x2x128xi32, #tpu.memory_space<hbm>> -> memref<2x128xi32, #tpu.memory_space<hbm>>
      %dma_wait3A_606 = arith.constant 0 : i32
      %dma_wait3A_607 = arith.constant 0 : i32
      %dma_wait3A_608 = tpu.memref_slice %arg3[%dma_wait3A_601, %dma_wait3A_606, %dma_wait3A_607] : memref<2500x2x128xi32, #tpu.memory_space<hbm>> -> memref<1x2x128xi32, #tpu.memory_space<hbm>>
      %dma_wait3A_609 = tpu.memref_squeeze %dma_wait3A_608 : memref<1x2x128xi32, #tpu.memory_space<hbm>> -> memref<2x128xi32, #tpu.memory_space<hbm>>
      tpu.wait_dma2 semaphore(%arg15 : memref<!tpu.dma_semaphore, #tpu.memory_space<semaphore_mem>>) src(%dma_wait3A_609 : memref<2x128xi32, #tpu.memory_space<hbm>>) dst(%arg7 : memref<2x128xi32, #tpu.memory_space<vmem>>)
      %dma_start3A_610 = arith.constant 0 : i32
      %dma_start3A_611 = arith.constant 0 : i32
      %dma_start3A_612 = tpu.memref_slice %arg7[%dma_start3A_610, %dma_start3A_611] : memref<2x128xi32, #tpu.memory_space<vmem>> -> memref<1x128xi32, #tpu.memory_space<vmem>>
      %dma_start3A_613 = tpu.memref_squeeze %dma_start3A_612 : memref<1x128xi32, #tpu.memory_space<vmem>> -> memref<128xi32, #tpu.memory_space<vmem>>
      %dma_start3A_614 = arith.constant 0 : i32
      %dma_start3A_615 = arith.constant 0 : i32
      %dma_start3A_616 = tpu.memref_slice %arg2[%dma_start3A_614, %dma_start3A_615] : memref<10000x128xf32, #tpu.memory_space<hbm>> -> memref<10000x128xf32, #tpu.memory_space<hbm>>
      tpu.enqueue_indirect_dma source(%dma_start3A_616 : memref<10000x128xf32, #tpu.memory_space<hbm>>) target(%arg10 : memref<128x128xf32, #tpu.memory_space<vmem>>) offsets(%dma_start3A_613 : memref<128xi32, #tpu.memory_space<vmem>>) semaphore(%arg18 : memref<!tpu.dma_semaphore, #tpu.memory_space<semaphore_mem>>)
      %add3A_617 = arith.constant 3 : i32
      %add3A_618 = arith.addi %add3A_600, %add3A_617 : i32
      %add3A_619 = arith.addi %mul3A_2, %add3A_618 : i32
      %dma_start3A_620 = arith.constant 0 : i32
      %dma_start3A_621 = arith.constant 0 : i32
      %dma_start3A_622 = tpu.memref_slice %arg3[%add3A_619, %dma_start3A_620, %dma_start3A_621] : memref<2500x2x128xi32, #tpu.memory_space<hbm>> -> memref<1x2x128xi32, #tpu.memory_space<hbm>>
      %dma_start3A_623 = tpu.memref_squeeze %dma_start3A_622 : memref<1x2x128xi32, #tpu.memory_space<hbm>> -> memref<2x128xi32, #tpu.memory_space<hbm>>
      %dma_start3A_624 = arith.constant 0 : i32
      %dma_start3A_625 = arith.constant 0 : i32
      %dma_start3A_626 = tpu.memref_slice %arg3[%add3A_619, %dma_start3A_624, %dma_start3A_625] : memref<2500x2x128xi32, #tpu.memory_space<hbm>> -> memref<1x2x128xi32, #tpu.memory_space<hbm>>
      %dma_start3A_627 = tpu.memref_squeeze %dma_start3A_626 : memref<1x2x128xi32, #tpu.memory_space<hbm>> -> memref<2x128xi32, #tpu.memory_space<hbm>>
      tpu.enqueue_dma source(%dma_start3A_627 : memref<2x128xi32, #tpu.memory_space<hbm>>) target(%arg8 : memref<2x128xi32, #tpu.memory_space<vmem>>) target_semaphore(%arg16 : memref<!tpu.dma_semaphore, #tpu.memory_space<semaphore_mem>>)
      %dma_wait3A_628 = arith.constant 0 : i32
      %dma_wait3A_629 = arith.constant 0 : i32
      %dma_wait3A_630 = tpu.memref_slice %arg2[%dma_wait3A_628, %dma_wait3A_629] : memref<10000x128xf32, #tpu.memory_space<hbm>> -> memref<128x128xf32, #tpu.memory_space<hbm>>
      %dma_wait3A_631 = arith.constant 0 : i32
      %dma_wait3A_632 = arith.constant 0 : i32
      %dma_wait3A_633 = tpu.memref_slice %arg2[%dma_wait3A_631, %dma_wait3A_632] : memref<10000x128xf32, #tpu.memory_space<hbm>> -> memref<128x128xf32, #tpu.memory_space<hbm>>
      tpu.wait_dma2 semaphore(%arg19 : memref<!tpu.dma_semaphore, #tpu.memory_space<semaphore_mem>>) src(%dma_wait3A_633 : memref<128x128xf32, #tpu.memory_space<hbm>>) dst(%arg11 : memref<128x128xf32, #tpu.memory_space<vmem>>)
      %run_scoped3A_634 = arith.constant 1 : i32
      "tpu.region"() ({
        %run_scoped3A_749 = tpu.sem_alloc : memref<!tpu.dma_semaphore, #tpu.memory_space<semaphore_mem>>
        %dma_start3A_750 = arith.constant 0 : i32
        %dma_start3A_751 = tpu.memref_slice %arg5[%run_scoped3A_634, %dma_start3A_750] : memref<2x128xi32, #tpu.memory_space<vmem>> -> memref<1x128xi32, #tpu.memory_space<vmem>>
        %dma_start3A_752 = tpu.memref_squeeze %dma_start3A_751 : memref<1x128xi32, #tpu.memory_space<vmem>> -> memref<128xi32, #tpu.memory_space<vmem>>
        %dma_start3A_753 = arith.constant 0 : i32
        %dma_start3A_754 = arith.constant 0 : i32
        %dma_start3A_755 = tpu.memref_slice %arg12[%dma_start3A_753, %dma_start3A_754] : memref<10000x128xf32, #tpu.memory_space<vmem_shared>> -> memref<10000x128xf32, #tpu.memory_space<vmem_shared>>
        tpu.enqueue_indirect_dma source(%arg11 : memref<128x128xf32, #tpu.memory_space<vmem>>) target(%dma_start3A_755 : memref<10000x128xf32, #tpu.memory_space<vmem_shared>>) offsets(%dma_start3A_752 : memref<128xi32, #tpu.memory_space<vmem>>) semaphore(%run_scoped3A_749 : memref<!tpu.dma_semaphore, #tpu.memory_space<semaphore_mem>>) {add = true}
        %dma_wait3A_756 = arith.constant 0 : i32
        %dma_wait3A_757 = tpu.memref_slice %arg5[%run_scoped3A_634, %dma_wait3A_756] : memref<2x128xi32, #tpu.memory_space<vmem>> -> memref<1x128xi32, #tpu.memory_space<vmem>>
        %dma_wait3A_758 = tpu.memref_squeeze %dma_wait3A_757 : memref<1x128xi32, #tpu.memory_space<vmem>> -> memref<128xi32, #tpu.memory_space<vmem>>
        %dma_wait3A_759 = arith.constant 0 : i32
        %dma_wait3A_760 = arith.constant 0 : i32
        %dma_wait3A_761 = tpu.memref_slice %arg12[%dma_wait3A_759, %dma_wait3A_760] : memref<10000x128xf32, #tpu.memory_space<vmem_shared>> -> memref<10000x128xf32, #tpu.memory_space<vmem_shared>>
        tpu.wait_indirect_dma semaphore(%run_scoped3A_749 : memref<!tpu.dma_semaphore, #tpu.memory_space<semaphore_mem>>) src(%arg11 : memref<128x128xf32, #tpu.memory_space<vmem>>) dst(%dma_wait3A_761 : memref<10000x128xf32, #tpu.memory_space<vmem_shared>>)
        tpu.yield
      }) : () -> ()
      %mul3A_635 = arith.constant 12 : i32
      %mul3A_636 = arith.muli %mul3A_635, %scan3A_292 : i32
      %add3A_637 = arith.constant 9 : i32
      %add3A_638 = arith.addi %mul3A_636, %add3A_637 : i32
      %dma_wait3A_639 = arith.constant 0 : i32
      %dma_wait3A_640 = arith.constant 0 : i32
      %dma_wait3A_641 = arith.constant 0 : i32
      %dma_wait3A_642 = tpu.memref_slice %arg3[%dma_wait3A_639, %dma_wait3A_640, %dma_wait3A_641] : memref<2500x2x128xi32, #tpu.memory_space<hbm>> -> memref<1x2x128xi32, #tpu.memory_space<hbm>>
      %dma_wait3A_643 = tpu.memref_squeeze %dma_wait3A_642 : memref<1x2x128xi32, #tpu.memory_space<hbm>> -> memref<2x128xi32, #tpu.memory_space<hbm>>
      %dma_wait3A_644 = arith.constant 0 : i32
      %dma_wait3A_645 = arith.constant 0 : i32
      %dma_wait3A_646 = tpu.memref_slice %arg3[%dma_wait3A_639, %dma_wait3A_644, %dma_wait3A_645] : memref<2500x2x128xi32, #tpu.memory_space<hbm>> -> memref<1x2x128xi32, #tpu.memory_space<hbm>>
      %dma_wait3A_647 = tpu.memref_squeeze %dma_wait3A_646 : memref<1x2x128xi32, #tpu.memory_space<hbm>> -> memref<2x128xi32, #tpu.memory_space<hbm>>
      tpu.wait_dma2 semaphore(%arg16 : memref<!tpu.dma_semaphore, #tpu.memory_space<semaphore_mem>>) src(%dma_wait3A_647 : memref<2x128xi32, #tpu.memory_space<hbm>>) dst(%arg8 : memref<2x128xi32, #tpu.memory_space<vmem>>)
      %dma_start3A_648 = arith.constant 0 : i32
      %dma_start3A_649 = arith.constant 0 : i32
      %dma_start3A_650 = tpu.memref_slice %arg8[%dma_start3A_648, %dma_start3A_649] : memref<2x128xi32, #tpu.memory_space<vmem>> -> memref<1x128xi32, #tpu.memory_space<vmem>>
      %dma_start3A_651 = tpu.memref_squeeze %dma_start3A_650 : memref<1x128xi32, #tpu.memory_space<vmem>> -> memref<128xi32, #tpu.memory_space<vmem>>
      %dma_start3A_652 = arith.constant 0 : i32
      %dma_start3A_653 = arith.constant 0 : i32
      %dma_start3A_654 = tpu.memref_slice %arg2[%dma_start3A_652, %dma_start3A_653] : memref<10000x128xf32, #tpu.memory_space<hbm>> -> memref<10000x128xf32, #tpu.memory_space<hbm>>
      tpu.enqueue_indirect_dma source(%dma_start3A_654 : memref<10000x128xf32, #tpu.memory_space<hbm>>) target(%arg11 : memref<128x128xf32, #tpu.memory_space<vmem>>) offsets(%dma_start3A_651 : memref<128xi32, #tpu.memory_space<vmem>>) semaphore(%arg19 : memref<!tpu.dma_semaphore, #tpu.memory_space<semaphore_mem>>)
      %add3A_655 = arith.constant 3 : i32
      %add3A_656 = arith.addi %add3A_638, %add3A_655 : i32
      %add3A_657 = arith.addi %mul3A_2, %add3A_656 : i32
      %dma_start3A_658 = arith.constant 0 : i32
      %dma_start3A_659 = arith.constant 0 : i32
      %dma_start3A_660 = tpu.memref_slice %arg3[%add3A_657, %dma_start3A_658, %dma_start3A_659] : memref<2500x2x128xi32, #tpu.memory_space<hbm>> -> memref<1x2x128xi32, #tpu.memory_space<hbm>>
      %dma_start3A_661 = tpu.memref_squeeze %dma_start3A_660 : memref<1x2x128xi32, #tpu.memory_space<hbm>> -> memref<2x128xi32, #tpu.memory_space<hbm>>
      %dma_start3A_662 = arith.constant 0 : i32
      %dma_start3A_663 = arith.constant 0 : i32
      %dma_start3A_664 = tpu.memref_slice %arg3[%add3A_657, %dma_start3A_662, %dma_start3A_663] : memref<2500x2x128xi32, #tpu.memory_space<hbm>> -> memref<1x2x128xi32, #tpu.memory_space<hbm>>
      %dma_start3A_665 = tpu.memref_squeeze %dma_start3A_664 : memref<1x2x128xi32, #tpu.memory_space<hbm>> -> memref<2x128xi32, #tpu.memory_space<hbm>>
      tpu.enqueue_dma source(%dma_start3A_665 : memref<2x128xi32, #tpu.memory_space<hbm>>) target(%arg5 : memref<2x128xi32, #tpu.memory_space<vmem>>) target_semaphore(%arg13 : memref<!tpu.dma_semaphore, #tpu.memory_space<semaphore_mem>>)
      %dma_wait3A_666 = arith.constant 0 : i32
      %dma_wait3A_667 = arith.constant 0 : i32
      %dma_wait3A_668 = tpu.memref_slice %arg2[%dma_wait3A_666, %dma_wait3A_667] : memref<10000x128xf32, #tpu.memory_space<hbm>> -> memref<128x128xf32, #tpu.memory_space<hbm>>
      %dma_wait3A_669 = arith.constant 0 : i32
      %dma_wait3A_670 = arith.constant 0 : i32
      %dma_wait3A_671 = tpu.memref_slice %arg2[%dma_wait3A_669, %dma_wait3A_670] : memref<10000x128xf32, #tpu.memory_space<hbm>> -> memref<128x128xf32, #tpu.memory_space<hbm>>
      tpu.wait_dma2 semaphore(%arg17 : memref<!tpu.dma_semaphore, #tpu.memory_space<semaphore_mem>>) src(%dma_wait3A_671 : memref<128x128xf32, #tpu.memory_space<hbm>>) dst(%arg9 : memref<128x128xf32, #tpu.memory_space<vmem>>)
      %run_scoped3A_672 = arith.constant 1 : i32
      "tpu.region"() ({
        %run_scoped3A_749 = tpu.sem_alloc : memref<!tpu.dma_semaphore, #tpu.memory_space<semaphore_mem>>
        %dma_start3A_750 = arith.constant 0 : i32
        %dma_start3A_751 = tpu.memref_slice %arg6[%run_scoped3A_672, %dma_start3A_750] : memref<2x128xi32, #tpu.memory_space<vmem>> -> memref<1x128xi32, #tpu.memory_space<vmem>>
        %dma_start3A_752 = tpu.memref_squeeze %dma_start3A_751 : memref<1x128xi32, #tpu.memory_space<vmem>> -> memref<128xi32, #tpu.memory_space<vmem>>
        %dma_start3A_753 = arith.constant 0 : i32
        %dma_start3A_754 = arith.constant 0 : i32
        %dma_start3A_755 = tpu.memref_slice %arg12[%dma_start3A_753, %dma_start3A_754] : memref<10000x128xf32, #tpu.memory_space<vmem_shared>> -> memref<10000x128xf32, #tpu.memory_space<vmem_shared>>
        tpu.enqueue_indirect_dma source(%arg9 : memref<128x128xf32, #tpu.memory_space<vmem>>) target(%dma_start3A_755 : memref<10000x128xf32, #tpu.memory_space<vmem_shared>>) offsets(%dma_start3A_752 : memref<128xi32, #tpu.memory_space<vmem>>) semaphore(%run_scoped3A_749 : memref<!tpu.dma_semaphore, #tpu.memory_space<semaphore_mem>>) {add = true}
        %dma_wait3A_756 = arith.constant 0 : i32
        %dma_wait3A_757 = tpu.memref_slice %arg6[%run_scoped3A_672, %dma_wait3A_756] : memref<2x128xi32, #tpu.memory_space<vmem>> -> memref<1x128xi32, #tpu.memory_space<vmem>>
        %dma_wait3A_758 = tpu.memref_squeeze %dma_wait3A_757 : memref<1x128xi32, #tpu.memory_space<vmem>> -> memref<128xi32, #tpu.memory_space<vmem>>
        %dma_wait3A_759 = arith.constant 0 : i32
        %dma_wait3A_760 = arith.constant 0 : i32
        %dma_wait3A_761 = tpu.memref_slice %arg12[%dma_wait3A_759, %dma_wait3A_760] : memref<10000x128xf32, #tpu.memory_space<vmem_shared>> -> memref<10000x128xf32, #tpu.memory_space<vmem_shared>>
        tpu.wait_indirect_dma semaphore(%run_scoped3A_749 : memref<!tpu.dma_semaphore, #tpu.memory_space<semaphore_mem>>) src(%arg9 : memref<128x128xf32, #tpu.memory_space<vmem>>) dst(%dma_wait3A_761 : memref<10000x128xf32, #tpu.memory_space<vmem_shared>>)
        tpu.yield
      }) : () -> ()
      %mul3A_673 = arith.constant 12 : i32
      %mul3A_674 = arith.muli %mul3A_673, %scan3A_292 : i32
      %add3A_675 = arith.constant 10 : i32
      %add3A_676 = arith.addi %mul3A_674, %add3A_675 : i32
      %dma_wait3A_677 = arith.constant 0 : i32
      %dma_wait3A_678 = arith.constant 0 : i32
      %dma_wait3A_679 = arith.constant 0 : i32
      %dma_wait3A_680 = tpu.memref_slice %arg3[%dma_wait3A_677, %dma_wait3A_678, %dma_wait3A_679] : memref<2500x2x128xi32, #tpu.memory_space<hbm>> -> memref<1x2x128xi32, #tpu.memory_space<hbm>>
      %dma_wait3A_681 = tpu.memref_squeeze %dma_wait3A_680 : memref<1x2x128xi32, #tpu.memory_space<hbm>> -> memref<2x128xi32, #tpu.memory_space<hbm>>
      %dma_wait3A_682 = arith.constant 0 : i32
      %dma_wait3A_683 = arith.constant 0 : i32
      %dma_wait3A_684 = tpu.memref_slice %arg3[%dma_wait3A_677, %dma_wait3A_682, %dma_wait3A_683] : memref<2500x2x128xi32, #tpu.memory_space<hbm>> -> memref<1x2x128xi32, #tpu.memory_space<hbm>>
      %dma_wait3A_685 = tpu.memref_squeeze %dma_wait3A_684 : memref<1x2x128xi32, #tpu.memory_space<hbm>> -> memref<2x128xi32, #tpu.memory_space<hbm>>
      tpu.wait_dma2 semaphore(%arg13 : memref<!tpu.dma_semaphore, #tpu.memory_space<semaphore_mem>>) src(%dma_wait3A_685 : memref<2x128xi32, #tpu.memory_space<hbm>>) dst(%arg5 : memref<2x128xi32, #tpu.memory_space<vmem>>)
      %dma_start3A_686 = arith.constant 0 : i32
      %dma_start3A_687 = arith.constant 0 : i32
      %dma_start3A_688 = tpu.memref_slice %arg5[%dma_start3A_686, %dma_start3A_687] : memref<2x128xi32, #tpu.memory_space<vmem>> -> memref<1x128xi32, #tpu.memory_space<vmem>>
      %dma_start3A_689 = tpu.memref_squeeze %dma_start3A_688 : memref<1x128xi32, #tpu.memory_space<vmem>> -> memref<128xi32, #tpu.memory_space<vmem>>
      %dma_start3A_690 = arith.constant 0 : i32
      %dma_start3A_691 = arith.constant 0 : i32
      %dma_start3A_692 = tpu.memref_slice %arg2[%dma_start3A_690, %dma_start3A_691] : memref<10000x128xf32, #tpu.memory_space<hbm>> -> memref<10000x128xf32, #tpu.memory_space<hbm>>
      tpu.enqueue_indirect_dma source(%dma_start3A_692 : memref<10000x128xf32, #tpu.memory_space<hbm>>) target(%arg9 : memref<128x128xf32, #tpu.memory_space<vmem>>) offsets(%dma_start3A_689 : memref<128xi32, #tpu.memory_space<vmem>>) semaphore(%arg17 : memref<!tpu.dma_semaphore, #tpu.memory_space<semaphore_mem>>)
      %add3A_693 = arith.constant 3 : i32
      %add3A_694 = arith.addi %add3A_676, %add3A_693 : i32
      %add3A_695 = arith.addi %mul3A_2, %add3A_694 : i32
      %dma_start3A_696 = arith.constant 0 : i32
      %dma_start3A_697 = arith.constant 0 : i32
      %dma_start3A_698 = tpu.memref_slice %arg3[%add3A_695, %dma_start3A_696, %dma_start3A_697] : memref<2500x2x128xi32, #tpu.memory_space<hbm>> -> memref<1x2x128xi32, #tpu.memory_space<hbm>>
      %dma_start3A_699 = tpu.memref_squeeze %dma_start3A_698 : memref<1x2x128xi32, #tpu.memory_space<hbm>> -> memref<2x128xi32, #tpu.memory_space<hbm>>
      %dma_start3A_700 = arith.constant 0 : i32
      %dma_start3A_701 = arith.constant 0 : i32
      %dma_start3A_702 = tpu.memref_slice %arg3[%add3A_695, %dma_start3A_700, %dma_start3A_701] : memref<2500x2x128xi32, #tpu.memory_space<hbm>> -> memref<1x2x128xi32, #tpu.memory_space<hbm>>
      %dma_start3A_703 = tpu.memref_squeeze %dma_start3A_702 : memref<1x2x128xi32, #tpu.memory_space<hbm>> -> memref<2x128xi32, #tpu.memory_space<hbm>>
      tpu.enqueue_dma source(%dma_start3A_703 : memref<2x128xi32, #tpu.memory_space<hbm>>) target(%arg6 : memref<2x128xi32, #tpu.memory_space<vmem>>) target_semaphore(%arg14 : memref<!tpu.dma_semaphore, #tpu.memory_space<semaphore_mem>>)
      %dma_wait3A_704 = arith.constant 0 : i32
      %dma_wait3A_705 = arith.constant 0 : i32
      %dma_wait3A_706 = tpu.memref_slice %arg2[%dma_wait3A_704, %dma_wait3A_705] : memref<10000x128xf32, #tpu.memory_space<hbm>> -> memref<128x128xf32, #tpu.memory_space<hbm>>
      %dma_wait3A_707 = arith.constant 0 : i32
      %dma_wait3A_708 = arith.constant 0 : i32
      %dma_wait3A_709 = tpu.memref_slice %arg2[%dma_wait3A_707, %dma_wait3A_708] : memref<10000x128xf32, #tpu.memory_space<hbm>> -> memref<128x128xf32, #tpu.memory_space<hbm>>
      tpu.wait_dma2 semaphore(%arg18 : memref<!tpu.dma_semaphore, #tpu.memory_space<semaphore_mem>>) src(%dma_wait3A_709 : memref<128x128xf32, #tpu.memory_space<hbm>>) dst(%arg10 : memref<128x128xf32, #tpu.memory_space<vmem>>)
      %run_scoped3A_710 = arith.constant 1 : i32
      "tpu.region"() ({
        %run_scoped3A_749 = tpu.sem_alloc : memref<!tpu.dma_semaphore, #tpu.memory_space<semaphore_mem>>
        %dma_start3A_750 = arith.constant 0 : i32
        %dma_start3A_751 = tpu.memref_slice %arg7[%run_scoped3A_710, %dma_start3A_750] : memref<2x128xi32, #tpu.memory_space<vmem>> -> memref<1x128xi32, #tpu.memory_space<vmem>>
        %dma_start3A_752 = tpu.memref_squeeze %dma_start3A_751 : memref<1x128xi32, #tpu.memory_space<vmem>> -> memref<128xi32, #tpu.memory_space<vmem>>
        %dma_start3A_753 = arith.constant 0 : i32
        %dma_start3A_754 = arith.constant 0 : i32
        %dma_start3A_755 = tpu.memref_slice %arg12[%dma_start3A_753, %dma_start3A_754] : memref<10000x128xf32, #tpu.memory_space<vmem_shared>> -> memref<10000x128xf32, #tpu.memory_space<vmem_shared>>
        tpu.enqueue_indirect_dma source(%arg10 : memref<128x128xf32, #tpu.memory_space<vmem>>) target(%dma_start3A_755 : memref<10000x128xf32, #tpu.memory_space<vmem_shared>>) offsets(%dma_start3A_752 : memref<128xi32, #tpu.memory_space<vmem>>) semaphore(%run_scoped3A_749 : memref<!tpu.dma_semaphore, #tpu.memory_space<semaphore_mem>>) {add = true}
        %dma_wait3A_756 = arith.constant 0 : i32
        %dma_wait3A_757 = tpu.memref_slice %arg7[%run_scoped3A_710, %dma_wait3A_756] : memref<2x128xi32, #tpu.memory_space<vmem>> -> memref<1x128xi32, #tpu.memory_space<vmem>>
        %dma_wait3A_758 = tpu.memref_squeeze %dma_wait3A_757 : memref<1x128xi32, #tpu.memory_space<vmem>> -> memref<128xi32, #tpu.memory_space<vmem>>
        %dma_wait3A_759 = arith.constant 0 : i32
        %dma_wait3A_760 = arith.constant 0 : i32
        %dma_wait3A_761 = tpu.memref_slice %arg12[%dma_wait3A_759, %dma_wait3A_760] : memref<10000x128xf32, #tpu.memory_space<vmem_shared>> -> memref<10000x128xf32, #tpu.memory_space<vmem_shared>>
        tpu.wait_indirect_dma semaphore(%run_scoped3A_749 : memref<!tpu.dma_semaphore, #tpu.memory_space<semaphore_mem>>) src(%arg10 : memref<128x128xf32, #tpu.memory_space<vmem>>) dst(%dma_wait3A_761 : memref<10000x128xf32, #tpu.memory_space<vmem_shared>>)
        tpu.yield
      }) : () -> ()
      %mul3A_711 = arith.constant 12 : i32
      %mul3A_712 = arith.muli %mul3A_711, %scan3A_292 : i32
      %add3A_713 = arith.constant 11 : i32
      %add3A_714 = arith.addi %mul3A_712, %add3A_713 : i32
      %dma_wait3A_715 = arith.constant 0 : i32
      %dma_wait3A_716 = arith.constant 0 : i32
      %dma_wait3A_717 = arith.constant 0 : i32
      %dma_wait3A_718 = tpu.memref_slice %arg3[%dma_wait3A_715, %dma_wait3A_716, %dma_wait3A_717] : memref<2500x2x128xi32, #tpu.memory_space<hbm>> -> memref<1x2x128xi32, #tpu.memory_space<hbm>>
      %dma_wait3A_719 = tpu.memref_squeeze %dma_wait3A_718 : memref<1x2x128xi32, #tpu.memory_space<hbm>> -> memref<2x128xi32, #tpu.memory_space<hbm>>
      %dma_wait3A_720 = arith.constant 0 : i32
      %dma_wait3A_721 = arith.constant 0 : i32
      %dma_wait3A_722 = tpu.memref_slice %arg3[%dma_wait3A_715, %dma_wait3A_720, %dma_wait3A_721] : memref<2500x2x128xi32, #tpu.memory_space<hbm>> -> memref<1x2x128xi32, #tpu.memory_space<hbm>>
      %dma_wait3A_723 = tpu.memref_squeeze %dma_wait3A_722 : memref<1x2x128xi32, #tpu.memory_space<hbm>> -> memref<2x128xi32, #tpu.memory_space<hbm>>
      tpu.wait_dma2 semaphore(%arg14 : memref<!tpu.dma_semaphore, #tpu.memory_space<semaphore_mem>>) src(%dma_wait3A_723 : memref<2x128xi32, #tpu.memory_space<hbm>>) dst(%arg6 : memref<2x128xi32, #tpu.memory_space<vmem>>)
      %dma_start3A_724 = arith.constant 0 : i32
      %dma_start3A_725 = arith.constant 0 : i32
      %dma_start3A_726 = tpu.memref_slice %arg6[%dma_start3A_724, %dma_start3A_725] : memref<2x128xi32, #tpu.memory_space<vmem>> -> memref<1x128xi32, #tpu.memory_space<vmem>>
      %dma_start3A_727 = tpu.memref_squeeze %dma_start3A_726 : memref<1x128xi32, #tpu.memory_space<vmem>> -> memref<128xi32, #tpu.memory_space<vmem>>
      %dma_start3A_728 = arith.constant 0 : i32
      %dma_start3A_729 = arith.constant 0 : i32
      %dma_start3A_730 = tpu.memref_slice %arg2[%dma_start3A_728, %dma_start3A_729] : memref<10000x128xf32, #tpu.memory_space<hbm>> -> memref<10000x128xf32, #tpu.memory_space<hbm>>
      tpu.enqueue_indirect_dma source(%dma_start3A_730 : memref<10000x128xf32, #tpu.memory_space<hbm>>) target(%arg10 : memref<128x128xf32, #tpu.memory_space<vmem>>) offsets(%dma_start3A_727 : memref<128xi32, #tpu.memory_space<vmem>>) semaphore(%arg18 : memref<!tpu.dma_semaphore, #tpu.memory_space<semaphore_mem>>)
      %add3A_731 = arith.constant 3 : i32
      %add3A_732 = arith.addi %add3A_714, %add3A_731 : i32
      %add3A_733 = arith.addi %mul3A_2, %add3A_732 : i32
      %dma_start3A_734 = arith.constant 0 : i32
      %dma_start3A_735 = arith.constant 0 : i32
      %dma_start3A_736 = tpu.memref_slice %arg3[%add3A_733, %dma_start3A_734, %dma_start3A_735] : memref<2500x2x128xi32, #tpu.memory_space<hbm>> -> memref<1x2x128xi32, #tpu.memory_space<hbm>>
      %dma_start3A_737 = tpu.memref_squeeze %dma_start3A_736 : memref<1x2x128xi32, #tpu.memory_space<hbm>> -> memref<2x128xi32, #tpu.memory_space<hbm>>
      %dma_start3A_738 = arith.constant 0 : i32
      %dma_start3A_739 = arith.constant 0 : i32
      %dma_start3A_740 = tpu.memref_slice %arg3[%add3A_733, %dma_start3A_738, %dma_start3A_739] : memref<2500x2x128xi32, #tpu.memory_space<hbm>> -> memref<1x2x128xi32, #tpu.memory_space<hbm>>
      %dma_start3A_741 = tpu.memref_squeeze %dma_start3A_740 : memref<1x2x128xi32, #tpu.memory_space<hbm>> -> memref<2x128xi32, #tpu.memory_space<hbm>>
      tpu.enqueue_dma source(%dma_start3A_741 : memref<2x128xi32, #tpu.memory_space<hbm>>) target(%arg7 : memref<2x128xi32, #tpu.memory_space<vmem>>) target_semaphore(%arg15 : memref<!tpu.dma_semaphore, #tpu.memory_space<semaphore_mem>>)
      %dma_wait3A_742 = arith.constant 0 : i32
      %dma_wait3A_743 = arith.constant 0 : i32
      %dma_wait3A_744 = tpu.memref_slice %arg2[%dma_wait3A_742, %dma_wait3A_743] : memref<10000x128xf32, #tpu.memory_space<hbm>> -> memref<128x128xf32, #tpu.memory_space<hbm>>
      %dma_wait3A_745 = arith.constant 0 : i32
      %dma_wait3A_746 = arith.constant 0 : i32
      %dma_wait3A_747 = tpu.memref_slice %arg2[%dma_wait3A_745, %dma_wait3A_746] : memref<10000x128xf32, #tpu.memory_space<hbm>> -> memref<128x128xf32, #tpu.memory_space<hbm>>
      tpu.wait_dma2 semaphore(%arg19 : memref<!tpu.dma_semaphore, #tpu.memory_space<semaphore_mem>>) src(%dma_wait3A_747 : memref<128x128xf32, #tpu.memory_space<hbm>>) dst(%arg11 : memref<128x128xf32, #tpu.memory_space<vmem>>)
      %run_scoped3A_748 = arith.constant 1 : i32
      "tpu.region"() ({
        %run_scoped3A_749 = tpu.sem_alloc : memref<!tpu.dma_semaphore, #tpu.memory_space<semaphore_mem>>
        %dma_start3A_750 = arith.constant 0 : i32
        %dma_start3A_751 = tpu.memref_slice %arg8[%run_scoped3A_748, %dma_start3A_750] : memref<2x128xi32, #tpu.memory_space<vmem>> -> memref<1x128xi32, #tpu.memory_space<vmem>>
        %dma_start3A_752 = tpu.memref_squeeze %dma_start3A_751 : memref<1x128xi32, #tpu.memory_space<vmem>> -> memref<128xi32, #tpu.memory_space<vmem>>
        %dma_start3A_753 = arith.constant 0 : i32
        %dma_start3A_754 = arith.constant 0 : i32
        %dma_start3A_755 = tpu.memref_slice %arg12[%dma_start3A_753, %dma_start3A_754] : memref<10000x128xf32, #tpu.memory_space<vmem_shared>> -> memref<10000x128xf32, #tpu.memory_space<vmem_shared>>
        tpu.enqueue_indirect_dma source(%arg11 : memref<128x128xf32, #tpu.memory_space<vmem>>) target(%dma_start3A_755 : memref<10000x128xf32, #tpu.memory_space<vmem_shared>>) offsets(%dma_start3A_752 : memref<128xi32, #tpu.memory_space<vmem>>) semaphore(%run_scoped3A_749 : memref<!tpu.dma_semaphore, #tpu.memory_space<semaphore_mem>>) {add = true}
        %dma_wait3A_756 = arith.constant 0 : i32
        %dma_wait3A_757 = tpu.memref_slice %arg8[%run_scoped3A_748, %dma_wait3A_756] : memref<2x128xi32, #tpu.memory_space<vmem>> -> memref<1x128xi32, #tpu.memory_space<vmem>>
        %dma_wait3A_758 = tpu.memref_squeeze %dma_wait3A_757 : memref<1x128xi32, #tpu.memory_space<vmem>> -> memref<128xi32, #tpu.memory_space<vmem>>
        %dma_wait3A_759 = arith.constant 0 : i32
        %dma_wait3A_760 = arith.constant 0 : i32
        %dma_wait3A_761 = tpu.memref_slice %arg12[%dma_wait3A_759, %dma_wait3A_760] : memref<10000x128xf32, #tpu.memory_space<vmem_shared>> -> memref<10000x128xf32, #tpu.memory_space<vmem_shared>>
        tpu.wait_indirect_dma semaphore(%run_scoped3A_749 : memref<!tpu.dma_semaphore, #tpu.memory_space<semaphore_mem>>) src(%arg11 : memref<128x128xf32, #tpu.memory_space<vmem>>) dst(%dma_wait3A_761 : memref<10000x128xf32, #tpu.memory_space<vmem_shared>>)
        tpu.yield
      }) : () -> ()
    }
    %scan3A_110 = arith.constant 6 : i32
    %dma_wait3A_111 = arith.constant 0 : i32
    %dma_wait3A_112 = arith.constant 0 : i32
    %dma_wait3A_113 = arith.constant 0 : i32
    %dma_wait3A_114 = tpu.memref_slice %arg3[%dma_wait3A_111, %dma_wait3A_112, %dma_wait3A_113] : memref<2500x2x128xi32, #tpu.memory_space<hbm>> -> memref<1x2x128xi32, #tpu.memory_space<hbm>>
    %dma_wait3A_115 = tpu.memref_squeeze %dma_wait3A_114 : memref<1x2x128xi32, #tpu.memory_space<hbm>> -> memref<2x128xi32, #tpu.memory_space<hbm>>
    %dma_wait3A_116 = arith.constant 0 : i32
    %dma_wait3A_117 = arith.constant 0 : i32
    %dma_wait3A_118 = tpu.memref_slice %arg3[%dma_wait3A_111, %dma_wait3A_116, %dma_wait3A_117] : memref<2500x2x128xi32, #tpu.memory_space<hbm>> -> memref<1x2x128xi32, #tpu.memory_space<hbm>>
    %dma_wait3A_119 = tpu.memref_squeeze %dma_wait3A_118 : memref<1x2x128xi32, #tpu.memory_space<hbm>> -> memref<2x128xi32, #tpu.memory_space<hbm>>
    tpu.wait_dma2 semaphore(%arg15 : memref<!tpu.dma_semaphore, #tpu.memory_space<semaphore_mem>>) src(%dma_wait3A_119 : memref<2x128xi32, #tpu.memory_space<hbm>>) dst(%arg7 : memref<2x128xi32, #tpu.memory_space<vmem>>)
    %dma_start3A_120 = arith.constant 0 : i32
    %dma_start3A_121 = arith.constant 0 : i32
    %dma_start3A_122 = tpu.memref_slice %arg7[%dma_start3A_120, %dma_start3A_121] : memref<2x128xi32, #tpu.memory_space<vmem>> -> memref<1x128xi32, #tpu.memory_space<vmem>>
    %dma_start3A_123 = tpu.memref_squeeze %dma_start3A_122 : memref<1x128xi32, #tpu.memory_space<vmem>> -> memref<128xi32, #tpu.memory_space<vmem>>
    %dma_start3A_124 = arith.constant 0 : i32
    %dma_start3A_125 = arith.constant 0 : i32
    %dma_start3A_126 = tpu.memref_slice %arg2[%dma_start3A_124, %dma_start3A_125] : memref<10000x128xf32, #tpu.memory_space<hbm>> -> memref<10000x128xf32, #tpu.memory_space<hbm>>
    tpu.enqueue_indirect_dma source(%dma_start3A_126 : memref<10000x128xf32, #tpu.memory_space<hbm>>) target(%arg11 : memref<128x128xf32, #tpu.memory_space<vmem>>) offsets(%dma_start3A_123 : memref<128xi32, #tpu.memory_space<vmem>>) semaphore(%arg19 : memref<!tpu.dma_semaphore, #tpu.memory_space<semaphore_mem>>)
    %add3A_127 = arith.constant 75 : i32
    %add3A_128 = arith.addi %mul3A_2, %add3A_127 : i32
    %dma_start3A_129 = arith.constant 0 : i32
    %dma_start3A_130 = arith.constant 0 : i32
    %dma_start3A_131 = tpu.memref_slice %arg3[%add3A_128, %dma_start3A_129, %dma_start3A_130] : memref<2500x2x128xi32, #tpu.memory_space<hbm>> -> memref<1x2x128xi32, #tpu.memory_space<hbm>>
    %dma_start3A_132 = tpu.memref_squeeze %dma_start3A_131 : memref<1x2x128xi32, #tpu.memory_space<hbm>> -> memref<2x128xi32, #tpu.memory_space<hbm>>
    %dma_start3A_133 = arith.constant 0 : i32
    %dma_start3A_134 = arith.constant 0 : i32
    %dma_start3A_135 = tpu.memref_slice %arg3[%add3A_128, %dma_start3A_133, %dma_start3A_134] : memref<2500x2x128xi32, #tpu.memory_space<hbm>> -> memref<1x2x128xi32, #tpu.memory_space<hbm>>
    %dma_start3A_136 = tpu.memref_squeeze %dma_start3A_135 : memref<1x2x128xi32, #tpu.memory_space<hbm>> -> memref<2x128xi32, #tpu.memory_space<hbm>>
    tpu.enqueue_dma source(%dma_start3A_136 : memref<2x128xi32, #tpu.memory_space<hbm>>) target(%arg8 : memref<2x128xi32, #tpu.memory_space<vmem>>) target_semaphore(%arg16 : memref<!tpu.dma_semaphore, #tpu.memory_space<semaphore_mem>>)
    %dma_wait3A_137 = arith.constant 0 : i32
    %dma_wait3A_138 = arith.constant 0 : i32
    %dma_wait3A_139 = tpu.memref_slice %arg2[%dma_wait3A_137, %dma_wait3A_138] : memref<10000x128xf32, #tpu.memory_space<hbm>> -> memref<128x128xf32, #tpu.memory_space<hbm>>
    %dma_wait3A_140 = arith.constant 0 : i32
    %dma_wait3A_141 = arith.constant 0 : i32
    %dma_wait3A_142 = tpu.memref_slice %arg2[%dma_wait3A_140, %dma_wait3A_141] : memref<10000x128xf32, #tpu.memory_space<hbm>> -> memref<128x128xf32, #tpu.memory_space<hbm>>
    tpu.wait_dma2 semaphore(%arg17 : memref<!tpu.dma_semaphore, #tpu.memory_space<semaphore_mem>>) src(%dma_wait3A_142 : memref<128x128xf32, #tpu.memory_space<hbm>>) dst(%arg9 : memref<128x128xf32, #tpu.memory_space<vmem>>)
    %run_scoped3A = arith.constant 1 : i32
    "tpu.region"() ({
      %run_scoped3A_292 = tpu.sem_alloc : memref<!tpu.dma_semaphore, #tpu.memory_space<semaphore_mem>>
      %dma_start3A_293 = arith.constant 0 : i32
      %dma_start3A_294 = tpu.memref_slice %arg5[%run_scoped3A, %dma_start3A_293] : memref<2x128xi32, #tpu.memory_space<vmem>> -> memref<1x128xi32, #tpu.memory_space<vmem>>
      %dma_start3A_295 = tpu.memref_squeeze %dma_start3A_294 : memref<1x128xi32, #tpu.memory_space<vmem>> -> memref<128xi32, #tpu.memory_space<vmem>>
      %dma_start3A_296 = arith.constant 0 : i32
      %dma_start3A_297 = arith.constant 0 : i32
      %dma_start3A_298 = tpu.memref_slice %arg12[%dma_start3A_296, %dma_start3A_297] : memref<10000x128xf32, #tpu.memory_space<vmem_shared>> -> memref<10000x128xf32, #tpu.memory_space<vmem_shared>>
      tpu.enqueue_indirect_dma source(%arg9 : memref<128x128xf32, #tpu.memory_space<vmem>>) target(%dma_start3A_298 : memref<10000x128xf32, #tpu.memory_space<vmem_shared>>) offsets(%dma_start3A_295 : memref<128xi32, #tpu.memory_space<vmem>>) semaphore(%run_scoped3A_292 : memref<!tpu.dma_semaphore, #tpu.memory_space<semaphore_mem>>) {add = true}
      %dma_wait3A_299 = arith.constant 0 : i32
      %dma_wait3A_300 = tpu.memref_slice %arg5[%run_scoped3A, %dma_wait3A_299] : memref<2x128xi32, #tpu.memory_space<vmem>> -> memref<1x128xi32, #tpu.memory_space<vmem>>
      %dma_wait3A_301 = tpu.memref_squeeze %dma_wait3A_300 : memref<1x128xi32, #tpu.memory_space<vmem>> -> memref<128xi32, #tpu.memory_space<vmem>>
      %dma_wait3A_302 = arith.constant 0 : i32
      %dma_wait3A_303 = arith.constant 0 : i32
      %dma_wait3A_304 = tpu.memref_slice %arg12[%dma_wait3A_302, %dma_wait3A_303] : memref<10000x128xf32, #tpu.memory_space<vmem_shared>> -> memref<10000x128xf32, #tpu.memory_space<vmem_shared>>
      tpu.wait_indirect_dma semaphore(%run_scoped3A_292 : memref<!tpu.dma_semaphore, #tpu.memory_space<semaphore_mem>>) src(%arg9 : memref<128x128xf32, #tpu.memory_space<vmem>>) dst(%dma_wait3A_304 : memref<10000x128xf32, #tpu.memory_space<vmem_shared>>)
      tpu.yield
    }) : () -> ()
    %dma_wait3A_143 = arith.constant 0 : i32
    %dma_wait3A_144 = arith.constant 0 : i32
    %dma_wait3A_145 = arith.constant 0 : i32
    %dma_wait3A_146 = tpu.memref_slice %arg3[%dma_wait3A_143, %dma_wait3A_144, %dma_wait3A_145] : memref<2500x2x128xi32, #tpu.memory_space<hbm>> -> memref<1x2x128xi32, #tpu.memory_space<hbm>>
    %dma_wait3A_147 = tpu.memref_squeeze %dma_wait3A_146 : memref<1x2x128xi32, #tpu.memory_space<hbm>> -> memref<2x128xi32, #tpu.memory_space<hbm>>
    %dma_wait3A_148 = arith.constant 0 : i32
    %dma_wait3A_149 = arith.constant 0 : i32
    %dma_wait3A_150 = tpu.memref_slice %arg3[%dma_wait3A_143, %dma_wait3A_148, %dma_wait3A_149] : memref<2500x2x128xi32, #tpu.memory_space<hbm>> -> memref<1x2x128xi32, #tpu.memory_space<hbm>>
    %dma_wait3A_151 = tpu.memref_squeeze %dma_wait3A_150 : memref<1x2x128xi32, #tpu.memory_space<hbm>> -> memref<2x128xi32, #tpu.memory_space<hbm>>
    tpu.wait_dma2 semaphore(%arg16 : memref<!tpu.dma_semaphore, #tpu.memory_space<semaphore_mem>>) src(%dma_wait3A_151 : memref<2x128xi32, #tpu.memory_space<hbm>>) dst(%arg8 : memref<2x128xi32, #tpu.memory_space<vmem>>)
    %dma_start3A_152 = arith.constant 0 : i32
    %dma_start3A_153 = arith.constant 0 : i32
    %dma_start3A_154 = tpu.memref_slice %arg8[%dma_start3A_152, %dma_start3A_153] : memref<2x128xi32, #tpu.memory_space<vmem>> -> memref<1x128xi32, #tpu.memory_space<vmem>>
    %dma_start3A_155 = tpu.memref_squeeze %dma_start3A_154 : memref<1x128xi32, #tpu.memory_space<vmem>> -> memref<128xi32, #tpu.memory_space<vmem>>
    %dma_start3A_156 = arith.constant 0 : i32
    %dma_start3A_157 = arith.constant 0 : i32
    %dma_start3A_158 = tpu.memref_slice %arg2[%dma_start3A_156, %dma_start3A_157] : memref<10000x128xf32, #tpu.memory_space<hbm>> -> memref<10000x128xf32, #tpu.memory_space<hbm>>
    tpu.enqueue_indirect_dma source(%dma_start3A_158 : memref<10000x128xf32, #tpu.memory_space<hbm>>) target(%arg9 : memref<128x128xf32, #tpu.memory_space<vmem>>) offsets(%dma_start3A_155 : memref<128xi32, #tpu.memory_space<vmem>>) semaphore(%arg17 : memref<!tpu.dma_semaphore, #tpu.memory_space<semaphore_mem>>)
    %add3A_159 = arith.constant 76 : i32
    %add3A_160 = arith.addi %mul3A_2, %add3A_159 : i32
    %dma_start3A_161 = arith.constant 0 : i32
    %dma_start3A_162 = arith.constant 0 : i32
    %dma_start3A_163 = tpu.memref_slice %arg3[%add3A_160, %dma_start3A_161, %dma_start3A_162] : memref<2500x2x128xi32, #tpu.memory_space<hbm>> -> memref<1x2x128xi32, #tpu.memory_space<hbm>>
    %dma_start3A_164 = tpu.memref_squeeze %dma_start3A_163 : memref<1x2x128xi32, #tpu.memory_space<hbm>> -> memref<2x128xi32, #tpu.memory_space<hbm>>
    %dma_start3A_165 = arith.constant 0 : i32
    %dma_start3A_166 = arith.constant 0 : i32
    %dma_start3A_167 = tpu.memref_slice %arg3[%add3A_160, %dma_start3A_165, %dma_start3A_166] : memref<2500x2x128xi32, #tpu.memory_space<hbm>> -> memref<1x2x128xi32, #tpu.memory_space<hbm>>
    %dma_start3A_168 = tpu.memref_squeeze %dma_start3A_167 : memref<1x2x128xi32, #tpu.memory_space<hbm>> -> memref<2x128xi32, #tpu.memory_space<hbm>>
    tpu.enqueue_dma source(%dma_start3A_168 : memref<2x128xi32, #tpu.memory_space<hbm>>) target(%arg5 : memref<2x128xi32, #tpu.memory_space<vmem>>) target_semaphore(%arg13 : memref<!tpu.dma_semaphore, #tpu.memory_space<semaphore_mem>>)
    %dma_wait3A_169 = arith.constant 0 : i32
    %dma_wait3A_170 = arith.constant 0 : i32
    %dma_wait3A_171 = tpu.memref_slice %arg2[%dma_wait3A_169, %dma_wait3A_170] : memref<10000x128xf32, #tpu.memory_space<hbm>> -> memref<128x128xf32, #tpu.memory_space<hbm>>
    %dma_wait3A_172 = arith.constant 0 : i32
    %dma_wait3A_173 = arith.constant 0 : i32
    %dma_wait3A_174 = tpu.memref_slice %arg2[%dma_wait3A_172, %dma_wait3A_173] : memref<10000x128xf32, #tpu.memory_space<hbm>> -> memref<128x128xf32, #tpu.memory_space<hbm>>
    tpu.wait_dma2 semaphore(%arg18 : memref<!tpu.dma_semaphore, #tpu.memory_space<semaphore_mem>>) src(%dma_wait3A_174 : memref<128x128xf32, #tpu.memory_space<hbm>>) dst(%arg10 : memref<128x128xf32, #tpu.memory_space<vmem>>)
    %run_scoped3A_175 = arith.constant 1 : i32
    "tpu.region"() ({
      %run_scoped3A_292 = tpu.sem_alloc : memref<!tpu.dma_semaphore, #tpu.memory_space<semaphore_mem>>
      %dma_start3A_293 = arith.constant 0 : i32
      %dma_start3A_294 = tpu.memref_slice %arg6[%run_scoped3A_175, %dma_start3A_293] : memref<2x128xi32, #tpu.memory_space<vmem>> -> memref<1x128xi32, #tpu.memory_space<vmem>>
      %dma_start3A_295 = tpu.memref_squeeze %dma_start3A_294 : memref<1x128xi32, #tpu.memory_space<vmem>> -> memref<128xi32, #tpu.memory_space<vmem>>
      %dma_start3A_296 = arith.constant 0 : i32
      %dma_start3A_297 = arith.constant 0 : i32
      %dma_start3A_298 = tpu.memref_slice %arg12[%dma_start3A_296, %dma_start3A_297] : memref<10000x128xf32, #tpu.memory_space<vmem_shared>> -> memref<10000x128xf32, #tpu.memory_space<vmem_shared>>
      tpu.enqueue_indirect_dma source(%arg10 : memref<128x128xf32, #tpu.memory_space<vmem>>) target(%dma_start3A_298 : memref<10000x128xf32, #tpu.memory_space<vmem_shared>>) offsets(%dma_start3A_295 : memref<128xi32, #tpu.memory_space<vmem>>) semaphore(%run_scoped3A_292 : memref<!tpu.dma_semaphore, #tpu.memory_space<semaphore_mem>>) {add = true}
      %dma_wait3A_299 = arith.constant 0 : i32
      %dma_wait3A_300 = tpu.memref_slice %arg6[%run_scoped3A_175, %dma_wait3A_299] : memref<2x128xi32, #tpu.memory_space<vmem>> -> memref<1x128xi32, #tpu.memory_space<vmem>>
      %dma_wait3A_301 = tpu.memref_squeeze %dma_wait3A_300 : memref<1x128xi32, #tpu.memory_space<vmem>> -> memref<128xi32, #tpu.memory_space<vmem>>
      %dma_wait3A_302 = arith.constant 0 : i32
      %dma_wait3A_303 = arith.constant 0 : i32
      %dma_wait3A_304 = tpu.memref_slice %arg12[%dma_wait3A_302, %dma_wait3A_303] : memref<10000x128xf32, #tpu.memory_space<vmem_shared>> -> memref<10000x128xf32, #tpu.memory_space<vmem_shared>>
      tpu.wait_indirect_dma semaphore(%run_scoped3A_292 : memref<!tpu.dma_semaphore, #tpu.memory_space<semaphore_mem>>) src(%arg10 : memref<128x128xf32, #tpu.memory_space<vmem>>) dst(%dma_wait3A_304 : memref<10000x128xf32, #tpu.memory_space<vmem_shared>>)
      tpu.yield
    }) : () -> ()
    %dma_wait3A_176 = arith.constant 0 : i32
    %dma_wait3A_177 = arith.constant 0 : i32
    %dma_wait3A_178 = arith.constant 0 : i32
    %dma_wait3A_179 = tpu.memref_slice %arg3[%dma_wait3A_176, %dma_wait3A_177, %dma_wait3A_178] : memref<2500x2x128xi32, #tpu.memory_space<hbm>> -> memref<1x2x128xi32, #tpu.memory_space<hbm>>
    %dma_wait3A_180 = tpu.memref_squeeze %dma_wait3A_179 : memref<1x2x128xi32, #tpu.memory_space<hbm>> -> memref<2x128xi32, #tpu.memory_space<hbm>>
    %dma_wait3A_181 = arith.constant 0 : i32
    %dma_wait3A_182 = arith.constant 0 : i32
    %dma_wait3A_183 = tpu.memref_slice %arg3[%dma_wait3A_176, %dma_wait3A_181, %dma_wait3A_182] : memref<2500x2x128xi32, #tpu.memory_space<hbm>> -> memref<1x2x128xi32, #tpu.memory_space<hbm>>
    %dma_wait3A_184 = tpu.memref_squeeze %dma_wait3A_183 : memref<1x2x128xi32, #tpu.memory_space<hbm>> -> memref<2x128xi32, #tpu.memory_space<hbm>>
    tpu.wait_dma2 semaphore(%arg13 : memref<!tpu.dma_semaphore, #tpu.memory_space<semaphore_mem>>) src(%dma_wait3A_184 : memref<2x128xi32, #tpu.memory_space<hbm>>) dst(%arg5 : memref<2x128xi32, #tpu.memory_space<vmem>>)
    %dma_start3A_185 = arith.constant 0 : i32
    %dma_start3A_186 = arith.constant 0 : i32
    %dma_start3A_187 = tpu.memref_slice %arg5[%dma_start3A_185, %dma_start3A_186] : memref<2x128xi32, #tpu.memory_space<vmem>> -> memref<1x128xi32, #tpu.memory_space<vmem>>
    %dma_start3A_188 = tpu.memref_squeeze %dma_start3A_187 : memref<1x128xi32, #tpu.memory_space<vmem>> -> memref<128xi32, #tpu.memory_space<vmem>>
    %dma_start3A_189 = arith.constant 0 : i32
    %dma_start3A_190 = arith.constant 0 : i32
    %dma_start3A_191 = tpu.memref_slice %arg2[%dma_start3A_189, %dma_start3A_190] : memref<10000x128xf32, #tpu.memory_space<hbm>> -> memref<10000x128xf32, #tpu.memory_space<hbm>>
    tpu.enqueue_indirect_dma source(%dma_start3A_191 : memref<10000x128xf32, #tpu.memory_space<hbm>>) target(%arg10 : memref<128x128xf32, #tpu.memory_space<vmem>>) offsets(%dma_start3A_188 : memref<128xi32, #tpu.memory_space<vmem>>) semaphore(%arg18 : memref<!tpu.dma_semaphore, #tpu.memory_space<semaphore_mem>>)
    %add3A_192 = arith.constant 77 : i32
    %add3A_193 = arith.addi %mul3A_2, %add3A_192 : i32
    %dma_start3A_194 = arith.constant 0 : i32
    %dma_start3A_195 = arith.constant 0 : i32
    %dma_start3A_196 = tpu.memref_slice %arg3[%add3A_193, %dma_start3A_194, %dma_start3A_195] : memref<2500x2x128xi32, #tpu.memory_space<hbm>> -> memref<1x2x128xi32, #tpu.memory_space<hbm>>
    %dma_start3A_197 = tpu.memref_squeeze %dma_start3A_196 : memref<1x2x128xi32, #tpu.memory_space<hbm>> -> memref<2x128xi32, #tpu.memory_space<hbm>>
    %dma_start3A_198 = arith.constant 0 : i32
    %dma_start3A_199 = arith.constant 0 : i32
    %dma_start3A_200 = tpu.memref_slice %arg3[%add3A_193, %dma_start3A_198, %dma_start3A_199] : memref<2500x2x128xi32, #tpu.memory_space<hbm>> -> memref<1x2x128xi32, #tpu.memory_space<hbm>>
    %dma_start3A_201 = tpu.memref_squeeze %dma_start3A_200 : memref<1x2x128xi32, #tpu.memory_space<hbm>> -> memref<2x128xi32, #tpu.memory_space<hbm>>
    tpu.enqueue_dma source(%dma_start3A_201 : memref<2x128xi32, #tpu.memory_space<hbm>>) target(%arg6 : memref<2x128xi32, #tpu.memory_space<vmem>>) target_semaphore(%arg14 : memref<!tpu.dma_semaphore, #tpu.memory_space<semaphore_mem>>)
    %dma_wait3A_202 = arith.constant 0 : i32
    %dma_wait3A_203 = arith.constant 0 : i32
    %dma_wait3A_204 = tpu.memref_slice %arg2[%dma_wait3A_202, %dma_wait3A_203] : memref<10000x128xf32, #tpu.memory_space<hbm>> -> memref<128x128xf32, #tpu.memory_space<hbm>>
    %dma_wait3A_205 = arith.constant 0 : i32
    %dma_wait3A_206 = arith.constant 0 : i32
    %dma_wait3A_207 = tpu.memref_slice %arg2[%dma_wait3A_205, %dma_wait3A_206] : memref<10000x128xf32, #tpu.memory_space<hbm>> -> memref<128x128xf32, #tpu.memory_space<hbm>>
    tpu.wait_dma2 semaphore(%arg19 : memref<!tpu.dma_semaphore, #tpu.memory_space<semaphore_mem>>) src(%dma_wait3A_207 : memref<128x128xf32, #tpu.memory_space<hbm>>) dst(%arg11 : memref<128x128xf32, #tpu.memory_space<vmem>>)
    %run_scoped3A_208 = arith.constant 1 : i32
    "tpu.region"() ({
      %run_scoped3A_292 = tpu.sem_alloc : memref<!tpu.dma_semaphore, #tpu.memory_space<semaphore_mem>>
      %dma_start3A_293 = arith.constant 0 : i32
      %dma_start3A_294 = tpu.memref_slice %arg7[%run_scoped3A_208, %dma_start3A_293] : memref<2x128xi32, #tpu.memory_space<vmem>> -> memref<1x128xi32, #tpu.memory_space<vmem>>
      %dma_start3A_295 = tpu.memref_squeeze %dma_start3A_294 : memref<1x128xi32, #tpu.memory_space<vmem>> -> memref<128xi32, #tpu.memory_space<vmem>>
      %dma_start3A_296 = arith.constant 0 : i32
      %dma_start3A_297 = arith.constant 0 : i32
      %dma_start3A_298 = tpu.memref_slice %arg12[%dma_start3A_296, %dma_start3A_297] : memref<10000x128xf32, #tpu.memory_space<vmem_shared>> -> memref<10000x128xf32, #tpu.memory_space<vmem_shared>>
      tpu.enqueue_indirect_dma source(%arg11 : memref<128x128xf32, #tpu.memory_space<vmem>>) target(%dma_start3A_298 : memref<10000x128xf32, #tpu.memory_space<vmem_shared>>) offsets(%dma_start3A_295 : memref<128xi32, #tpu.memory_space<vmem>>) semaphore(%run_scoped3A_292 : memref<!tpu.dma_semaphore, #tpu.memory_space<semaphore_mem>>) {add = true}
      %dma_wait3A_299 = arith.constant 0 : i32
      %dma_wait3A_300 = tpu.memref_slice %arg7[%run_scoped3A_208, %dma_wait3A_299] : memref<2x128xi32, #tpu.memory_space<vmem>> -> memref<1x128xi32, #tpu.memory_space<vmem>>
      %dma_wait3A_301 = tpu.memref_squeeze %dma_wait3A_300 : memref<1x128xi32, #tpu.memory_space<vmem>> -> memref<128xi32, #tpu.memory_space<vmem>>
      %dma_wait3A_302 = arith.constant 0 : i32
      %dma_wait3A_303 = arith.constant 0 : i32
      %dma_wait3A_304 = tpu.memref_slice %arg12[%dma_wait3A_302, %dma_wait3A_303] : memref<10000x128xf32, #tpu.memory_space<vmem_shared>> -> memref<10000x128xf32, #tpu.memory_space<vmem_shared>>
      tpu.wait_indirect_dma semaphore(%run_scoped3A_292 : memref<!tpu.dma_semaphore, #tpu.memory_space<semaphore_mem>>) src(%arg11 : memref<128x128xf32, #tpu.memory_space<vmem>>) dst(%dma_wait3A_304 : memref<10000x128xf32, #tpu.memory_space<vmem_shared>>)
      tpu.yield
    }) : () -> ()
    %dma_wait3A_209 = arith.constant 0 : i32
    %dma_wait3A_210 = arith.constant 0 : i32
    %dma_wait3A_211 = arith.constant 0 : i32
    %dma_wait3A_212 = tpu.memref_slice %arg3[%dma_wait3A_209, %dma_wait3A_210, %dma_wait3A_211] : memref<2500x2x128xi32, #tpu.memory_space<hbm>> -> memref<1x2x128xi32, #tpu.memory_space<hbm>>
    %dma_wait3A_213 = tpu.memref_squeeze %dma_wait3A_212 : memref<1x2x128xi32, #tpu.memory_space<hbm>> -> memref<2x128xi32, #tpu.memory_space<hbm>>
    %dma_wait3A_214 = arith.constant 0 : i32
    %dma_wait3A_215 = arith.constant 0 : i32
    %dma_wait3A_216 = tpu.memref_slice %arg3[%dma_wait3A_209, %dma_wait3A_214, %dma_wait3A_215] : memref<2500x2x128xi32, #tpu.memory_space<hbm>> -> memref<1x2x128xi32, #tpu.memory_space<hbm>>
    %dma_wait3A_217 = tpu.memref_squeeze %dma_wait3A_216 : memref<1x2x128xi32, #tpu.memory_space<hbm>> -> memref<2x128xi32, #tpu.memory_space<hbm>>
    tpu.wait_dma2 semaphore(%arg14 : memref<!tpu.dma_semaphore, #tpu.memory_space<semaphore_mem>>) src(%dma_wait3A_217 : memref<2x128xi32, #tpu.memory_space<hbm>>) dst(%arg6 : memref<2x128xi32, #tpu.memory_space<vmem>>)
    %dma_start3A_218 = arith.constant 0 : i32
    %dma_start3A_219 = arith.constant 0 : i32
    %dma_start3A_220 = tpu.memref_slice %arg6[%dma_start3A_218, %dma_start3A_219] : memref<2x128xi32, #tpu.memory_space<vmem>> -> memref<1x128xi32, #tpu.memory_space<vmem>>
    %dma_start3A_221 = tpu.memref_squeeze %dma_start3A_220 : memref<1x128xi32, #tpu.memory_space<vmem>> -> memref<128xi32, #tpu.memory_space<vmem>>
    %dma_start3A_222 = arith.constant 0 : i32
    %dma_start3A_223 = arith.constant 0 : i32
    %dma_start3A_224 = tpu.memref_slice %arg2[%dma_start3A_222, %dma_start3A_223] : memref<10000x128xf32, #tpu.memory_space<hbm>> -> memref<10000x128xf32, #tpu.memory_space<hbm>>
    tpu.enqueue_indirect_dma source(%dma_start3A_224 : memref<10000x128xf32, #tpu.memory_space<hbm>>) target(%arg11 : memref<128x128xf32, #tpu.memory_space<vmem>>) offsets(%dma_start3A_221 : memref<128xi32, #tpu.memory_space<vmem>>) semaphore(%arg19 : memref<!tpu.dma_semaphore, #tpu.memory_space<semaphore_mem>>)
    %dma_wait3A_225 = arith.constant 0 : i32
    %dma_wait3A_226 = arith.constant 0 : i32
    %dma_wait3A_227 = tpu.memref_slice %arg2[%dma_wait3A_225, %dma_wait3A_226] : memref<10000x128xf32, #tpu.memory_space<hbm>> -> memref<128x128xf32, #tpu.memory_space<hbm>>
    %dma_wait3A_228 = arith.constant 0 : i32
    %dma_wait3A_229 = arith.constant 0 : i32
    %dma_wait3A_230 = tpu.memref_slice %arg2[%dma_wait3A_228, %dma_wait3A_229] : memref<10000x128xf32, #tpu.memory_space<hbm>> -> memref<128x128xf32, #tpu.memory_space<hbm>>
    tpu.wait_dma2 semaphore(%arg17 : memref<!tpu.dma_semaphore, #tpu.memory_space<semaphore_mem>>) src(%dma_wait3A_230 : memref<128x128xf32, #tpu.memory_space<hbm>>) dst(%arg9 : memref<128x128xf32, #tpu.memory_space<vmem>>)
    %run_scoped3A_231 = arith.constant 1 : i32
    "tpu.region"() ({
      %run_scoped3A_292 = tpu.sem_alloc : memref<!tpu.dma_semaphore, #tpu.memory_space<semaphore_mem>>
      %dma_start3A_293 = arith.constant 0 : i32
      %dma_start3A_294 = tpu.memref_slice %arg8[%run_scoped3A_231, %dma_start3A_293] : memref<2x128xi32, #tpu.memory_space<vmem>> -> memref<1x128xi32, #tpu.memory_space<vmem>>
      %dma_start3A_295 = tpu.memref_squeeze %dma_start3A_294 : memref<1x128xi32, #tpu.memory_space<vmem>> -> memref<128xi32, #tpu.memory_space<vmem>>
      %dma_start3A_296 = arith.constant 0 : i32
      %dma_start3A_297 = arith.constant 0 : i32
      %dma_start3A_298 = tpu.memref_slice %arg12[%dma_start3A_296, %dma_start3A_297] : memref<10000x128xf32, #tpu.memory_space<vmem_shared>> -> memref<10000x128xf32, #tpu.memory_space<vmem_shared>>
      tpu.enqueue_indirect_dma source(%arg9 : memref<128x128xf32, #tpu.memory_space<vmem>>) target(%dma_start3A_298 : memref<10000x128xf32, #tpu.memory_space<vmem_shared>>) offsets(%dma_start3A_295 : memref<128xi32, #tpu.memory_space<vmem>>) semaphore(%run_scoped3A_292 : memref<!tpu.dma_semaphore, #tpu.memory_space<semaphore_mem>>) {add = true}
      %dma_wait3A_299 = arith.constant 0 : i32
      %dma_wait3A_300 = tpu.memref_slice %arg8[%run_scoped3A_231, %dma_wait3A_299] : memref<2x128xi32, #tpu.memory_space<vmem>> -> memref<1x128xi32, #tpu.memory_space<vmem>>
      %dma_wait3A_301 = tpu.memref_squeeze %dma_wait3A_300 : memref<1x128xi32, #tpu.memory_space<vmem>> -> memref<128xi32, #tpu.memory_space<vmem>>
      %dma_wait3A_302 = arith.constant 0 : i32
      %dma_wait3A_303 = arith.constant 0 : i32
      %dma_wait3A_304 = tpu.memref_slice %arg12[%dma_wait3A_302, %dma_wait3A_303] : memref<10000x128xf32, #tpu.memory_space<vmem_shared>> -> memref<10000x128xf32, #tpu.memory_space<vmem_shared>>
      tpu.wait_indirect_dma semaphore(%run_scoped3A_292 : memref<!tpu.dma_semaphore, #tpu.memory_space<semaphore_mem>>) src(%arg9 : memref<128x128xf32, #tpu.memory_space<vmem>>) dst(%dma_wait3A_304 : memref<10000x128xf32, #tpu.memory_space<vmem_shared>>)
      tpu.yield
    }) : () -> ()
    %dma_wait3A_232 = arith.constant 0 : i32
    %dma_wait3A_233 = arith.constant 0 : i32
    %dma_wait3A_234 = tpu.memref_slice %arg2[%dma_wait3A_232, %dma_wait3A_233] : memref<10000x128xf32, #tpu.memory_space<hbm>> -> memref<128x128xf32, #tpu.memory_space<hbm>>
    %dma_wait3A_235 = arith.constant 0 : i32
    %dma_wait3A_236 = arith.constant 0 : i32
    %dma_wait3A_237 = tpu.memref_slice %arg2[%dma_wait3A_235, %dma_wait3A_236] : memref<10000x128xf32, #tpu.memory_space<hbm>> -> memref<128x128xf32, #tpu.memory_space<hbm>>
    tpu.wait_dma2 semaphore(%arg18 : memref<!tpu.dma_semaphore, #tpu.memory_space<semaphore_mem>>) src(%dma_wait3A_237 : memref<128x128xf32, #tpu.memory_space<hbm>>) dst(%arg10 : memref<128x128xf32, #tpu.memory_space<vmem>>)
    %run_scoped3A_238 = arith.constant 1 : i32
    "tpu.region"() ({
      %run_scoped3A_292 = tpu.sem_alloc : memref<!tpu.dma_semaphore, #tpu.memory_space<semaphore_mem>>
      %dma_start3A_293 = arith.constant 0 : i32
      %dma_start3A_294 = tpu.memref_slice %arg5[%run_scoped3A_238, %dma_start3A_293] : memref<2x128xi32, #tpu.memory_space<vmem>> -> memref<1x128xi32, #tpu.memory_space<vmem>>
      %dma_start3A_295 = tpu.memref_squeeze %dma_start3A_294 : memref<1x128xi32, #tpu.memory_space<vmem>> -> memref<128xi32, #tpu.memory_space<vmem>>
      %dma_start3A_296 = arith.constant 0 : i32
      %dma_start3A_297 = arith.constant 0 : i32
      %dma_start3A_298 = tpu.memref_slice %arg12[%dma_start3A_296, %dma_start3A_297] : memref<10000x128xf32, #tpu.memory_space<vmem_shared>> -> memref<10000x128xf32, #tpu.memory_space<vmem_shared>>
      tpu.enqueue_indirect_dma source(%arg10 : memref<128x128xf32, #tpu.memory_space<vmem>>) target(%dma_start3A_298 : memref<10000x128xf32, #tpu.memory_space<vmem_shared>>) offsets(%dma_start3A_295 : memref<128xi32, #tpu.memory_space<vmem>>) semaphore(%run_scoped3A_292 : memref<!tpu.dma_semaphore, #tpu.memory_space<semaphore_mem>>) {add = true}
      %dma_wait3A_299 = arith.constant 0 : i32
      %dma_wait3A_300 = tpu.memref_slice %arg5[%run_scoped3A_238, %dma_wait3A_299] : memref<2x128xi32, #tpu.memory_space<vmem>> -> memref<1x128xi32, #tpu.memory_space<vmem>>
      %dma_wait3A_301 = tpu.memref_squeeze %dma_wait3A_300 : memref<1x128xi32, #tpu.memory_space<vmem>> -> memref<128xi32, #tpu.memory_space<vmem>>
      %dma_wait3A_302 = arith.constant 0 : i32
      %dma_wait3A_303 = arith.constant 0 : i32
      %dma_wait3A_304 = tpu.memref_slice %arg12[%dma_wait3A_302, %dma_wait3A_303] : memref<10000x128xf32, #tpu.memory_space<vmem_shared>> -> memref<10000x128xf32, #tpu.memory_space<vmem_shared>>
      tpu.wait_indirect_dma semaphore(%run_scoped3A_292 : memref<!tpu.dma_semaphore, #tpu.memory_space<semaphore_mem>>) src(%arg10 : memref<128x128xf32, #tpu.memory_space<vmem>>) dst(%dma_wait3A_304 : memref<10000x128xf32, #tpu.memory_space<vmem_shared>>)
      tpu.yield
    }) : () -> ()
    %dma_wait3A_239 = arith.constant 0 : i32
    %dma_wait3A_240 = arith.constant 0 : i32
    %dma_wait3A_241 = tpu.memref_slice %arg2[%dma_wait3A_239, %dma_wait3A_240] : memref<10000x128xf32, #tpu.memory_space<hbm>> -> memref<128x128xf32, #tpu.memory_space<hbm>>
    %dma_wait3A_242 = arith.constant 0 : i32
    %dma_wait3A_243 = arith.constant 0 : i32
    %dma_wait3A_244 = tpu.memref_slice %arg2[%dma_wait3A_242, %dma_wait3A_243] : memref<10000x128xf32, #tpu.memory_space<hbm>> -> memref<128x128xf32, #tpu.memory_space<hbm>>
    tpu.wait_dma2 semaphore(%arg19 : memref<!tpu.dma_semaphore, #tpu.memory_space<semaphore_mem>>) src(%dma_wait3A_244 : memref<128x128xf32, #tpu.memory_space<hbm>>) dst(%arg11 : memref<128x128xf32, #tpu.memory_space<vmem>>)
    %run_scoped3A_245 = arith.constant 1 : i32
    "tpu.region"() ({
      %run_scoped3A_292 = tpu.sem_alloc : memref<!tpu.dma_semaphore, #tpu.memory_space<semaphore_mem>>
      %dma_start3A_293 = arith.constant 0 : i32
      %dma_start3A_294 = tpu.memref_slice %arg6[%run_scoped3A_245, %dma_start3A_293] : memref<2x128xi32, #tpu.memory_space<vmem>> -> memref<1x128xi32, #tpu.memory_space<vmem>>
      %dma_start3A_295 = tpu.memref_squeeze %dma_start3A_294 : memref<1x128xi32, #tpu.memory_space<vmem>> -> memref<128xi32, #tpu.memory_space<vmem>>
      %dma_start3A_296 = arith.constant 0 : i32
      %dma_start3A_297 = arith.constant 0 : i32
      %dma_start3A_298 = tpu.memref_slice %arg12[%dma_start3A_296, %dma_start3A_297] : memref<10000x128xf32, #tpu.memory_space<vmem_shared>> -> memref<10000x128xf32, #tpu.memory_space<vmem_shared>>
      tpu.enqueue_indirect_dma source(%arg11 : memref<128x128xf32, #tpu.memory_space<vmem>>) target(%dma_start3A_298 : memref<10000x128xf32, #tpu.memory_space<vmem_shared>>) offsets(%dma_start3A_295 : memref<128xi32, #tpu.memory_space<vmem>>) semaphore(%run_scoped3A_292 : memref<!tpu.dma_semaphore, #tpu.memory_space<semaphore_mem>>) {add = true}
      %dma_wait3A_299 = arith.constant 0 : i32
      %dma_wait3A_300 = tpu.memref_slice %arg6[%run_scoped3A_245, %dma_wait3A_299] : memref<2x128xi32, #tpu.memory_space<vmem>> -> memref<1x128xi32, #tpu.memory_space<vmem>>
      %dma_wait3A_301 = tpu.memref_squeeze %dma_wait3A_300 : memref<1x128xi32, #tpu.memory_space<vmem>> -> memref<128xi32, #tpu.memory_space<vmem>>
      %dma_wait3A_302 = arith.constant 0 : i32
      %dma_wait3A_303 = arith.constant 0 : i32
      %dma_wait3A_304 = tpu.memref_slice %arg12[%dma_wait3A_302, %dma_wait3A_303] : memref<10000x128xf32, #tpu.memory_space<vmem_shared>> -> memref<10000x128xf32, #tpu.memory_space<vmem_shared>>
      tpu.wait_indirect_dma semaphore(%run_scoped3A_292 : memref<!tpu.dma_semaphore, #tpu.memory_space<semaphore_mem>>) src(%arg11 : memref<128x128xf32, #tpu.memory_space<vmem>>) dst(%dma_wait3A_304 : memref<10000x128xf32, #tpu.memory_space<vmem_shared>>)
      tpu.yield
    }) : () -> ()
    %lt3A_246 = arith.constant 4 : i32
    %lt3A_247 = arith.cmpi slt, %add3A, %lt3A_246 : i32
    %convert_element_type3A_248 = arith.extui %lt3A_247 : i1 to i32
    %cond3A_249 = arith.constant 0 : i32
    %cond3A_250 = arith.cmpi ne, %convert_element_type3A_248, %cond3A_249 : i32
    scf.if %cond3A_250 {
      %add3A_292 = arith.constant 2496 : i32
      %add3A_293 = arith.addi %add3A_292, %add3A : i32
      "tpu.region"() ({
        %run_scoped3A_308 = tpu.sem_alloc : memref<!tpu.dma_semaphore, #tpu.memory_space<semaphore_mem>>
        %dma_start3A_309 = arith.constant 0 : i32
        %dma_start3A_310 = arith.constant 0 : i32
        %dma_start3A_311 = tpu.memref_slice %arg3[%add3A_293, %dma_start3A_309, %dma_start3A_310] : memref<2500x2x128xi32, #tpu.memory_space<hbm>> -> memref<1x2x128xi32, #tpu.memory_space<hbm>>
        %dma_start3A_312 = tpu.memref_squeeze %dma_start3A_311 : memref<1x2x128xi32, #tpu.memory_space<hbm>> -> memref<2x128xi32, #tpu.memory_space<hbm>>
        %dma_start3A_313 = arith.constant 0 : i32
        %dma_start3A_314 = arith.constant 0 : i32
        %dma_start3A_315 = tpu.memref_slice %arg3[%add3A_293, %dma_start3A_313, %dma_start3A_314] : memref<2500x2x128xi32, #tpu.memory_space<hbm>> -> memref<1x2x128xi32, #tpu.memory_space<hbm>>
        %dma_start3A_316 = tpu.memref_squeeze %dma_start3A_315 : memref<1x2x128xi32, #tpu.memory_space<hbm>> -> memref<2x128xi32, #tpu.memory_space<hbm>>
        tpu.enqueue_dma source(%dma_start3A_316 : memref<2x128xi32, #tpu.memory_space<hbm>>) target(%arg5 : memref<2x128xi32, #tpu.memory_space<vmem>>) target_semaphore(%run_scoped3A_308 : memref<!tpu.dma_semaphore, #tpu.memory_space<semaphore_mem>>)
        %dma_wait3A_317 = arith.constant 0 : i32
        %dma_wait3A_318 = arith.constant 0 : i32
        %dma_wait3A_319 = tpu.memref_slice %arg3[%add3A_293, %dma_wait3A_317, %dma_wait3A_318] : memref<2500x2x128xi32, #tpu.memory_space<hbm>> -> memref<1x2x128xi32, #tpu.memory_space<hbm>>
        %dma_wait3A_320 = tpu.memref_squeeze %dma_wait3A_319 : memref<1x2x128xi32, #tpu.memory_space<hbm>> -> memref<2x128xi32, #tpu.memory_space<hbm>>
        %dma_wait3A_321 = arith.constant 0 : i32
        %dma_wait3A_322 = arith.constant 0 : i32
        %dma_wait3A_323 = tpu.memref_slice %arg3[%add3A_293, %dma_wait3A_321, %dma_wait3A_322] : memref<2500x2x128xi32, #tpu.memory_space<hbm>> -> memref<1x2x128xi32, #tpu.memory_space<hbm>>
        %dma_wait3A_324 = tpu.memref_squeeze %dma_wait3A_323 : memref<1x2x128xi32, #tpu.memory_space<hbm>> -> memref<2x128xi32, #tpu.memory_space<hbm>>
        tpu.wait_dma2 semaphore(%run_scoped3A_308 : memref<!tpu.dma_semaphore, #tpu.memory_space<semaphore_mem>>) src(%dma_wait3A_324 : memref<2x128xi32, #tpu.memory_space<hbm>>) dst(%arg5 : memref<2x128xi32, #tpu.memory_space<vmem>>)
        tpu.yield
      }) : () -> ()
      %dma_start3A_294 = arith.constant 0 : i32
      %dma_start3A_295 = arith.constant 0 : i32
      %dma_start3A_296 = tpu.memref_slice %arg5[%dma_start3A_294, %dma_start3A_295] : memref<2x128xi32, #tpu.memory_space<vmem>> -> memref<1x128xi32, #tpu.memory_space<vmem>>
      %dma_start3A_297 = tpu.memref_squeeze %dma_start3A_296 : memref<1x128xi32, #tpu.memory_space<vmem>> -> memref<128xi32, #tpu.memory_space<vmem>>
      %dma_start3A_298 = arith.constant 0 : i32
      %dma_start3A_299 = arith.constant 0 : i32
      %dma_start3A_300 = tpu.memref_slice %arg2[%dma_start3A_298, %dma_start3A_299] : memref<10000x128xf32, #tpu.memory_space<hbm>> -> memref<10000x128xf32, #tpu.memory_space<hbm>>
      tpu.enqueue_indirect_dma source(%dma_start3A_300 : memref<10000x128xf32, #tpu.memory_space<hbm>>) target(%arg9 : memref<128x128xf32, #tpu.memory_space<vmem>>) offsets(%dma_start3A_297 : memref<128xi32, #tpu.memory_space<vmem>>) semaphore(%arg17 : memref<!tpu.dma_semaphore, #tpu.memory_space<semaphore_mem>>)
      %dma_wait3A_301 = arith.constant 0 : i32
      %dma_wait3A_302 = arith.constant 0 : i32
      %dma_wait3A_303 = tpu.memref_slice %arg2[%dma_wait3A_301, %dma_wait3A_302] : memref<10000x128xf32, #tpu.memory_space<hbm>> -> memref<128x128xf32, #tpu.memory_space<hbm>>
      %dma_wait3A_304 = arith.constant 0 : i32
      %dma_wait3A_305 = arith.constant 0 : i32
      %dma_wait3A_306 = tpu.memref_slice %arg2[%dma_wait3A_304, %dma_wait3A_305] : memref<10000x128xf32, #tpu.memory_space<hbm>> -> memref<128x128xf32, #tpu.memory_space<hbm>>
      tpu.wait_dma2 semaphore(%arg17 : memref<!tpu.dma_semaphore, #tpu.memory_space<semaphore_mem>>) src(%dma_wait3A_306 : memref<128x128xf32, #tpu.memory_space<hbm>>) dst(%arg9 : memref<128x128xf32, #tpu.memory_space<vmem>>)
      %run_scoped3A_307 = arith.constant 1 : i32
      "tpu.region"() ({
        %run_scoped3A_308 = tpu.sem_alloc : memref<!tpu.dma_semaphore, #tpu.memory_space<semaphore_mem>>
        %dma_start3A_309 = arith.constant 0 : i32
        %dma_start3A_310 = tpu.memref_slice %arg5[%run_scoped3A_307, %dma_start3A_309] : memref<2x128xi32, #tpu.memory_space<vmem>> -> memref<1x128xi32, #tpu.memory_space<vmem>>
        %dma_start3A_311 = tpu.memref_squeeze %dma_start3A_310 : memref<1x128xi32, #tpu.memory_space<vmem>> -> memref<128xi32, #tpu.memory_space<vmem>>
        %dma_start3A_312 = arith.constant 0 : i32
        %dma_start3A_313 = arith.constant 0 : i32
        %dma_start3A_314 = tpu.memref_slice %arg12[%dma_start3A_312, %dma_start3A_313] : memref<10000x128xf32, #tpu.memory_space<vmem_shared>> -> memref<10000x128xf32, #tpu.memory_space<vmem_shared>>
        tpu.enqueue_indirect_dma source(%arg9 : memref<128x128xf32, #tpu.memory_space<vmem>>) target(%dma_start3A_314 : memref<10000x128xf32, #tpu.memory_space<vmem_shared>>) offsets(%dma_start3A_311 : memref<128xi32, #tpu.memory_space<vmem>>) semaphore(%run_scoped3A_308 : memref<!tpu.dma_semaphore, #tpu.memory_space<semaphore_mem>>) {add = true}
        %dma_wait3A_315 = arith.constant 0 : i32
        %dma_wait3A_316 = tpu.memref_slice %arg5[%run_scoped3A_307, %dma_wait3A_315] : memref<2x128xi32, #tpu.memory_space<vmem>> -> memref<1x128xi32, #tpu.memory_space<vmem>>
        %dma_wait3A_317 = tpu.memref_squeeze %dma_wait3A_316 : memref<1x128xi32, #tpu.memory_space<vmem>> -> memref<128xi32, #tpu.memory_space<vmem>>
        %dma_wait3A_318 = arith.constant 0 : i32
        %dma_wait3A_319 = arith.constant 0 : i32
        %dma_wait3A_320 = tpu.memref_slice %arg12[%dma_wait3A_318, %dma_wait3A_319] : memref<10000x128xf32, #tpu.memory_space<vmem_shared>> -> memref<10000x128xf32, #tpu.memory_space<vmem_shared>>
        tpu.wait_indirect_dma semaphore(%run_scoped3A_308 : memref<!tpu.dma_semaphore, #tpu.memory_space<semaphore_mem>>) src(%arg9 : memref<128x128xf32, #tpu.memory_space<vmem>>) dst(%dma_wait3A_320 : memref<10000x128xf32, #tpu.memory_space<vmem_shared>>)
        tpu.yield
      }) : () -> ()
    } else {
    }
    %barrier3A_251 = arith.constant 0 : index
    tpu.barrier barrier_id(%barrier3A_251)
    %add3A_252 = arith.constant 0 : i32
    %add3A_253 = arith.addi %arg1, %add3A_252 : i32
    %lt3A_254 = arith.constant 78 : i32
    %lt3A_255 = arith.cmpi slt, %add3A_253, %lt3A_254 : i32
    %convert_element_type3A_256 = arith.extui %lt3A_255 : i1 to i32
    %cond3A_257 = arith.constant 0 : i32
    %cond3A_258 = arith.cmpi ne, %convert_element_type3A_256, %cond3A_257 : i32
    scf.if %cond3A_258 {
      %mul3A_292 = arith.constant 128 : i32
      %mul3A_293 = arith.muli %add3A_253, %mul3A_292 : i32
      %multiple_of3A = tpu.assume_multiple %mul3A_293, 8 : i32
      "tpu.region"() ({
        %run_scoped3A_294 = tpu.sem_alloc : memref<!tpu.dma_semaphore, #tpu.memory_space<semaphore_mem>>
        %dma_start3A_295 = arith.constant 0 : i32
        %dma_start3A_296 = tpu.memref_slice %arg4[%arg0, %multiple_of3A, %dma_start3A_295] : memref<2x10000x128xf32, #tpu.memory_space<hbm>> -> memref<1x128x128xf32, #tpu.memory_space<hbm>>
        %dma_start3A_297 = tpu.memref_squeeze %dma_start3A_296 : memref<1x128x128xf32, #tpu.memory_space<hbm>> -> memref<128x128xf32, #tpu.memory_space<hbm>>
        %dma_start3A_298 = arith.constant 0 : i32
        %dma_start3A_299 = tpu.memref_slice %arg12[%multiple_of3A, %dma_start3A_298] : memref<10000x128xf32, #tpu.memory_space<vmem_shared>> -> memref<128x128xf32, #tpu.memory_space<vmem_shared>>
        tpu.enqueue_dma source(%dma_start3A_299 : memref<128x128xf32, #tpu.memory_space<vmem_shared>>) target(%dma_start3A_297 : memref<128x128xf32, #tpu.memory_space<hbm>>) target_semaphore(%run_scoped3A_294 : memref<!tpu.dma_semaphore, #tpu.memory_space<semaphore_mem>>)
        %dma_wait3A_300 = arith.constant 0 : i32
        %dma_wait3A_301 = tpu.memref_slice %arg4[%arg0, %multiple_of3A, %dma_wait3A_300] : memref<2x10000x128xf32, #tpu.memory_space<hbm>> -> memref<1x128x128xf32, #tpu.memory_space<hbm>>
        %dma_wait3A_302 = tpu.memref_squeeze %dma_wait3A_301 : memref<1x128x128xf32, #tpu.memory_space<hbm>> -> memref<128x128xf32, #tpu.memory_space<hbm>>
        %dma_wait3A_303 = arith.constant 0 : i32
        %dma_wait3A_304 = tpu.memref_slice %arg12[%multiple_of3A, %dma_wait3A_303] : memref<10000x128xf32, #tpu.memory_space<vmem_shared>> -> memref<128x128xf32, #tpu.memory_space<vmem_shared>>
        tpu.wait_dma2 semaphore(%run_scoped3A_294 : memref<!tpu.dma_semaphore, #tpu.memory_space<semaphore_mem>>) src(%dma_wait3A_304 : memref<128x128xf32, #tpu.memory_space<vmem_shared>>) dst(%dma_wait3A_302 : memref<128x128xf32, #tpu.memory_space<hbm>>)
        tpu.yield
      }) : () -> ()
    } else {
    }
    %add3A_259 = arith.constant 16 : i32
    %add3A_260 = arith.addi %arg1, %add3A_259 : i32
    %lt3A_261 = arith.constant 78 : i32
    %lt3A_262 = arith.cmpi slt, %add3A_260, %lt3A_261 : i32
    %convert_element_type3A_263 = arith.extui %lt3A_262 : i1 to i32
    %cond3A_264 = arith.constant 0 : i32
    %cond3A_265 = arith.cmpi ne, %convert_element_type3A_263, %cond3A_264 : i32
    scf.if %cond3A_265 {
      %mul3A_292 = arith.constant 128 : i32
      %mul3A_293 = arith.muli %add3A_260, %mul3A_292 : i32
      %multiple_of3A = tpu.assume_multiple %mul3A_293, 8 : i32
      "tpu.region"() ({
        %run_scoped3A_294 = tpu.sem_alloc : memref<!tpu.dma_semaphore, #tpu.memory_space<semaphore_mem>>
        %dma_start3A_295 = arith.constant 0 : i32
        %dma_start3A_296 = tpu.memref_slice %arg4[%arg0, %multiple_of3A, %dma_start3A_295] : memref<2x10000x128xf32, #tpu.memory_space<hbm>> -> memref<1x128x128xf32, #tpu.memory_space<hbm>>
        %dma_start3A_297 = tpu.memref_squeeze %dma_start3A_296 : memref<1x128x128xf32, #tpu.memory_space<hbm>> -> memref<128x128xf32, #tpu.memory_space<hbm>>
        %dma_start3A_298 = arith.constant 0 : i32
        %dma_start3A_299 = tpu.memref_slice %arg12[%multiple_of3A, %dma_start3A_298] : memref<10000x128xf32, #tpu.memory_space<vmem_shared>> -> memref<128x128xf32, #tpu.memory_space<vmem_shared>>
        tpu.enqueue_dma source(%dma_start3A_299 : memref<128x128xf32, #tpu.memory_space<vmem_shared>>) target(%dma_start3A_297 : memref<128x128xf32, #tpu.memory_space<hbm>>) target_semaphore(%run_scoped3A_294 : memref<!tpu.dma_semaphore, #tpu.memory_space<semaphore_mem>>)
        %dma_wait3A_300 = arith.constant 0 : i32
        %dma_wait3A_301 = tpu.memref_slice %arg4[%arg0, %multiple_of3A, %dma_wait3A_300] : memref<2x10000x128xf32, #tpu.memory_space<hbm>> -> memref<1x128x128xf32, #tpu.memory_space<hbm>>
        %dma_wait3A_302 = tpu.memref_squeeze %dma_wait3A_301 : memref<1x128x128xf32, #tpu.memory_space<hbm>> -> memref<128x128xf32, #tpu.memory_space<hbm>>
        %dma_wait3A_303 = arith.constant 0 : i32
        %dma_wait3A_304 = tpu.memref_slice %arg12[%multiple_of3A, %dma_wait3A_303] : memref<10000x128xf32, #tpu.memory_space<vmem_shared>> -> memref<128x128xf32, #tpu.memory_space<vmem_shared>>
        tpu.wait_dma2 semaphore(%run_scoped3A_294 : memref<!tpu.dma_semaphore, #tpu.memory_space<semaphore_mem>>) src(%dma_wait3A_304 : memref<128x128xf32, #tpu.memory_space<vmem_shared>>) dst(%dma_wait3A_302 : memref<128x128xf32, #tpu.memory_space<hbm>>)
        tpu.yield
      }) : () -> ()
    } else {
    }
    %add3A_266 = arith.constant 32 : i32
    %add3A_267 = arith.addi %arg1, %add3A_266 : i32
    %lt3A_268 = arith.constant 78 : i32
    %lt3A_269 = arith.cmpi slt, %add3A_267, %lt3A_268 : i32
    %convert_element_type3A_270 = arith.extui %lt3A_269 : i1 to i32
    %cond3A_271 = arith.constant 0 : i32
    %cond3A_272 = arith.cmpi ne, %convert_element_type3A_270, %cond3A_271 : i32
    scf.if %cond3A_272 {
      %mul3A_292 = arith.constant 128 : i32
      %mul3A_293 = arith.muli %add3A_267, %mul3A_292 : i32
      %multiple_of3A = tpu.assume_multiple %mul3A_293, 8 : i32
      "tpu.region"() ({
        %run_scoped3A_294 = tpu.sem_alloc : memref<!tpu.dma_semaphore, #tpu.memory_space<semaphore_mem>>
        %dma_start3A_295 = arith.constant 0 : i32
        %dma_start3A_296 = tpu.memref_slice %arg4[%arg0, %multiple_of3A, %dma_start3A_295] : memref<2x10000x128xf32, #tpu.memory_space<hbm>> -> memref<1x128x128xf32, #tpu.memory_space<hbm>>
        %dma_start3A_297 = tpu.memref_squeeze %dma_start3A_296 : memref<1x128x128xf32, #tpu.memory_space<hbm>> -> memref<128x128xf32, #tpu.memory_space<hbm>>
        %dma_start3A_298 = arith.constant 0 : i32
        %dma_start3A_299 = tpu.memref_slice %arg12[%multiple_of3A, %dma_start3A_298] : memref<10000x128xf32, #tpu.memory_space<vmem_shared>> -> memref<128x128xf32, #tpu.memory_space<vmem_shared>>
        tpu.enqueue_dma source(%dma_start3A_299 : memref<128x128xf32, #tpu.memory_space<vmem_shared>>) target(%dma_start3A_297 : memref<128x128xf32, #tpu.memory_space<hbm>>) target_semaphore(%run_scoped3A_294 : memref<!tpu.dma_semaphore, #tpu.memory_space<semaphore_mem>>)
        %dma_wait3A_300 = arith.constant 0 : i32
        %dma_wait3A_301 = tpu.memref_slice %arg4[%arg0, %multiple_of3A, %dma_wait3A_300] : memref<2x10000x128xf32, #tpu.memory_space<hbm>> -> memref<1x128x128xf32, #tpu.memory_space<hbm>>
        %dma_wait3A_302 = tpu.memref_squeeze %dma_wait3A_301 : memref<1x128x128xf32, #tpu.memory_space<hbm>> -> memref<128x128xf32, #tpu.memory_space<hbm>>
        %dma_wait3A_303 = arith.constant 0 : i32
        %dma_wait3A_304 = tpu.memref_slice %arg12[%multiple_of3A, %dma_wait3A_303] : memref<10000x128xf32, #tpu.memory_space<vmem_shared>> -> memref<128x128xf32, #tpu.memory_space<vmem_shared>>
        tpu.wait_dma2 semaphore(%run_scoped3A_294 : memref<!tpu.dma_semaphore, #tpu.memory_space<semaphore_mem>>) src(%dma_wait3A_304 : memref<128x128xf32, #tpu.memory_space<vmem_shared>>) dst(%dma_wait3A_302 : memref<128x128xf32, #tpu.memory_space<hbm>>)
        tpu.yield
      }) : () -> ()
    } else {
    }
    %add3A_273 = arith.constant 48 : i32
    %add3A_274 = arith.addi %arg1, %add3A_273 : i32
    %lt3A_275 = arith.constant 78 : i32
    %lt3A_276 = arith.cmpi slt, %add3A_274, %lt3A_275 : i32
    %convert_element_type3A_277 = arith.extui %lt3A_276 : i1 to i32
    %cond3A_278 = arith.constant 0 : i32
    %cond3A_279 = arith.cmpi ne, %convert_element_type3A_277, %cond3A_278 : i32
    scf.if %cond3A_279 {
      %mul3A_292 = arith.constant 128 : i32
      %mul3A_293 = arith.muli %add3A_274, %mul3A_292 : i32
      %multiple_of3A = tpu.assume_multiple %mul3A_293, 8 : i32
      "tpu.region"() ({
        %run_scoped3A_294 = tpu.sem_alloc : memref<!tpu.dma_semaphore, #tpu.memory_space<semaphore_mem>>
        %dma_start3A_295 = arith.constant 0 : i32
        %dma_start3A_296 = tpu.memref_slice %arg4[%arg0, %multiple_of3A, %dma_start3A_295] : memref<2x10000x128xf32, #tpu.memory_space<hbm>> -> memref<1x128x128xf32, #tpu.memory_space<hbm>>
        %dma_start3A_297 = tpu.memref_squeeze %dma_start3A_296 : memref<1x128x128xf32, #tpu.memory_space<hbm>> -> memref<128x128xf32, #tpu.memory_space<hbm>>
        %dma_start3A_298 = arith.constant 0 : i32
        %dma_start3A_299 = tpu.memref_slice %arg12[%multiple_of3A, %dma_start3A_298] : memref<10000x128xf32, #tpu.memory_space<vmem_shared>> -> memref<128x128xf32, #tpu.memory_space<vmem_shared>>
        tpu.enqueue_dma source(%dma_start3A_299 : memref<128x128xf32, #tpu.memory_space<vmem_shared>>) target(%dma_start3A_297 : memref<128x128xf32, #tpu.memory_space<hbm>>) target_semaphore(%run_scoped3A_294 : memref<!tpu.dma_semaphore, #tpu.memory_space<semaphore_mem>>)
        %dma_wait3A_300 = arith.constant 0 : i32
        %dma_wait3A_301 = tpu.memref_slice %arg4[%arg0, %multiple_of3A, %dma_wait3A_300] : memref<2x10000x128xf32, #tpu.memory_space<hbm>> -> memref<1x128x128xf32, #tpu.memory_space<hbm>>
        %dma_wait3A_302 = tpu.memref_squeeze %dma_wait3A_301 : memref<1x128x128xf32, #tpu.memory_space<hbm>> -> memref<128x128xf32, #tpu.memory_space<hbm>>
        %dma_wait3A_303 = arith.constant 0 : i32
        %dma_wait3A_304 = tpu.memref_slice %arg12[%multiple_of3A, %dma_wait3A_303] : memref<10000x128xf32, #tpu.memory_space<vmem_shared>> -> memref<128x128xf32, #tpu.memory_space<vmem_shared>>
        tpu.wait_dma2 semaphore(%run_scoped3A_294 : memref<!tpu.dma_semaphore, #tpu.memory_space<semaphore_mem>>) src(%dma_wait3A_304 : memref<128x128xf32, #tpu.memory_space<vmem_shared>>) dst(%dma_wait3A_302 : memref<128x128xf32, #tpu.memory_space<hbm>>)
        tpu.yield
      }) : () -> ()
    } else {
    }
    %add3A_280 = arith.constant 64 : i32
    %add3A_281 = arith.addi %arg1, %add3A_280 : i32
    %lt3A_282 = arith.constant 78 : i32
    %lt3A_283 = arith.cmpi slt, %add3A_281, %lt3A_282 : i32
    %convert_element_type3A_284 = arith.extui %lt3A_283 : i1 to i32
    %cond3A_285 = arith.constant 0 : i32
    %cond3A_286 = arith.cmpi ne, %convert_element_type3A_284, %cond3A_285 : i32
    scf.if %cond3A_286 {
      %mul3A_292 = arith.constant 128 : i32
      %mul3A_293 = arith.muli %add3A_281, %mul3A_292 : i32
      %multiple_of3A = tpu.assume_multiple %mul3A_293, 8 : i32
      "tpu.region"() ({
        %run_scoped3A_294 = tpu.sem_alloc : memref<!tpu.dma_semaphore, #tpu.memory_space<semaphore_mem>>
        %dma_start3A_295 = arith.constant 0 : i32
        %dma_start3A_296 = tpu.memref_slice %arg4[%arg0, %multiple_of3A, %dma_start3A_295] : memref<2x10000x128xf32, #tpu.memory_space<hbm>> -> memref<1x128x128xf32, #tpu.memory_space<hbm>>
        %dma_start3A_297 = tpu.memref_squeeze %dma_start3A_296 : memref<1x128x128xf32, #tpu.memory_space<hbm>> -> memref<128x128xf32, #tpu.memory_space<hbm>>
        %dma_start3A_298 = arith.constant 0 : i32
        %dma_start3A_299 = tpu.memref_slice %arg12[%multiple_of3A, %dma_start3A_298] : memref<10000x128xf32, #tpu.memory_space<vmem_shared>> -> memref<128x128xf32, #tpu.memory_space<vmem_shared>>
        tpu.enqueue_dma source(%dma_start3A_299 : memref<128x128xf32, #tpu.memory_space<vmem_shared>>) target(%dma_start3A_297 : memref<128x128xf32, #tpu.memory_space<hbm>>) target_semaphore(%run_scoped3A_294 : memref<!tpu.dma_semaphore, #tpu.memory_space<semaphore_mem>>)
        %dma_wait3A_300 = arith.constant 0 : i32
        %dma_wait3A_301 = tpu.memref_slice %arg4[%arg0, %multiple_of3A, %dma_wait3A_300] : memref<2x10000x128xf32, #tpu.memory_space<hbm>> -> memref<1x128x128xf32, #tpu.memory_space<hbm>>
        %dma_wait3A_302 = tpu.memref_squeeze %dma_wait3A_301 : memref<1x128x128xf32, #tpu.memory_space<hbm>> -> memref<128x128xf32, #tpu.memory_space<hbm>>
        %dma_wait3A_303 = arith.constant 0 : i32
        %dma_wait3A_304 = tpu.memref_slice %arg12[%multiple_of3A, %dma_wait3A_303] : memref<10000x128xf32, #tpu.memory_space<vmem_shared>> -> memref<128x128xf32, #tpu.memory_space<vmem_shared>>
        tpu.wait_dma2 semaphore(%run_scoped3A_294 : memref<!tpu.dma_semaphore, #tpu.memory_space<semaphore_mem>>) src(%dma_wait3A_304 : memref<128x128xf32, #tpu.memory_space<vmem_shared>>) dst(%dma_wait3A_302 : memref<128x128xf32, #tpu.memory_space<hbm>>)
        tpu.yield
      }) : () -> ()
    } else {
    }
    %eq3A_287 = arith.constant 0 : i32
    %eq3A_288 = arith.cmpi eq, %arg1, %eq3A_287 : i32
    %convert_element_type3A_289 = arith.extui %eq3A_288 : i1 to i32
    %cond3A_290 = arith.constant 0 : i32
    %cond3A_291 = arith.cmpi ne, %convert_element_type3A_289, %cond3A_290 : i32
    scf.if %cond3A_291 {
      "tpu.region"() ({
        %run_scoped3A_292 = tpu.sem_alloc : memref<!tpu.dma_semaphore, #tpu.memory_space<semaphore_mem>>
        %dma_start3A_293 = arith.constant 9984 : i32
        %dma_start3A_294 = arith.constant 0 : i32
        %dma_start3A_295 = tpu.memref_slice %arg4[%arg0, %dma_start3A_293, %dma_start3A_294] : memref<2x10000x128xf32, #tpu.memory_space<hbm>> -> memref<1x16x128xf32, #tpu.memory_space<hbm>>
        %dma_start3A_296 = tpu.memref_squeeze %dma_start3A_295 : memref<1x16x128xf32, #tpu.memory_space<hbm>> -> memref<16x128xf32, #tpu.memory_space<hbm>>
        %dma_start3A_297 = arith.constant 9984 : i32
        %dma_start3A_298 = arith.constant 0 : i32
        %dma_start3A_299 = tpu.memref_slice %arg12[%dma_start3A_297, %dma_start3A_298] : memref<10000x128xf32, #tpu.memory_space<vmem_shared>> -> memref<16x128xf32, #tpu.memory_space<vmem_shared>>
        tpu.enqueue_dma source(%dma_start3A_299 : memref<16x128xf32, #tpu.memory_space<vmem_shared>>) target(%dma_start3A_296 : memref<16x128xf32, #tpu.memory_space<hbm>>) target_semaphore(%run_scoped3A_292 : memref<!tpu.dma_semaphore, #tpu.memory_space<semaphore_mem>>)
        %dma_wait3A_300 = arith.constant 9984 : i32
        %dma_wait3A_301 = arith.constant 0 : i32
        %dma_wait3A_302 = tpu.memref_slice %arg4[%arg0, %dma_wait3A_300, %dma_wait3A_301] : memref<2x10000x128xf32, #tpu.memory_space<hbm>> -> memref<1x16x128xf32, #tpu.memory_space<hbm>>
        %dma_wait3A_303 = tpu.memref_squeeze %dma_wait3A_302 : memref<1x16x128xf32, #tpu.memory_space<hbm>> -> memref<16x128xf32, #tpu.memory_space<hbm>>
        %dma_wait3A_304 = arith.constant 9984 : i32
        %dma_wait3A_305 = arith.constant 0 : i32
        %dma_wait3A_306 = tpu.memref_slice %arg12[%dma_wait3A_304, %dma_wait3A_305] : memref<10000x128xf32, #tpu.memory_space<vmem_shared>> -> memref<16x128xf32, #tpu.memory_space<vmem_shared>>
        tpu.wait_dma2 semaphore(%run_scoped3A_292 : memref<!tpu.dma_semaphore, #tpu.memory_space<semaphore_mem>>) src(%dma_wait3A_306 : memref<16x128xf32, #tpu.memory_space<vmem_shared>>) dst(%dma_wait3A_303 : memref<16x128xf32, #tpu.memory_space<hbm>>)
        tpu.yield
      }) : () -> ()
    } else {
    }
    return
  }
}

module attributes {stable_mosaic.version = 14 : i64} {
  func.func @body(%arg0: i32, %arg1: memref<2000x128xf32, #tpu.memory_space<vmem>>, %arg2: memref<2x2000x128xf32, #tpu.memory_space<vmem>>, %arg3: memref<128x128xf32, #tpu.memory_space<vmem>>, %arg4: memref<1x128xf32, #tpu.memory_space<vmem>>, %arg5: memref<2000x128xf32, #tpu.memory_space<vmem>>) attributes {dimension_semantics = [#tpu.dimension_semantics<arbitrary>], iteration_bounds = array<i64: 5>, scalar_prefetch = 0 : i64, scratch_operands = 0 : i64, tpu.core_type = #tpu.core_type<tc>, window_params = [{transform_indices = @transform_0, window_bounds = array<i64: 2000, 128>}, {transform_indices = @transform_1, window_bounds = array<i64: 2, 2000, 128>}, {pipeline_mode = #tpu.pipeline_mode<synchronous>, transform_indices = @transform_2, window_bounds = array<i64: 128, 128>}, {pipeline_mode = #tpu.pipeline_mode<synchronous>, transform_indices = @transform_3, window_bounds = array<i64: 1, 128>}, {transform_indices = @transform_4, window_bounds = array<i64: 2000, 128>}]} {
    %get3A = arith.constant 0 : index
    %get3A_0 = arith.constant 0 : index
    %get3A_1 = vector.load %arg1[%get3A, %get3A_0] : memref<2000x128xf32, #tpu.memory_space<vmem>>, vector<2000x128xf32>
    %get3A_2 = arith.constant 0 : index
    %get3A_3 = arith.constant 0 : index
    %get3A_4 = arith.constant 0 : index
    %get3A_5 = vector.load %arg2[%get3A_2, %get3A_3, %get3A_4] : memref<2x2000x128xf32, #tpu.memory_space<vmem>>, vector<1x2000x128xf32>
    %get3A_6 = vector.shape_cast %get3A_5 : vector<1x2000x128xf32> to vector<2000x128xf32>
    %add3A = arith.addf %get3A_1, %get3A_6 : vector<2000x128xf32>
    %get3A_7 = arith.constant 1 : index
    %get3A_8 = arith.constant 0 : index
    %get3A_9 = arith.constant 0 : index
    %get3A_10 = vector.load %arg2[%get3A_7, %get3A_8, %get3A_9] : memref<2x2000x128xf32, #tpu.memory_space<vmem>>, vector<1x2000x128xf32>
    %get3A_11 = vector.shape_cast %get3A_10 : vector<1x2000x128xf32> to vector<2000x128xf32>
    %add3A_12 = arith.addf %add3A, %get3A_11 : vector<2000x128xf32>
    %get3A_13 = arith.constant 0 : index
    %get3A_14 = arith.constant 0 : index
    %get3A_15 = vector.load %arg3[%get3A_13, %get3A_14] : memref<128x128xf32, #tpu.memory_space<vmem>>, vector<128x128xf32>
    %dot_general3A = arith.constant dense<0.000000e+00> : vector<2000x128xf32>
    %dot_general3A_16 = tpu.matmul %add3A_12, %get3A_15, %dot_general3A {dimension_numbers = #tpu.dot_dimension_numbers<[1], [0], [0], [1], [0, 0, 1, 1], [], []>, transpose_lhs_hint = false} : vector<2000x128xf32>, vector<128x128xf32>, vector<2000x128xf32> -> vector<2000x128xf32>
    %get3A_17 = arith.constant 0 : index
    %get3A_18 = arith.constant 0 : index
    %get3A_19 = vector.load %arg4[%get3A_17, %get3A_18] : memref<1x128xf32, #tpu.memory_space<vmem>>, vector<1x128xf32>
    %add3A_20 = vector.broadcast %get3A_19 : vector<1x128xf32> to vector<2000x128xf32>
    %add3A_21 = arith.addf %dot_general3A_16, %add3A_20 : vector<2000x128xf32>
    %swap3A = arith.constant 0 : index
    %swap3A_22 = arith.constant 0 : index
    %swap3A_23 = vector.load %arg5[%swap3A, %swap3A_22] : memref<2000x128xf32, #tpu.memory_space<vmem>>, vector<2000x128xf32>
    tpu.vector_store %arg5[%swap3A, %swap3A_22], %add3A_21 {strides = array<i32>} : memref<2000x128xf32, #tpu.memory_space<vmem>>, vector<2000x128xf32>,
    return
  }
  func.func @transform_0(%arg0: i32) -> (i32, i32) {
    %c0_i32 = arith.constant 0 : i32
    %c0_i32_0 = arith.constant 0 : i32
    return %arg0, %c0_i32 : i32, i32
  }
  func.func @transform_1(%arg0: i32) -> (i32, i32, i32) {
    %c0_i32 = arith.constant 0 : i32
    %c0_i32_0 = arith.constant 0 : i32
    %c0_i32_1 = arith.constant 0 : i32
    return %c0_i32, %arg0, %c0_i32_0 : i32, i32, i32
  }
  func.func @transform_2(%arg0: i32) -> (i32, i32) {
    %c0_i32 = arith.constant 0 : i32
    %c0_i32_0 = arith.constant 0 : i32
    %c0_i32_1 = arith.constant 0 : i32
    return %c0_i32, %c0_i32_0 : i32, i32
  }
  func.func @transform_3(%arg0: i32) -> (i32, i32) {
    %c0_i32 = arith.constant 0 : i32
    %c0_i32_0 = arith.constant 0 : i32
    %c0_i32_1 = arith.constant 0 : i32
    return %c0_i32, %c0_i32_0 : i32, i32
  }
  func.func @transform_4(%arg0: i32) -> (i32, i32) {
    %c0_i32 = arith.constant 0 : i32
    %c0_i32_0 = arith.constant 0 : i32
    return %arg0, %c0_i32 : i32, i32
  }
}

</mosaic_0001>

<sc_bundles>
// kernel: kernel.4.cloned.1.call-start
scs
__scs_entry_jumppad:
0x0: {  	(pc) =	sbr.rel $0x88, $3  }
0x1: {  	(tag) =	ssettag $0x0;
	lr =	simm.s32 $0x1  }
0x2: {  	[smem:$0x3F9D] =	sst lr;
	_ =	strace $0xD0000000  }
0x3: {  	_ = 	snop  }
0x4: {  	_ = 	snop  }
0x5: {  	_ = 	snop  }
0x6: {  	_ = 	snop  }
0x7: {  	_ = 	snop  }
__scs_overlays_trampoline_lowered:
0x8: {  	[smem:$0x3FAC] =	sst s0  }
0x9: {  	[smem:$0x3FAD] =	sst s1  }
0xa: {  	[smem:$0x3FAE] =	sst s2  }
0xb: {  	[smem:$0x3FAF] =	sst s3  }
0xc: {  	[smem:$0x3FB0] =	sst s4  }
0xd: {  	[smem:$0x3FB1] =	sst s5  }
0xe: {  	[smem:$0x3FB2] =	sst s6  }
0xf: {  	[smem:$0x3FB3] =	sst s7  }
0x10: {  	[smem:$0x3FB4] =	sst s8  }
0x11: {  	[smem:$0x3FB5] =	sst s9;
	s0 =	simm.s32 @!p0 $0x0  }
0x12: {  	s1 =	sld [smem:$0x3F9B];
	s0 =	simm.s32 @p0 $0x1  }
0x13: {  	[smem:$0x3FB6] =	sst s0;
	s0 =	simm.s32 @!p1 $0x0  }
0x14: {  	s2 =	sld [smem:$0x3F9A];
	s0 =	simm.s32 @p1 $0x1  }
0x15: {  	[smem:$0x3FB7] =	sst s0;
	s0 =	simm.s32 @!p2 $0x0  }
0x16: {  	s3 =	sld [smem:$0x3FDB];
	s0 =	simm.s32 @p2 $0x1  }
0x17: {  	s4 =	simm.s32 $0x1BF5;
	[smem:$0x3FB9] =	sst s0  }
0x18: {  	s0 =	sld [smem:$0x3F9C];
	_ =	swait.ge [sflag:s4], $0x0  }
0x19: {  	s7 =	sld [smem:$0x3F9D]  }
0x1a: {  	s8 =	sadd.s32 $0xFFFFE003, lr  }
0x1b: {  	s9 =	sadd.s32 $0xFFFFFEF7, lr;
	s5 =	simm.s32 $0xFFFFFFFF;
	p2 =	slt.u32 s8, $0xFFFFF086  }
0x1c: {  	p1 =	slt.u32 s9, $0xF7A;
	s5 =	simm.s32 @!p2 $0x0  }
0x1d: {  	s5 =	simm.s32 @p1 $0x1;
	p0 =	seq.s32 s7, s2  }
0x1e: {  	s7 =	smul.u32 @!p0 $0xF7A, s2;
	p2 =	seq.s32 @!p0 s5, $0x0  }
0x1f: {  	s9 =	smul.u32 $0xF7A, s1;
	s8 =	simm.s32 @!p0 $0x1BF5;
	p2 =	por !p2, p0  }
0x20: {  	[sflag:s8] =	ssyncset.s32 @!p0 $0xFFFFF086;
	s6 =	sadd.s32 @!p0 s3, s7;
	s7 =	simm.s32 @!p0 $0x108  }
0x21: {  	s3 =	sadd.s32 s3, s9;
	s6 =	sadd.s32 @!p0 $0x88, s6;
	s7 =	simm.s32 @p2 $0x1082  }
0x22: {  	[simem:s7], [sflag:s8] =	dma.local @!p0 [hbm:s6], $0xF7A  }
0x23: {  	s9 =	sor.u32 $0xD0000000, s2;
	s6 =	simm.s32 $0x108;
	_ =	swait.ge @!p0 [sflag:s8], $0x0  }
0x24: {  	s3 =	sadd.s32 $0x88, s3;
	s6 =	simm.s32 @!p1 $0x1082;
	[sflag:s4] =	ssyncset.s32 $0xFFFFF086  }
0x25: {  	[simem:s6], [sflag:s4] =	dma.local [hbm:s3], $0xF7A  }
0x26: {  	[smem:$0x3F9D] =	sst s1;
	(tag) =	ssettag s2;
	_ =	strace s9  }
0x27: {  	s1 =	sld [smem:$0x3FAD]  }
0x28: {  	s2 =	sld [smem:$0x3FAE]  }
0x29: {  	s4 =	sld [smem:$0x3FB0]  }
0x2a: {  	p0 =	seq.s32 s5, $0x0;
	s5 =	sld [smem:$0x3FB1]  }
0x2b: {  	s6 =	sld [smem:$0x3FB2]  }
0x2c: {  	s7 =	sld [smem:$0x3FB3]  }
0x2d: {  	s3 =	simm.s32 $0x108;
	s8 =	sld [smem:$0x3FB4]  }
0x2e: {  	s3 =	simm.s32 @!p0 $0x1082;
	s9 =	sld [smem:$0x3FB5]  }
0x2f: {  	lr =	sadd.s32 s0, s3;
	s0 =	sld [smem:$0x3FAC]  }
0x30: {  	s3 =	sld [smem:$0x3FAF]  }
0x31: {  	[smem:$0x3FB8] =	sst s10  }
0x32: {  	s10 =	sld [smem:$0x3FB6];
	_ =	sdelay $0x3  }
0x33: {  	p0 =	seq.s32 s10, $0x1;
	s10 =	sld [smem:$0x3FB8];
	_ =	sdelay $0x3  }
0x34: {  	[smem:$0x3FB8] =	sst s10  }
0x35: {  	s10 =	sld [smem:$0x3FB7];
	_ =	sdelay $0x3  }
0x36: {  	p1 =	seq.s32 s10, $0x1;
	s10 =	sld [smem:$0x3FB8];
	_ =	sdelay $0x3  }
0x37: {  	[smem:$0x3FB8] =	sst s10  }
0x38: {  	s10 =	sld [smem:$0x3FB9]  }
0x39: {  	_ = 	snop;
	(pc) =	sbr.ind lr, $3  }
0x3a: {  	_ = 	snop  }
0x3b: {  	_ = 	snop  }
0x3c: {  	p2 =	seq.s32 s10, $0x1;
	s10 =	sld [smem:$0x3FB8]  }
0x3d: {  	_ =	shalt  }
0x3e: {  	_ =	shalt  }
0x3f: {  	_ =	shalt  }
0x40: {  	_ =	shalt  }
0x41: {  	_ =	shalt  }
0x42: {  	_ =	shalt  }
0x43: {  	_ =	shalt  }
0x44: {  	_ =	shalt  }
0x45: {  	_ =	shalt  }
0x46: {  	_ =	shalt  }
0x47: {  	_ =	shalt  }
0x48: {  	_ =	shalt  }
0x49: {  	_ =	shalt  }
0x4a: {  	_ =	shalt  }
0x4b: {  	_ =	shalt  }
0x4c: {  	_ =	shalt  }
0x4d: {  	_ =	shalt  }
0x4e: {  	_ =	shalt  }
0x4f: {  	_ =	shalt  }
0x50: {  	_ =	shalt  }
0x51: {  	_ =	shalt  }
0x52: {  	_ =	shalt  }
0x53: {  	_ =	shalt  }
0x54: {  	_ =	shalt  }
0x55: {  	_ =	shalt  }
0x56: {  	_ =	shalt  }
0x57: {  	_ =	shalt  }
0x58: {  	_ =	shalt  }
0x59: {  	_ =	shalt  }
0x5a: {  	_ =	shalt  }
0x5b: {  	_ =	shalt  }
0x5c: {  	_ =	shalt  }
0x5d: {  	_ =	shalt  }
0x5e: {  	_ =	shalt  }
0x5f: {  	_ =	shalt  }
0x60: {  	_ =	shalt  }
0x61: {  	_ =	shalt  }
0x62: {  	_ =	shalt  }
0x63: {  	_ =	shalt  }
0x64: {  	_ =	shalt  }
0x65: {  	_ =	shalt  }
0x66: {  	_ =	shalt  }
0x67: {  	_ =	shalt  }
0x68: {  	_ =	shalt  }
0x69: {  	_ =	shalt  }
0x6a: {  	_ =	shalt  }
0x6b: {  	_ =	shalt  }
0x6c: {  	_ =	shalt  }
0x6d: {  	_ =	shalt  }
0x6e: {  	_ =	shalt  }
0x6f: {  	_ =	shalt  }
0x70: {  	_ =	shalt  }
0x71: {  	_ =	shalt  }
0x72: {  	_ =	shalt  }
0x73: {  	_ =	shalt  }
0x74: {  	_ =	shalt  }
0x75: {  	_ =	shalt  }
0x76: {  	_ =	shalt  }
0x77: {  	_ =	shalt  }
0x78: {  	_ =	shalt  }
0x79: {  	_ =	shalt  }
0x7a: {  	_ =	shalt  }
0x7b: {  	_ =	shalt  }
0x7c: {  	_ =	shalt  }
0x7d: {  	_ =	shalt  }
0x7e: {  	_ =	shalt  }
0x7f: {  	_ =	shalt  }
0x80: {  	_ =	shalt  }
0x81: {  	_ =	shalt  }
0x82: {  	_ =	shalt  }
0x83: {  	_ =	shalt  }
0x84: {  	_ =	shalt  }
0x85: {  	_ =	shalt  }
0x86: {  	_ =	shalt  }
0x87: {  	_ =	shalt  }
.Lfunc_end0:
.L_simem_size_0:
called_computation_lowered:
.L_overlay_start_0:
0x88: {  	s2 =	sld [smem:$0x3FD9]  }
0x89: {  	s3 =	sld [smem:$0x3FFE];
	_ =	sdelay $0x1  }
0x8a: {  	s1 =	srdreg.scid  }
0x8b: {  	s0 =	sand.u32 $0x1, s1  }
0x8c: {  	s17 =	sshll.u32 s0, $0xA;
	s2 =	sadd.s32 s3, s2  }
0x8d: {  	s2 =	sadd.s32 s2, s17  }
0x8e: {  	[smem:$0x3FC4] =	sst s2  }
0x8f: {  	_ = 	snop  }
0x90: {  	s2 =	sld [smem:$0x3FC9]  }
0x91: {  	s18 =	sld [smem:$0x3FC8];
	(tm) =	ssettm $0x1  }
0x92: {  	s4 =	sld [smem:$0x3FFB];
	_ =	sdelay $0x3  }
0x93: {  	_ =	strace s4  }
0x94: {  	s4 =	sld [smem:$0x3FFC];
	_ =	sdelay $0x3  }
0x95: {  	_ =	strace s4  }
0x96: {  	s4 =	sld [smem:$0x3FFD];
	_ =	sdelay $0x3  }
0x97: {  	_ =	strace s4  }
0x98: {  	_ =	strace $0x8FFFFFFF  }
0x99: {  	s19 =	sld [smem:$0x3FDB];
	_ =	sdelay $0x1  }
0x9a: {  	s5 =	simm.s32 $_scs_section_size  }
0x9b: {  	s6 =	simm.s32 $_size__tile_overlayer_lowered;
	s7 =	simm.s32 $_tile_overlayer_lowered  }
0x9c: {  	s22 =	simm.s32 $0x1BFF;
	s21 =	sshll.u32 s7, $0x1;
	s4 =	sadd.s32 s5, s19  }
0x9d: {  	s8 =	simm.s32 $0x0;
	s20 =	sshll.u32 s6, $0x1;
	s6 =	sadd.s32 s21, s4  }
0x9e: {  	[timem:s8], [sflag:s22] =	dma.local [hbm:s6], s20  }
0x9f: {  	_ =	swait.ge [sflag:s22], s20  }
0xa0: {  	s5 =	ssub.s32 $0x0, s20;
	[sflag:s22] =	ssyncset.done $0x0  }
0xa1: {  	[sflag:s22] =	ssyncadd.s32 s5;
	_ =	sdelay $0x1  }
0xa2: {  	s23 =	simm.s32 $0x1B8B  }
0xa3: {  	_ =	swait.ge [sflag:s23], $0x1  }
0xa4: {  	[sflag:s23] =	ssyncset.done $0x0  }
0xa5: {  	s25 =	simm.s32 $0x1B8E;
	s24 =	sld [smem:$0x3FFE];
	[sflag:s23] =	ssyncadd.s32 $0xFFFFFFFF  }
0xa6: {  	s26 =	simm.s32 $execute0_lowered;
	[smem:$0x3FD2] =	sst s25  }
0xa7: {  	s6 =	sshll.u32 s26, $0x1;
	_ =	strace $0x80000046;
	[dreg:$0x1] =	wrdreg $0xFFFFFFFF  }
0xa8: {  	s28 =	simm.s32 $_size_execute0_lowered;
	s4 =	sadd.s32 s4, s6;
	[dreg:$0x0] =	wrdreg $0x0  }
0xa9: {  	s6 =	sshll.u32 s28, $0x1;
	[dreg:$0x2] =	wrdreg s4  }
0xaa: {  	[dreg:$0x3] =	wrdreg s6  }
0xab: {  	[dreg:$0x4] =	wrdreg $0xC0  }
0xac: {  	_ =	task [dreg:s8], $0x5FFFF  }
0xad: {  	[dreg:$0x1] =	wrdreg $0xFFFFFFFF  }
0xae: {  	[dreg:$0x0] =	wrdreg $0x60  }
0xaf: {  	[dreg:$0x2] =	wrdreg s2  }
0xb0: {  	[dreg:$0x3] =	wrdreg s18  }
0xb1: {  	[dreg:$0x4] =	wrdreg s24  }
0xb2: {  	[dreg:$0x5] =	wrdreg $0xC4000  }
0xb3: {  	[dreg:$0x6] =	wrdreg $0x9  }
0xb4: {  	_ =	task.clear_ibuf [dreg:s8], $0x7FFFF;
	_ =	strace $0x90000046  }
0xb5: {  	s29 =	simm.s32 $0x9;
	_ =	strace $0x80000048  }
0xb6: {  	_ =	swait.ge [sflag:s29], $0x1  }
0xb7: {  	[sflag:s29] =	ssyncadd.s32 $0xFFFFFFFF  }
0xb8: {  	_ =	strace $0x90000048  }
0xb9: {  	_ =	sfence  }
0xba: {  	s30 =	sld [smem:$0x0];
	_ =	sdelay $0x2  }
0xbb: {  	s31 =	sshll.u32 s1, $0xD;
	s1 =	sshrl.u32 s1, $0x2  }
0xbc: {  	s3 =	sand.u32 $0x4000, s31;
	s1 =	sadd.s32 s1, s30  }
0xbd: {  	s0 =	sor.u32 s3, s0;
	s1 =	sshll.u32 s1, $0x11  }
0xbe: {  	s0 =	sor.u32 s1, s0  }
0xbf: {  	s0 =	sadd.s32 $0x8F2B, s0  }
0xc0: {  	[sflag:s0] =	ssyncadd.remote.s32 $0x1  }
0xc1: {  	_ =	sfence.sel $0xFFFF  }
0xc2: {  	[dreg:$0x0] =	wrdreg $0xFFFFFFFF;
	(pc) =	sbr.abs _section_cstart, $3  }
0xc3: {  	[dreg:$0x1] =	wrdreg $0xFFFFFFFF  }
0xc4: {  	_ =	task.clear_ibuf [dreg:s8], $0x2FFFF;
	_ =	strace $0x9FFFFFFF  }
0xc5: {  	(tm) =	ssettm $0x7FFFFFFF  }
tec
execute0_lowered:
.L_overlay_start_1:
0x0: {  	(tag) =	ssettag $0x1  }
0x1: {  	s0 =	rddreg [dreg:$0x0]  }
0x2: {  	s5 =	rddreg [dreg:$0x1]  }
0x3: {  	s1 =	rddreg [dreg:$0x2];
	s2 =	srdreg.scid  }
0x4: {  	s21 =	stileid.u32;
	s3 =	rddreg [dreg:$0x3];
	s4 =	simm.s32 $0x0  }
0x5: {  	s28 =	simm.s32 $0x400;
	s29 =	simm.s32 $0x8;
	s30 =	simm.s32 $0x1  }
0x6: {  	s31 =	simm.s32 $0x80;
	s6 =	sand.u32 $0x1, s2;
	s14 =	sshll.u32 s21, $0x1  }
0x7: {  	[smem:$0x7FF] =	sst s4;
	s13 =	sadd.s32 $0xC00, s1;
	s12 =	smul.u32 $0x9C, s21  }
0x8: {  	p0 =	sgt.u32 s21, $0xD;
	p3 =	sgt.u32 s21, $0x1;
	s7 =	sor.u32 s6, s14  }
0x9: {  	s15 =	ssub.s32 $0x2, s6;
	_ =	strace $0x80000047;
	s14 =	sadd.s32 $0x20, s5  }
0xa: {  	p2 =	sne.s32 @!p0 s21, $0x0;
	s8 =	smul.u32 $0x4E00, s7;
	s9 =	sshrl.u32 s15, $0x1  }
0xb: {  	s10 =	smul.u32 $0x9C0, s7;
	s7 =	sshll.u32 s7, $0x5;
	p1 =	por p2, p0  }
0xc: {  	p2 =	por !p2, p0;
	s1 =	ssub.s32 s15, s9;
	s15 =	sshll.u32 s21, $0xE  }
0xd: {  	s7 =	sadd.s32 s7, s5;
	s16 =	sshrl.u32 s8, $0x3;
	s17 =	sadd.s32 s5, s10  }
0xe: {  	s18 =	sadd.s32 s10, s14;
	s24 =	sadd.s32 s15, s3;
	[dreg:$0x11] =	wrdreg s17  }
0xf: {  	s1 =	smax.u32 s1, $0x1;
	s2 =	sadd.s32 s5, s16;
	[dreg:$0x12] =	wrdreg s18  }
0x10: {  	s16 =	sor.u32 $0x40000, s15;
	s17 =	sor.u32 $0x80000, s15;
	s18 =	smul.u32 $0x4E, s6  }
0x11: {  	s6 =	smul.u32 $0x138800, s6;
	[dreg:$0x1f] =	wrdreg s1;
	s19 =	sadd.s32 $0x40, s2  }
0x12: {  	s20 =	sadd.s32 s16, s3;
	s10 =	sadd.s32 s17, s3;
	[dreg:$0x13] =	wrdreg s19  }
0x13: {  	[dreg:$0x14] =	wrdreg s20;
	s19 =	sor.u32 $0xC0000, s15;
	s20 =	sor.u32 $0x100000, s15  }
0x14: {  	s18 =	sadd.s32 s18, s12;
	s15 =	sadd.s32 s15, s6;
	s16 =	sadd.s32 s6, s16  }
0x15: {  	s8 =	sadd.s32 s6, s17;
	s11 =	sadd.s32 s19, s3;
	s15 =	sshrl.u32 s15, $0x3  }
0x16: {  	s23 =	sshrl.u32 s16, $0x3;
	s25 =	sshll.u32 s18, $0x5;
	s22 =	sadd.s32 s13, s15  }
0x17: {  	s26 =	sadd.s32 s13, s23;
	s15 =	sshrl.u32 s8, $0x3;
	[dreg:$0x15] =	wrdreg s22  }
0x18: {  	s5 =	sadd.s32 s5, s25;
	[dreg:$0x16] =	wrdreg s26;
	s15 =	sadd.s32 s13, s15  }
0x19: {  	s14 =	sadd.s32 s14, s25;
	s9 =	sadd.s32 $0x1C0, s5;
	[dreg:$0x17] =	wrdreg s15  }
0x1a: {  	s18 =	sadd.s32 s6, s19;
	s17 =	sadd.s32 $0x180, s14;
	[dreg:$0x5] =	wrdreg s9  }
0x1b: {  	s16 =	sshrl.u32 s18, $0x3;
	s19 =	sadd.s32 $0x180, s5;
	[dreg:$0x6] =	wrdreg s17  }
0x1c: {  	s21 =	simm.s32 $0x0;
	s23 =	sadd.s32 s13, s16;
	[dreg:$0x7] =	wrdreg s19  }
0x1d: {  	s1 =	simm.s32 $0x4400;
	s22 =	sadd.s32 $0x140, s14;
	[dreg:$0x18] =	wrdreg s23  }
0x1e: {  	s12 =	sadd.s32 s20, s3;
	s25 =	sadd.s32 $0x140, s5;
	[dreg:$0x8] =	wrdreg s22  }
0x1f: {  	s26 =	sadd.s32 s6, s20;
	s8 =	sadd.s32 $0x100, s14;
	[dreg:$0x9] =	wrdreg s25  }
0x20: {  	s6 =	sshrl.u32 s6, $0x3;
	s18 =	sadd.s32 $0xC0, s5;
	[dreg:$0xa] =	wrdreg s8  }
0x21: {  	s20 =	sadd.s32 $0x960, s2;
	s16 =	sshrl.u32 s26, $0x3;
	[dreg:$0xd] =	wrdreg s18  }
0x22: {  	s9 =	sadd.s32 $0x100, s5;
	s17 =	sadd.s32 $0xC0, s14;
	[dreg:$0x1a] =	wrdreg s20  }
0x23: {  	s6 =	sadd.s32 s13, s6;
	s19 =	sadd.s32 $0x80, s14;
	[dreg:$0xb] =	wrdreg s9  }
0x24: {  	s18 =	sadd.s32 $0x138000, s3;
	s5 =	sadd.s32 $0x80, s5;
	[dreg:$0xc] =	wrdreg s17  }
0x25: {  	s22 =	sadd.s32 $0x980, s2;
	s2 =	sadd.s32 $0x9A0, s2;
	[dreg:$0xe] =	wrdreg s19  }
0x26: {  	s23 =	sadd.s32 $0x13800, s7;
	s26 =	sadd.s32 $0x40, s14;
	[dreg:$0xf] =	wrdreg s5  }
0x27: {  	s7 =	simm.s32 $0x300;
	s14 =	simm.s32 $0x4;
	[dreg:$0x1b] =	wrdreg s22  }
0x28: {  	s15 =	simm.s32 $0x6;
	s20 =	simm.s32 $0x380;
	[dreg:$0x1c] =	wrdreg s2  }
0x29: {  	s16 =	sadd.s32 s13, s16;
	[dreg:$0x1d] =	wrdreg s23;
	s25 =	sadd.s32 $0x27000, s6  }
0x2a: {  	[dreg:$0x10] =	wrdreg s26;
	s26 =	simm.s32 $0x200;
	s2 =	simm.s32 $0x2  }
0x2b: {  	s5 =	simm.s32 $0x3;
	s6 =	simm.s32 $0x8400;
	s13 =	simm.s32 $0x5  }
0x2c: {  	s17 =	simm.s32 $0x7;
	s19 =	simm.s32 $0x280;
	[dreg:$0x19] =	wrdreg s16  }
0x2d: {  	v0 =	vimm.f32 $0.0e+00;
	[dreg:$0x1e] =	wrdreg s25;
	s25 =	simm.s32 $0x100;
	s16 =	simm.s32 $0x180  }
.LBB2_1:
0x2e: {  	s8 =	rddreg [dreg:$0x11]  }
0x2f: {  	[tilespmem:s4], [sflag:$0x1] =	stream.linear.gather [hbm4b:s8+s4], $0x100, $0x38;
	[tilespmem:$0x1FC80] =	vst v63  }
0x30: {  	s22 =	rddreg [dreg:$0x12]  }
0x31: {  	[tilespmem:s25], [sflag:$0x2] =	stream.linear.gather [hbm4b:s22+s4], $0x100, $0x38;
	[tilespmem:$0x1FC80] =	vst v63  }
0x32: {  	s23 =	rddreg [dreg:$0x13]  }
0x33: {  	[tilespmem:s26], [sflag:$0x3] =	stream.linear.gather [hbm4b:s23+s4], $0x100, $0x38;
	[tilespmem:$0x1FC80] =	vst v63  }
0x34: {  	s22 =	simm.s32 $0x0;
	s23 =	simm.s32 $0x200  }
.LBB2_2:
0x35: {  	p4 =	sne.s32 s23, $0xFE00;
	[tilespmem:s22+$0x470] =	vst v0  }
0x36: {  	[tilespmem:s22+$0x400] =	vst v0  }
0x37: {  	[tilespmem:s22+$0x410] =	vst v0  }
.Ltmp0:
0x38: {  	[tilespmem:s22+$0x420] =	vst v0;
	(pc) =	sbr.rel @p4 .LBB2_2-.Ltmp0, $4  }
0x39: {  	[tilespmem:s22+$0x430] =	vst v0  }
0x3a: {  	[tilespmem:s22+$0x440] =	vst v0  }
0x3b: {  	[tilespmem:s22+$0x450] =	vst v0  }
0x3c: {  	[tilespmem:s22+$0x460] =	vst v0;
	s22 =	sshra.s32 s23, $0x2;
	s23 =	sadd.s32 $0x200, s23  }
0x3d: {  	[tilespmem:s22+$0x470] =	vst v0  }
0x3e: {  	[tilespmem:s22+$0x400] =	vst v0  }
0x3f: {  	[tilespmem:s22+$0x410] =	vst v0  }
0x40: {  	[tilespmem:s22+$0x420] =	vst v0  }
0x41: {  	[tilespmem:s22+$0x430] =	vst v0  }
0x42: {  	[tilespmem:s22+$0x440] =	vst v0  }
0x43: {  	[tilespmem:s22+$0x450] =	vst v0  }
0x44: {  	[tilespmem:s22+$0x460] =	vst v0  }
0x45: {  	[spmem:s24] =	stream.linear.scatter [tilespmem:s28], [sflag:$0x8], $0x4000, $0x38;
	[tilespmem:$0x1FC80] =	vst v63  }
0x46: {  	_ =	swait.ge [sflag:s29], $0x4000  }
0x47: {  	[sflag:s29] =	ssyncset.done $0x0  }
0x48: {  	s8 =	rddreg [dreg:$0x14];
	[sflag:s29] =	ssyncadd.s32 $0xFFFFC000  }
0x49: {  	[spmem:s8] =	stream.linear.scatter [tilespmem:s28], [sflag:$0x8], $0x4000, $0x38;
	[tilespmem:$0x1FC80] =	vst v63  }
0x4a: {  	_ =	swait.ge [sflag:s29], $0x4000  }
0x4b: {  	[sflag:s29] =	ssyncset.done $0x0  }
0x4c: {  	[sflag:s29] =	ssyncadd.s32 $0xFFFFC000  }
0x4d: {  	[spmem:s10] =	stream.linear.scatter [tilespmem:s28], [sflag:$0x8], $0x4000, $0x38;
	[tilespmem:$0x1FC80] =	vst v63  }
0x4e: {  	_ =	swait.ge [sflag:s29], $0x4000  }
0x4f: {  	[sflag:s29] =	ssyncset.done $0x0  }
0x50: {  	[sflag:s29] =	ssyncadd.s32 $0xFFFFC000  }
0x51: {  	[spmem:s11] =	stream.linear.scatter [tilespmem:s28], [sflag:$0x8], $0x4000, $0x38;
	[tilespmem:$0x1FC80] =	vst v63  }
0x52: {  	_ =	swait.ge [sflag:s29], $0x4000  }
0x53: {  	[sflag:s29] =	ssyncset.done $0x0  }
0x54: {  	s22 =	simm.s32 @!p0 $0x400;
	[sflag:s29] =	ssyncadd.s32 $0xFFFFC000  }
0x55: {  	[spmem:s12] =	stream.linear.scatter @!p0 [tilespmem:s22], [sflag:$0x8], $0x4000, $0x38;
	[tilespmem:$0x1FC80] =	vst v63  }
0x56: {  	s22 =	simm.s32 @!p0 $0x8  }
0x57: {  	_ =	swait.ge @!p0 [sflag:s22], $0x4000  }
0x58: {  	[sflag:s22] =	ssyncset.done @!p0 $0x0  }
0x59: {  	[sflag:s22] =	ssyncadd.s32 @!p0 $0xFFFFC000;
	s22 =	simm.s32 @!p1 $0x400  }
0x5a: {  	[spmem:s18] =	stream.linear.scatter @!p1 [tilespmem:s22], [sflag:$0x8], $0x800, $0x38;
	[tilespmem:$0x1FC80] =	vst v63  }
0x5b: {  	s22 =	simm.s32 @!p1 $0x8  }
0x5c: {  	_ =	swait.ge @!p1 [sflag:s22], $0x800  }
0x5d: {  	[sflag:s22] =	ssyncset.done @!p1 $0x0  }
0x5e: {  	[sflag:s22] =	ssyncadd.s32 @!p1 $0xFFFFF800  }
0x5f: {  	[bflag:$0x0] =	sbarrier.arrive $0xFFFF  }
0x60: {  	_ =	swait.ge [sflag:s30], $0x100  }
0x61: {  	[sflag:s30] =	ssyncset.done $0x0  }
0x62: {  	s9 =	smov.u32 s24;
	s24 =	simm.s32 $0x0;
	[sflag:s30] =	ssyncadd.s32 $0xFFFFFF00  }
0x63: {  	[tilespmem:s28], [sflag:$0x5] =	stream.indirect.gather [hbm4b:s0+s31], $0x80, s24, s31, $0xb8;
	[tilespmem:$0x1FC80] =	vst v63  }
0x64: {  	_ =	swait.ge [sflag:s2], $0x100  }
0x65: {  	[sflag:s2] =	ssyncset.done $0x0  }
0x66: {  	[sflag:s2] =	ssyncadd.s32 $0xFFFFFF00  }
0x67: {  	[tilespmem:s1], [sflag:$0x6] =	stream.indirect.gather [hbm4b:s0+s31], $0x80, s25, s31, $0xb8;
	[tilespmem:$0x1FC80] =	vst v63  }
0x68: {  	_ =	swait.ge [sflag:s5], $0x100  }
0x69: {  	[sflag:s5] =	ssyncset.done $0x0  }
0x6a: {  	s8 =	rddreg [dreg:$0x10];
	[sflag:s5] =	ssyncadd.s32 $0xFFFFFF00  }
0x6b: {  	[tilespmem:s6], [sflag:$0x7] =	stream.indirect.gather [hbm4b:s0+s31], $0x80, s26, s31, $0xb8;
	[tilespmem:$0x1FC80] =	vst v63  }
0x6c: {  	s22 =	sadd.s32 $0x0, s8  }
0x6d: {  	[tilespmem:s7], [sflag:$0x4] =	stream.linear.gather [hbm4b:s22+s4], $0x100, $0x38;
	[tilespmem:$0x1FC80] =	vst v63  }
0x6e: {  	_ =	swait.ge [sflag:s13], $0x4000  }
0x6f: {  	[sflag:s13] =	ssyncset.done $0x0  }
0x70: {  	[sflag:s13] =	ssyncadd.s32 $0xFFFFC000  }
0x71: {  	[spmem:s3] =	stream.indirect.scatter.add.f32 [tilespmem:s28], [sflag:$0x8], $0x80, s31, s31, $0xb8;
	[tilespmem:$0x1FC80] =	vst v63  }
0x72: {  	_ =	swait.ge [sflag:s29], $0x4000  }
0x73: {  	[sflag:s29] =	ssyncset.done $0x0  }
0x74: {  	[sflag:s29] =	ssyncadd.s32 $0xFFFFC000  }
0x75: {  	_ =	swait.ge [sflag:s14], $0x100  }
0x76: {  	[sflag:s14] =	ssyncset.done $0x0  }
0x77: {  	s23 =	rddreg [dreg:$0xf];
	[sflag:s14] =	ssyncadd.s32 $0xFFFFFF00  }
0x78: {  	[tilespmem:s28], [sflag:$0x5] =	stream.indirect.gather [hbm4b:s0+s31], $0x80, s7, s31, $0xb8;
	[tilespmem:$0x1FC80] =	vst v63  }
0x79: {  	s22 =	sadd.s32 $0x0, s23  }
0x7a: {  	[tilespmem:s4], [sflag:$0x1] =	stream.linear.gather [hbm4b:s22+s4], $0x100, $0x38;
	[tilespmem:$0x1FC80] =	vst v63  }
0x7b: {  	_ =	swait.ge [sflag:s15], $0x4000  }
0x7c: {  	[sflag:s15] =	ssyncset.done $0x0  }
0x7d: {  	[sflag:s15] =	ssyncadd.s32 $0xFFFFC000  }
0x7e: {  	[spmem:s3] =	stream.indirect.scatter.add.f32 [tilespmem:s1], [sflag:$0x8], $0x80, s16, s31, $0xb8;
	[tilespmem:$0x1FC80] =	vst v63  }
0x7f: {  	_ =	swait.ge [sflag:s29], $0x4000  }
0x80: {  	[sflag:s29] =	ssyncset.done $0x0  }
0x81: {  	[sflag:s29] =	ssyncadd.s32 $0xFFFFC000  }
0x82: {  	_ =	swait.ge [sflag:s30], $0x100  }
0x83: {  	[sflag:s30] =	ssyncset.done $0x0  }
0x84: {  	s24 =	rddreg [dreg:$0xe];
	[sflag:s30] =	ssyncadd.s32 $0xFFFFFF00  }
0x85: {  	[tilespmem:s1], [sflag:$0x6] =	stream.indirect.gather [hbm4b:s0+s31], $0x80, s4, s31, $0xb8;
	[tilespmem:$0x1FC80] =	vst v63  }
0x86: {  	s22 =	sadd.s32 $0x0, s24  }
0x87: {  	[tilespmem:s25], [sflag:$0x2] =	stream.linear.gather [hbm4b:s22+s4], $0x100, $0x38;
	[tilespmem:$0x1FC80] =	vst v63  }
0x88: {  	_ =	swait.ge [sflag:s17], $0x4000  }
0x89: {  	[sflag:s17] =	ssyncset.done $0x0  }
0x8a: {  	[sflag:s17] =	ssyncadd.s32 $0xFFFFC000  }
0x8b: {  	[spmem:s3] =	stream.indirect.scatter.add.f32 [tilespmem:s6], [sflag:$0x8], $0x80, s19, s31, $0xb8;
	[tilespmem:$0x1FC80] =	vst v63  }
0x8c: {  	_ =	swait.ge [sflag:s29], $0x4000  }
0x8d: {  	[sflag:s29] =	ssyncset.done $0x0  }
0x8e: {  	[sflag:s29] =	ssyncadd.s32 $0xFFFFC000  }
0x8f: {  	_ =	swait.ge [sflag:s2], $0x100  }
0x90: {  	[sflag:s2] =	ssyncset.done $0x0  }
0x91: {  	s8 =	rddreg [dreg:$0xd];
	[sflag:s2] =	ssyncadd.s32 $0xFFFFFF00  }
0x92: {  	[tilespmem:s6], [sflag:$0x7] =	stream.indirect.gather [hbm4b:s0+s31], $0x80, s25, s31, $0xb8;
	[tilespmem:$0x1FC80] =	vst v63  }
0x93: {  	s22 =	sadd.s32 $0x0, s8  }
0x94: {  	[tilespmem:s26], [sflag:$0x3] =	stream.linear.gather [hbm4b:s22+s4], $0x100, $0x38;
	[tilespmem:$0x1FC80] =	vst v63  }
0x95: {  	_ =	swait.ge [sflag:s13], $0x4000  }
0x96: {  	[sflag:s13] =	ssyncset.done $0x0  }
0x97: {  	[sflag:s13] =	ssyncadd.s32 $0xFFFFC000  }
0x98: {  	[spmem:s3] =	stream.indirect.scatter.add.f32 [tilespmem:s28], [sflag:$0x8], $0x80, s20, s31, $0xb8;
	[tilespmem:$0x1FC80] =	vst v63  }
0x99: {  	_ =	swait.ge [sflag:s29], $0x4000  }
0x9a: {  	[sflag:s29] =	ssyncset.done $0x0  }
0x9b: {  	[sflag:s29] =	ssyncadd.s32 $0xFFFFC000  }
0x9c: {  	_ =	swait.ge [sflag:s5], $0x100  }
0x9d: {  	[sflag:s5] =	ssyncset.done $0x0  }
0x9e: {  	s23 =	rddreg [dreg:$0xc];
	[sflag:s5] =	ssyncadd.s32 $0xFFFFFF00  }
0x9f: {  	[tilespmem:s28], [sflag:$0x5] =	stream.indirect.gather [hbm4b:s0+s31], $0x80, s26, s31, $0xb8;
	[tilespmem:$0x1FC80] =	vst v63  }
0xa0: {  	s22 =	sadd.s32 $0x0, s23  }
0xa1: {  	[tilespmem:s7], [sflag:$0x4] =	stream.linear.gather [hbm4b:s22+s4], $0x100, $0x38;
	[tilespmem:$0x1FC80] =	vst v63  }
0xa2: {  	_ =	swait.ge [sflag:s15], $0x4000  }
0xa3: {  	[sflag:s15] =	ssyncset.done $0x0  }
0xa4: {  	[sflag:s15] =	ssyncadd.s32 $0xFFFFC000  }
0xa5: {  	[spmem:s3] =	stream.indirect.scatter.add.f32 [tilespmem:s1], [sflag:$0x8], $0x80, s31, s31, $0xb8;
	[tilespmem:$0x1FC80] =	vst v63  }
0xa6: {  	_ =	swait.ge [sflag:s29], $0x4000  }
0xa7: {  	[sflag:s29] =	ssyncset.done $0x0  }
0xa8: {  	[sflag:s29] =	ssyncadd.s32 $0xFFFFC000  }
0xa9: {  	_ =	swait.ge [sflag:s14], $0x100  }
0xaa: {  	[sflag:s14] =	ssyncset.done $0x0  }
0xab: {  	s24 =	rddreg [dreg:$0xb];
	[sflag:s14] =	ssyncadd.s32 $0xFFFFFF00  }
0xac: {  	[tilespmem:s1], [sflag:$0x6] =	stream.indirect.gather [hbm4b:s0+s31], $0x80, s7, s31, $0xb8;
	[tilespmem:$0x1FC80] =	vst v63  }
0xad: {  	s22 =	sadd.s32 $0x0, s24  }
0xae: {  	[tilespmem:s4], [sflag:$0x1] =	stream.linear.gather [hbm4b:s22+s4], $0x100, $0x38;
	[tilespmem:$0x1FC80] =	vst v63  }
0xaf: {  	_ =	swait.ge [sflag:s17], $0x4000  }
0xb0: {  	[sflag:s17] =	ssyncset.done $0x0  }
0xb1: {  	[sflag:s17] =	ssyncadd.s32 $0xFFFFC000  }
0xb2: {  	[spmem:s3] =	stream.indirect.scatter.add.f32 [tilespmem:s6], [sflag:$0x8], $0x80, s16, s31, $0xb8;
	[tilespmem:$0x1FC80] =	vst v63  }
0xb3: {  	_ =	swait.ge [sflag:s29], $0x4000  }
0xb4: {  	[sflag:s29] =	ssyncset.done $0x0  }
0xb5: {  	[sflag:s29] =	ssyncadd.s32 $0xFFFFC000  }
0xb6: {  	_ =	swait.ge [sflag:s30], $0x100  }
0xb7: {  	[sflag:s30] =	ssyncset.done $0x0  }
0xb8: {  	s8 =	rddreg [dreg:$0xa];
	[sflag:s30] =	ssyncadd.s32 $0xFFFFFF00  }
0xb9: {  	[tilespmem:s6], [sflag:$0x7] =	stream.indirect.gather [hbm4b:s0+s31], $0x80, s4, s31, $0xb8;
	[tilespmem:$0x1FC80] =	vst v63  }
0xba: {  	s22 =	sadd.s32 $0x0, s8  }
0xbb: {  	[tilespmem:s25], [sflag:$0x2] =	stream.linear.gather [hbm4b:s22+s4], $0x100, $0x38;
	[tilespmem:$0x1FC80] =	vst v63  }
0xbc: {  	_ =	swait.ge [sflag:s13], $0x4000  }
0xbd: {  	[sflag:s13] =	ssyncset.done $0x0  }
0xbe: {  	[sflag:s13] =	ssyncadd.s32 $0xFFFFC000  }
0xbf: {  	[spmem:s3] =	stream.indirect.scatter.add.f32 [tilespmem:s28], [sflag:$0x8], $0x80, s19, s31, $0xb8;
	[tilespmem:$0x1FC80] =	vst v63  }
0xc0: {  	_ =	swait.ge [sflag:s29], $0x4000  }
0xc1: {  	[sflag:s29] =	ssyncset.done $0x0  }
0xc2: {  	[sflag:s29] =	ssyncadd.s32 $0xFFFFC000  }
0xc3: {  	_ =	swait.ge [sflag:s2], $0x100  }
0xc4: {  	[sflag:s2] =	ssyncset.done $0x0  }
0xc5: {  	s23 =	rddreg [dreg:$0x9];
	[sflag:s2] =	ssyncadd.s32 $0xFFFFFF00  }
0xc6: {  	[tilespmem:s28], [sflag:$0x5] =	stream.indirect.gather [hbm4b:s0+s31], $0x80, s25, s31, $0xb8;
	[tilespmem:$0x1FC80] =	vst v63  }
0xc7: {  	s22 =	sadd.s32 $0x0, s23  }
0xc8: {  	[tilespmem:s26], [sflag:$0x3] =	stream.linear.gather [hbm4b:s22+s4], $0x100, $0x38;
	[tilespmem:$0x1FC80] =	vst v63  }
0xc9: {  	_ =	swait.ge [sflag:s15], $0x4000  }
0xca: {  	[sflag:s15] =	ssyncset.done $0x0  }
0xcb: {  	[sflag:s15] =	ssyncadd.s32 $0xFFFFC000  }
0xcc: {  	[spmem:s3] =	stream.indirect.scatter.add.f32 [tilespmem:s1], [sflag:$0x8], $0x80, s20, s31, $0xb8;
	[tilespmem:$0x1FC80] =	vst v63  }
0xcd: {  	_ =	swait.ge [sflag:s29], $0x4000  }
0xce: {  	[sflag:s29] =	ssyncset.done $0x0  }
0xcf: {  	[sflag:s29] =	ssyncadd.s32 $0xFFFFC000  }
0xd0: {  	_ =	swait.ge [sflag:s5], $0x100  }
0xd1: {  	[sflag:s5] =	ssyncset.done $0x0  }
0xd2: {  	s24 =	rddreg [dreg:$0x8];
	[sflag:s5] =	ssyncadd.s32 $0xFFFFFF00  }
0xd3: {  	[tilespmem:s1], [sflag:$0x6] =	stream.indirect.gather [hbm4b:s0+s31], $0x80, s26, s31, $0xb8;
	[tilespmem:$0x1FC80] =	vst v63  }
0xd4: {  	s22 =	sadd.s32 $0x0, s24  }
0xd5: {  	[tilespmem:s7], [sflag:$0x4] =	stream.linear.gather [hbm4b:s22+s4], $0x100, $0x38;
	[tilespmem:$0x1FC80] =	vst v63  }
0xd6: {  	_ =	swait.ge [sflag:s17], $0x4000  }
0xd7: {  	[sflag:s17] =	ssyncset.done $0x0  }
0xd8: {  	[sflag:s17] =	ssyncadd.s32 $0xFFFFC000  }
0xd9: {  	[spmem:s3] =	stream.indirect.scatter.add.f32 [tilespmem:s6], [sflag:$0x8], $0x80, s31, s31, $0xb8;
	[tilespmem:$0x1FC80] =	vst v63  }
0xda: {  	_ =	swait.ge [sflag:s29], $0x4000  }
0xdb: {  	[sflag:s29] =	ssyncset.done $0x0  }
0xdc: {  	[sflag:s29] =	ssyncadd.s32 $0xFFFFC000  }
0xdd: {  	_ =	swait.ge [sflag:s14], $0x100  }
0xde: {  	[sflag:s14] =	ssyncset.done $0x0  }
0xdf: {  	s8 =	rddreg [dreg:$0x7];
	[sflag:s14] =	ssyncadd.s32 $0xFFFFFF00  }
0xe0: {  	[tilespmem:s6], [sflag:$0x7] =	stream.indirect.gather [hbm4b:s0+s31], $0x80, s7, s31, $0xb8;
	[tilespmem:$0x1FC80] =	vst v63  }
0xe1: {  	s22 =	sadd.s32 $0x0, s8  }
0xe2: {  	[tilespmem:s4], [sflag:$0x1] =	stream.linear.gather [hbm4b:s22+s4], $0x100, $0x38;
	[tilespmem:$0x1FC80] =	vst v63  }
0xe3: {  	_ =	swait.ge [sflag:s13], $0x4000  }
0xe4: {  	[sflag:s13] =	ssyncset.done $0x0  }
0xe5: {  	[sflag:s13] =	ssyncadd.s32 $0xFFFFC000  }
0xe6: {  	[spmem:s3] =	stream.indirect.scatter.add.f32 [tilespmem:s28], [sflag:$0x8], $0x80, s16, s31, $0xb8;
	[tilespmem:$0x1FC80] =	vst v63  }
0xe7: {  	_ =	swait.ge [sflag:s29], $0x4000  }
0xe8: {  	[sflag:s29] =	ssyncset.done $0x0  }
0xe9: {  	[sflag:s29] =	ssyncadd.s32 $0xFFFFC000  }
0xea: {  	_ =	swait.ge [sflag:s30], $0x100  }
0xeb: {  	[sflag:s30] =	ssyncset.done $0x0  }
0xec: {  	s23 =	rddreg [dreg:$0x6];
	[sflag:s30] =	ssyncadd.s32 $0xFFFFFF00  }
0xed: {  	[tilespmem:s28], [sflag:$0x5] =	stream.indirect.gather [hbm4b:s0+s31], $0x80, s4, s31, $0xb8;
	[tilespmem:$0x1FC80] =	vst v63  }
0xee: {  	s22 =	sadd.s32 $0x0, s23  }
0xef: {  	[tilespmem:s25], [sflag:$0x2] =	stream.linear.gather [hbm4b:s22+s4], $0x100, $0x38;
	[tilespmem:$0x1FC80] =	vst v63  }
0xf0: {  	_ =	swait.ge [sflag:s15], $0x4000  }
0xf1: {  	[sflag:s15] =	ssyncset.done $0x0  }
0xf2: {  	[sflag:s15] =	ssyncadd.s32 $0xFFFFC000  }
0xf3: {  	[spmem:s3] =	stream.indirect.scatter.add.f32 [tilespmem:s1], [sflag:$0x8], $0x80, s19, s31, $0xb8;
	[tilespmem:$0x1FC80] =	vst v63  }
0xf4: {  	_ =	swait.ge [sflag:s29], $0x4000  }
0xf5: {  	[sflag:s29] =	ssyncset.done $0x0  }
0xf6: {  	[sflag:s29] =	ssyncadd.s32 $0xFFFFC000  }
0xf7: {  	_ =	swait.ge [sflag:s2], $0x100  }
0xf8: {  	[sflag:s2] =	ssyncset.done $0x0  }
0xf9: {  	s24 =	rddreg [dreg:$0x5];
	[sflag:s2] =	ssyncadd.s32 $0xFFFFFF00  }
0xfa: {  	[tilespmem:s1], [sflag:$0x6] =	stream.indirect.gather [hbm4b:s0+s31], $0x80, s25, s31, $0xb8;
	[tilespmem:$0x1FC80] =	vst v63  }
0xfb: {  	s22 =	sadd.s32 $0x0, s24  }
0xfc: {  	[tilespmem:s26], [sflag:$0x3] =	stream.linear.gather [hbm4b:s22+s4], $0x100, $0x38;
	[tilespmem:$0x1FC80] =	vst v63  }
0xfd: {  	_ =	swait.ge [sflag:s17], $0x4000  }
0xfe: {  	[sflag:s17] =	ssyncset.done $0x0  }
0xff: {  	p4 =	por @!p0 $0x0, $0x0;
	p5 =	por @!p1 $0x1, $0x1;
	[sflag:s17] =	ssyncadd.s32 $0xFFFFC000  }
0x100: {  	[spmem:s3] =	stream.indirect.scatter.add.f32 [tilespmem:s6], [sflag:$0x8], $0x80, s20, s31, $0xb8;
	[tilespmem:$0x1FC80] =	vst v63  }
0x101: {  	p5 =	por @!p2 p4, p4;
	p4 =	por $0x0, $0x0;
	_ =	swait.ge [sflag:s29], $0x4000  }
0x102: {  	p4 =	por @!p0 p5, p5;
	s22 =	simm.s32 $0x180;
	[sflag:s29] =	ssyncset.done $0x0  }
.LBB2_4:
0x103: {  	[sflag:s29] =	ssyncadd.s32 $0xFFFFC000  }
0x104: {  	_ =	swait.ge [sflag:s5], $0x100  }
0x105: {  	[sflag:s5] =	ssyncset.done $0x0  }
0x106: {  	s23 =	smov.u32 s22;
	s24 =	rddreg [dreg:$0x10];
	[sflag:s5] =	ssyncadd.s32 $0xFFFFFF00  }
0x107: {  	[tilespmem:s6], [sflag:$0x7] =	stream.indirect.gather [hbm4b:s0+s31], $0x80, s26, s31, $0xb8;
	[tilespmem:$0x1FC80] =	vst v63  }
0x108: {  	s24 =	sadd.s32 s23, s24  }
0x109: {  	[tilespmem:s7], [sflag:$0x4] =	stream.linear.gather [hbm4b:s24+s4], $0x100, $0x38;
	[tilespmem:$0x1FC80] =	vst v63  }
0x10a: {  	_ =	swait.ge [sflag:s13], $0x4000  }
0x10b: {  	[sflag:s13] =	ssyncset.done $0x0  }
0x10c: {  	[sflag:s13] =	ssyncadd.s32 $0xFFFFC000  }
0x10d: {  	[spmem:s3] =	stream.indirect.scatter.add.f32 [tilespmem:s28], [sflag:$0x8], $0x80, s31, s31, $0xb8;
	[tilespmem:$0x1FC80] =	vst v63  }
0x10e: {  	_ =	swait.ge [sflag:s29], $0x4000  }
0x10f: {  	[sflag:s29] =	ssyncset.done $0x0  }
0x110: {  	[sflag:s29] =	ssyncadd.s32 $0xFFFFC000  }
0x111: {  	_ =	swait.ge [sflag:s14], $0x100  }
0x112: {  	[sflag:s14] =	ssyncset.done $0x0  }
0x113: {  	s8 =	rddreg [dreg:$0xf];
	[sflag:s14] =	ssyncadd.s32 $0xFFFFFF00  }
0x114: {  	[tilespmem:s28], [sflag:$0x5] =	stream.indirect.gather [hbm4b:s0+s31], $0x80, s7, s31, $0xb8;
	[tilespmem:$0x1FC80] =	vst v63  }
0x115: {  	s24 =	sadd.s32 s23, s8  }
0x116: {  	[tilespmem:s4], [sflag:$0x1] =	stream.linear.gather [hbm4b:s24+s4], $0x100, $0x38;
	[tilespmem:$0x1FC80] =	vst v63  }
0x117: {  	_ =	swait.ge [sflag:s15], $0x4000  }
0x118: {  	[sflag:s15] =	ssyncset.done $0x0  }
0x119: {  	[sflag:s15] =	ssyncadd.s32 $0xFFFFC000  }
0x11a: {  	[spmem:s3] =	stream.indirect.scatter.add.f32 [tilespmem:s1], [sflag:$0x8], $0x80, s16, s31, $0xb8;
	[tilespmem:$0x1FC80] =	vst v63  }
0x11b: {  	_ =	swait.ge [sflag:s29], $0x4000  }
0x11c: {  	[sflag:s29] =	ssyncset.done $0x0  }
0x11d: {  	[sflag:s29] =	ssyncadd.s32 $0xFFFFC000  }
0x11e: {  	_ =	swait.ge [sflag:s30], $0x100  }
0x11f: {  	[sflag:s30] =	ssyncset.done $0x0  }
0x120: {  	s8 =	rddreg [dreg:$0xe];
	[sflag:s30] =	ssyncadd.s32 $0xFFFFFF00  }
0x121: {  	[tilespmem:s1], [sflag:$0x6] =	stream.indirect.gather [hbm4b:s0+s31], $0x80, s4, s31, $0xb8;
	[tilespmem:$0x1FC80] =	vst v63  }
0x122: {  	s24 =	sadd.s32 s23, s8  }
0x123: {  	[tilespmem:s25], [sflag:$0x2] =	stream.linear.gather [hbm4b:s24+s4], $0x100, $0x38;
	[tilespmem:$0x1FC80] =	vst v63  }
0x124: {  	_ =	swait.ge [sflag:s17], $0x4000  }
0x125: {  	[sflag:s17] =	ssyncset.done $0x0  }
0x126: {  	[sflag:s17] =	ssyncadd.s32 $0xFFFFC000  }
0x127: {  	[spmem:s3] =	stream.indirect.scatter.add.f32 [tilespmem:s6], [sflag:$0x8], $0x80, s19, s31, $0xb8;
	[tilespmem:$0x1FC80] =	vst v63  }
0x128: {  	_ =	swait.ge [sflag:s29], $0x4000  }
0x129: {  	[sflag:s29] =	ssyncset.done $0x0  }
0x12a: {  	[sflag:s29] =	ssyncadd.s32 $0xFFFFC000  }
0x12b: {  	_ =	swait.ge [sflag:s2], $0x100  }
0x12c: {  	[sflag:s2] =	ssyncset.done $0x0  }
0x12d: {  	s8 =	rddreg [dreg:$0xd];
	[sflag:s2] =	ssyncadd.s32 $0xFFFFFF00  }
0x12e: {  	[tilespmem:s6], [sflag:$0x7] =	stream.indirect.gather [hbm4b:s0+s31], $0x80, s25, s31, $0xb8;
	[tilespmem:$0x1FC80] =	vst v63  }
0x12f: {  	s24 =	sadd.s32 s23, s8  }
0x130: {  	[tilespmem:s26], [sflag:$0x3] =	stream.linear.gather [hbm4b:s24+s4], $0x100, $0x38;
	[tilespmem:$0x1FC80] =	vst v63  }
0x131: {  	_ =	swait.ge [sflag:s13], $0x4000  }
0x132: {  	[sflag:s13] =	ssyncset.done $0x0  }
0x133: {  	[sflag:s13] =	ssyncadd.s32 $0xFFFFC000  }
0x134: {  	[spmem:s3] =	stream.indirect.scatter.add.f32 [tilespmem:s28], [sflag:$0x8], $0x80, s20, s31, $0xb8;
	[tilespmem:$0x1FC80] =	vst v63  }
0x135: {  	_ =	swait.ge [sflag:s29], $0x4000  }
0x136: {  	[sflag:s29] =	ssyncset.done $0x0  }
0x137: {  	[sflag:s29] =	ssyncadd.s32 $0xFFFFC000  }
0x138: {  	_ =	swait.ge [sflag:s5], $0x100  }
0x139: {  	[sflag:s5] =	ssyncset.done $0x0  }
0x13a: {  	s8 =	rddreg [dreg:$0xc];
	[sflag:s5] =	ssyncadd.s32 $0xFFFFFF00  }
0x13b: {  	[tilespmem:s28], [sflag:$0x5] =	stream.indirect.gather [hbm4b:s0+s31], $0x80, s26, s31, $0xb8;
	[tilespmem:$0x1FC80] =	vst v63  }
0x13c: {  	s24 =	sadd.s32 s23, s8  }
0x13d: {  	[tilespmem:s7], [sflag:$0x4] =	stream.linear.gather [hbm4b:s24+s4], $0x100, $0x38;
	[tilespmem:$0x1FC80] =	vst v63  }
0x13e: {  	_ =	swait.ge [sflag:s15], $0x4000  }
0x13f: {  	[sflag:s15] =	ssyncset.done $0x0  }
0x140: {  	[sflag:s15] =	ssyncadd.s32 $0xFFFFC000  }
0x141: {  	[spmem:s3] =	stream.indirect.scatter.add.f32 [tilespmem:s1], [sflag:$0x8], $0x80, s31, s31, $0xb8;
	[tilespmem:$0x1FC80] =	vst v63  }
0x142: {  	_ =	swait.ge [sflag:s29], $0x4000  }
0x143: {  	[sflag:s29] =	ssyncset.done $0x0  }
0x144: {  	[sflag:s29] =	ssyncadd.s32 $0xFFFFC000  }
0x145: {  	_ =	swait.ge [sflag:s14], $0x100  }
0x146: {  	[sflag:s14] =	ssyncset.done $0x0  }
0x147: {  	s8 =	rddreg [dreg:$0xb];
	[sflag:s14] =	ssyncadd.s32 $0xFFFFFF00  }
0x148: {  	[tilespmem:s1], [sflag:$0x6] =	stream.indirect.gather [hbm4b:s0+s31], $0x80, s7, s31, $0xb8;
	[tilespmem:$0x1FC80] =	vst v63  }
0x149: {  	s24 =	sadd.s32 s23, s8  }
0x14a: {  	[tilespmem:s4], [sflag:$0x1] =	stream.linear.gather [hbm4b:s24+s4], $0x100, $0x38;
	[tilespmem:$0x1FC80] =	vst v63  }
0x14b: {  	_ =	swait.ge [sflag:s17], $0x4000  }
0x14c: {  	[sflag:s17] =	ssyncset.done $0x0  }
0x14d: {  	[sflag:s17] =	ssyncadd.s32 $0xFFFFC000  }
0x14e: {  	[spmem:s3] =	stream.indirect.scatter.add.f32 [tilespmem:s6], [sflag:$0x8], $0x80, s16, s31, $0xb8;
	[tilespmem:$0x1FC80] =	vst v63  }
0x14f: {  	_ =	swait.ge [sflag:s29], $0x4000  }
0x150: {  	[sflag:s29] =	ssyncset.done $0x0  }
0x151: {  	[sflag:s29] =	ssyncadd.s32 $0xFFFFC000  }
0x152: {  	_ =	swait.ge [sflag:s30], $0x100  }
0x153: {  	[sflag:s30] =	ssyncset.done $0x0  }
0x154: {  	s8 =	rddreg [dreg:$0xa];
	[sflag:s30] =	ssyncadd.s32 $0xFFFFFF00  }
0x155: {  	[tilespmem:s6], [sflag:$0x7] =	stream.indirect.gather [hbm4b:s0+s31], $0x80, s4, s31, $0xb8;
	[tilespmem:$0x1FC80] =	vst v63  }
0x156: {  	s24 =	sadd.s32 s23, s8  }
0x157: {  	[tilespmem:s25], [sflag:$0x2] =	stream.linear.gather [hbm4b:s24+s4], $0x100, $0x38;
	[tilespmem:$0x1FC80] =	vst v63  }
0x158: {  	_ =	swait.ge [sflag:s13], $0x4000  }
0x159: {  	[sflag:s13] =	ssyncset.done $0x0  }
0x15a: {  	[sflag:s13] =	ssyncadd.s32 $0xFFFFC000  }
0x15b: {  	[spmem:s3] =	stream.indirect.scatter.add.f32 [tilespmem:s28], [sflag:$0x8], $0x80, s19, s31, $0xb8;
	[tilespmem:$0x1FC80] =	vst v63  }
0x15c: {  	_ =	swait.ge [sflag:s29], $0x4000  }
0x15d: {  	[sflag:s29] =	ssyncset.done $0x0  }
0x15e: {  	[sflag:s29] =	ssyncadd.s32 $0xFFFFC000  }
0x15f: {  	_ =	swait.ge [sflag:s2], $0x100  }
0x160: {  	[sflag:s2] =	ssyncset.done $0x0  }
0x161: {  	s8 =	rddreg [dreg:$0x9];
	[sflag:s2] =	ssyncadd.s32 $0xFFFFFF00  }
0x162: {  	[tilespmem:s28], [sflag:$0x5] =	stream.indirect.gather [hbm4b:s0+s31], $0x80, s25, s31, $0xb8;
	[tilespmem:$0x1FC80] =	vst v63  }
0x163: {  	s24 =	sadd.s32 s23, s8  }
0x164: {  	[tilespmem:s26], [sflag:$0x3] =	stream.linear.gather [hbm4b:s24+s4], $0x100, $0x38;
	[tilespmem:$0x1FC80] =	vst v63  }
0x165: {  	_ =	swait.ge [sflag:s15], $0x4000  }
0x166: {  	[sflag:s15] =	ssyncset.done $0x0  }
0x167: {  	[sflag:s15] =	ssyncadd.s32 $0xFFFFC000  }
0x168: {  	[spmem:s3] =	stream.indirect.scatter.add.f32 [tilespmem:s1], [sflag:$0x8], $0x80, s20, s31, $0xb8;
	[tilespmem:$0x1FC80] =	vst v63  }
0x169: {  	_ =	swait.ge [sflag:s29], $0x4000  }
0x16a: {  	[sflag:s29] =	ssyncset.done $0x0  }
0x16b: {  	[sflag:s29] =	ssyncadd.s32 $0xFFFFC000  }
0x16c: {  	_ =	swait.ge [sflag:s5], $0x100  }
0x16d: {  	[sflag:s5] =	ssyncset.done $0x0  }
0x16e: {  	s8 =	rddreg [dreg:$0x8];
	[sflag:s5] =	ssyncadd.s32 $0xFFFFFF00  }
0x16f: {  	[tilespmem:s1], [sflag:$0x6] =	stream.indirect.gather [hbm4b:s0+s31], $0x80, s26, s31, $0xb8;
	[tilespmem:$0x1FC80] =	vst v63  }
0x170: {  	s24 =	sadd.s32 s23, s8  }
0x171: {  	[tilespmem:s7], [sflag:$0x4] =	stream.linear.gather [hbm4b:s24+s4], $0x100, $0x38;
	[tilespmem:$0x1FC80] =	vst v63  }
0x172: {  	_ =	swait.ge [sflag:s17], $0x4000  }
0x173: {  	[sflag:s17] =	ssyncset.done $0x0  }
0x174: {  	[sflag:s17] =	ssyncadd.s32 $0xFFFFC000  }
0x175: {  	[spmem:s3] =	stream.indirect.scatter.add.f32 [tilespmem:s6], [sflag:$0x8], $0x80, s31, s31, $0xb8;
	[tilespmem:$0x1FC80] =	vst v63  }
0x176: {  	_ =	swait.ge [sflag:s29], $0x4000  }
0x177: {  	[sflag:s29] =	ssyncset.done $0x0  }
0x178: {  	[sflag:s29] =	ssyncadd.s32 $0xFFFFC000  }
0x179: {  	_ =	swait.ge [sflag:s14], $0x100  }
0x17a: {  	[sflag:s14] =	ssyncset.done $0x0  }
0x17b: {  	s8 =	rddreg [dreg:$0x7];
	[sflag:s14] =	ssyncadd.s32 $0xFFFFFF00  }
0x17c: {  	[tilespmem:s6], [sflag:$0x7] =	stream.indirect.gather [hbm4b:s0+s31], $0x80, s7, s31, $0xb8;
	[tilespmem:$0x1FC80] =	vst v63  }
0x17d: {  	s24 =	sadd.s32 s23, s8  }
0x17e: {  	[tilespmem:s4], [sflag:$0x1] =	stream.linear.gather [hbm4b:s24+s4], $0x100, $0x38;
	[tilespmem:$0x1FC80] =	vst v63  }
0x17f: {  	_ =	swait.ge [sflag:s13], $0x4000  }
0x180: {  	[sflag:s13] =	ssyncset.done $0x0  }
0x181: {  	[sflag:s13] =	ssyncadd.s32 $0xFFFFC000  }
0x182: {  	[spmem:s3] =	stream.indirect.scatter.add.f32 [tilespmem:s28], [sflag:$0x8], $0x80, s16, s31, $0xb8;
	[tilespmem:$0x1FC80] =	vst v63  }
0x183: {  	_ =	swait.ge [sflag:s29], $0x4000  }
0x184: {  	[sflag:s29] =	ssyncset.done $0x0  }
0x185: {  	[sflag:s29] =	ssyncadd.s32 $0xFFFFC000  }
0x186: {  	_ =	swait.ge [sflag:s30], $0x100  }
0x187: {  	[sflag:s30] =	ssyncset.done $0x0  }
0x188: {  	s8 =	rddreg [dreg:$0x6];
	[sflag:s30] =	ssyncadd.s32 $0xFFFFFF00  }
0x189: {  	[tilespmem:s28], [sflag:$0x5] =	stream.indirect.gather [hbm4b:s0+s31], $0x80, s4, s31, $0xb8;
	[tilespmem:$0x1FC80] =	vst v63  }
0x18a: {  	s24 =	sadd.s32 s23, s8  }
0x18b: {  	[tilespmem:s25], [sflag:$0x2] =	stream.linear.gather [hbm4b:s24+s4], $0x100, $0x38;
	[tilespmem:$0x1FC80] =	vst v63  }
0x18c: {  	_ =	swait.ge [sflag:s15], $0x4000  }
0x18d: {  	[sflag:s15] =	ssyncset.done $0x0  }
0x18e: {  	[sflag:s15] =	ssyncadd.s32 $0xFFFFC000  }
0x18f: {  	[spmem:s3] =	stream.indirect.scatter.add.f32 [tilespmem:s1], [sflag:$0x8], $0x80, s19, s31, $0xb8;
	[tilespmem:$0x1FC80] =	vst v63  }
0x190: {  	_ =	swait.ge [sflag:s29], $0x4000  }
0x191: {  	[sflag:s29] =	ssyncset.done $0x0  }
0x192: {  	[sflag:s29] =	ssyncadd.s32 $0xFFFFC000  }
0x193: {  	_ =	swait.ge [sflag:s2], $0x100  }
0x194: {  	[sflag:s2] =	ssyncset.done $0x0  }
0x195: {  	s8 =	rddreg [dreg:$0x5];
	[sflag:s2] =	ssyncadd.s32 $0xFFFFFF00  }
0x196: {  	[tilespmem:s1], [sflag:$0x6] =	stream.indirect.gather [hbm4b:s0+s31], $0x80, s25, s31, $0xb8;
	[tilespmem:$0x1FC80] =	vst v63  }
0x197: {  	s23 =	sadd.s32 s23, s8  }
0x198: {  	[tilespmem:s26], [sflag:$0x3] =	stream.linear.gather [hbm4b:s23+s4], $0x100, $0x38;
	[tilespmem:$0x1FC80] =	vst v63  }
0x199: {  	p5 =	sne.s32 s22, $0x780;
	_ =	swait.ge [sflag:s17], $0x4000  }
.Ltmp1:
0x19a: {  	[sflag:s17] =	ssyncset.done $0x0;
	(pc) =	sbr.rel @p5 .LBB2_4-.Ltmp1, $4  }
0x19b: {  	[sflag:s17] =	ssyncadd.s32 $0xFFFFC000  }
0x19c: {  	[spmem:s3] =	stream.indirect.scatter.add.f32 [tilespmem:s6], [sflag:$0x8], $0x80, s20, s31, $0xb8;
	[tilespmem:$0x1FC80] =	vst v63  }
0x19d: {  	_ =	swait.ge [sflag:s29], $0x4000  }
0x19e: {  	s22 =	sadd.s32 $0x180, s22;
	[sflag:s29] =	ssyncset.done $0x0  }
0x19f: {  	[sflag:s29] =	ssyncadd.s32 $0xFFFFC000  }
0x1a0: {  	_ =	swait.ge [sflag:s5], $0x100  }
0x1a1: {  	[sflag:s5] =	ssyncset.done $0x0  }
0x1a2: {  	[sflag:s5] =	ssyncadd.s32 $0xFFFFFF00  }
0x1a3: {  	[tilespmem:s6], [sflag:$0x7] =	stream.indirect.gather [hbm4b:s0+s31], $0x80, s26, s31, $0xb8;
	[tilespmem:$0x1FC80] =	vst v63  }
0x1a4: {  	s8 =	rddreg [dreg:$0x1a]  }
0x1a5: {  	[tilespmem:s7], [sflag:$0x4] =	stream.linear.gather [hbm4b:s8+s4], $0x100, $0x38;
	[tilespmem:$0x1FC80] =	vst v63  }
0x1a6: {  	_ =	swait.ge [sflag:s13], $0x4000  }
0x1a7: {  	[sflag:s13] =	ssyncset.done $0x0  }
0x1a8: {  	[sflag:s13] =	ssyncadd.s32 $0xFFFFC000  }
0x1a9: {  	[spmem:s3] =	stream.indirect.scatter.add.f32 [tilespmem:s28], [sflag:$0x8], $0x80, s31, s31, $0xb8;
	[tilespmem:$0x1FC80] =	vst v63  }
0x1aa: {  	_ =	swait.ge [sflag:s29], $0x4000  }
0x1ab: {  	[sflag:s29] =	ssyncset.done $0x0  }
0x1ac: {  	[sflag:s29] =	ssyncadd.s32 $0xFFFFC000  }
0x1ad: {  	_ =	swait.ge [sflag:s14], $0x100  }
0x1ae: {  	[sflag:s14] =	ssyncset.done $0x0  }
0x1af: {  	[sflag:s14] =	ssyncadd.s32 $0xFFFFFF00  }
0x1b0: {  	[tilespmem:s28], [sflag:$0x5] =	stream.indirect.gather [hbm4b:s0+s31], $0x80, s7, s31, $0xb8;
	[tilespmem:$0x1FC80] =	vst v63  }
0x1b1: {  	s22 =	rddreg [dreg:$0x1b]  }
0x1b2: {  	[tilespmem:s4], [sflag:$0x1] =	stream.linear.gather [hbm4b:s22+s4], $0x100, $0x38;
	[tilespmem:$0x1FC80] =	vst v63  }
0x1b3: {  	_ =	swait.ge [sflag:s15], $0x4000  }
0x1b4: {  	[sflag:s15] =	ssyncset.done $0x0  }
0x1b5: {  	[sflag:s15] =	ssyncadd.s32 $0xFFFFC000  }
0x1b6: {  	[spmem:s3] =	stream.indirect.scatter.add.f32 [tilespmem:s1], [sflag:$0x8], $0x80, s16, s31, $0xb8;
	[tilespmem:$0x1FC80] =	vst v63  }
0x1b7: {  	_ =	swait.ge [sflag:s29], $0x4000  }
0x1b8: {  	[sflag:s29] =	ssyncset.done $0x0  }
0x1b9: {  	[sflag:s29] =	ssyncadd.s32 $0xFFFFC000  }
0x1ba: {  	_ =	swait.ge [sflag:s30], $0x100  }
0x1bb: {  	[sflag:s30] =	ssyncset.done $0x0  }
0x1bc: {  	[sflag:s30] =	ssyncadd.s32 $0xFFFFFF00  }
0x1bd: {  	[tilespmem:s1], [sflag:$0x6] =	stream.indirect.gather [hbm4b:s0+s31], $0x80, s4, s31, $0xb8;
	[tilespmem:$0x1FC80] =	vst v63  }
0x1be: {  	s23 =	rddreg [dreg:$0x1c]  }
0x1bf: {  	[tilespmem:s25], [sflag:$0x2] =	stream.linear.gather [hbm4b:s23+s4], $0x100, $0x38;
	[tilespmem:$0x1FC80] =	vst v63  }
0x1c0: {  	_ =	swait.ge [sflag:s17], $0x4000  }
0x1c1: {  	[sflag:s17] =	ssyncset.done $0x0  }
0x1c2: {  	[sflag:s17] =	ssyncadd.s32 $0xFFFFC000  }
0x1c3: {  	[spmem:s3] =	stream.indirect.scatter.add.f32 [tilespmem:s6], [sflag:$0x8], $0x80, s19, s31, $0xb8;
	[tilespmem:$0x1FC80] =	vst v63  }
0x1c4: {  	_ =	swait.ge [sflag:s29], $0x4000  }
0x1c5: {  	[sflag:s29] =	ssyncset.done $0x0  }
0x1c6: {  	[sflag:s29] =	ssyncadd.s32 $0xFFFFC000  }
0x1c7: {  	_ =	swait.ge [sflag:s2], $0x100  }
0x1c8: {  	[sflag:s2] =	ssyncset.done $0x0  }
0x1c9: {  	[sflag:s2] =	ssyncadd.s32 $0xFFFFFF00  }
0x1ca: {  	[tilespmem:s6], [sflag:$0x7] =	stream.indirect.gather [hbm4b:s0+s31], $0x80, s25, s31, $0xb8;
	[tilespmem:$0x1FC80] =	vst v63  }
0x1cb: {  	_ =	swait.ge [sflag:s13], $0x4000  }
0x1cc: {  	[sflag:s13] =	ssyncset.done $0x0  }
0x1cd: {  	[sflag:s13] =	ssyncadd.s32 $0xFFFFC000  }
0x1ce: {  	[spmem:s3] =	stream.indirect.scatter.add.f32 [tilespmem:s28], [sflag:$0x8], $0x80, s20, s31, $0xb8;
	[tilespmem:$0x1FC80] =	vst v63  }
0x1cf: {  	_ =	swait.ge [sflag:s29], $0x4000  }
0x1d0: {  	[sflag:s29] =	ssyncset.done $0x0  }
0x1d1: {  	[sflag:s29] =	ssyncadd.s32 $0xFFFFC000  }
0x1d2: {  	_ =	swait.ge [sflag:s15], $0x4000  }
0x1d3: {  	[sflag:s15] =	ssyncset.done $0x0  }
0x1d4: {  	[sflag:s15] =	ssyncadd.s32 $0xFFFFC000  }
0x1d5: {  	[spmem:s3] =	stream.indirect.scatter.add.f32 [tilespmem:s1], [sflag:$0x8], $0x80, s31, s31, $0xb8;
	[tilespmem:$0x1FC80] =	vst v63  }
0x1d6: {  	_ =	swait.ge [sflag:s29], $0x4000  }
0x1d7: {  	[sflag:s29] =	ssyncset.done $0x0  }
0x1d8: {  	[sflag:s29] =	ssyncadd.s32 $0xFFFFC000  }
0x1d9: {  	_ =	swait.ge [sflag:s17], $0x4000  }
0x1da: {  	[sflag:s17] =	ssyncset.done $0x0  }
0x1db: {  	[sflag:s17] =	ssyncadd.s32 $0xFFFFC000  }
0x1dc: {  	[spmem:s3] =	stream.indirect.scatter.add.f32 [tilespmem:s6], [sflag:$0x8], $0x80, s16, s31, $0xb8;
	[tilespmem:$0x1FC80] =	vst v63  }
0x1dd: {  	_ =	swait.ge [sflag:s29], $0x4000  }
0x1de: {  	s22 =	simm.s32 @!p3 $0x0;
	[sflag:s29] =	ssyncset.done $0x0  }
0x1df: {  	s23 =	simm.s32 @!p3 $0x8;
	s8 =	rddreg [dreg:$0x1d];
	[sflag:s29] =	ssyncadd.s32 $0xFFFFC000  }
0x1e0: {  	[tilespmem:s22], [sflag:$0x8] =	stream.linear.gather @!p3 [hbm4b:s8+s22], $0x100, $0x38;
	[tilespmem:$0x1FC80] =	vst v63  }
0x1e1: {  	_ =	swait.ge @!p3 [sflag:s23], $0x100  }
0x1e2: {  	[sflag:s23] =	ssyncset.done @!p3 $0x0  }
0x1e3: {  	s24 =	simm.s32 @!p3 $0x80;
	s8 =	simm.s32 @!p3 $0x400;
	[sflag:s23] =	ssyncadd.s32 @!p3 $0xFFFFFF00  }
0x1e4: {  	[tilespmem:s8], [sflag:$0x5] =	stream.indirect.gather @!p3 [hbm4b:s0+s24], $0x80, s22, s24, $0xb8;
	[tilespmem:$0x1FC80] =	vst v63  }
0x1e5: {  	s22 =	simm.s32 @!p3 $0x5  }
0x1e6: {  	_ =	swait.ge @!p3 [sflag:s22], $0x4000  }
0x1e7: {  	[sflag:s22] =	ssyncset.done @!p3 $0x0  }
0x1e8: {  	[sflag:s22] =	ssyncadd.s32 @!p3 $0xFFFFC000  }
0x1e9: {  	[spmem:s3] =	stream.indirect.scatter.add.f32 @!p3 [tilespmem:s8], [sflag:$0x8], $0x80, s24, s24, $0xb8;
	[tilespmem:$0x1FC80] =	vst v63  }
0x1ea: {  	_ =	swait.ge @!p3 [sflag:s23], $0x4000  }
0x1eb: {  	[sflag:s23] =	ssyncset.done @!p3 $0x0  }
0x1ec: {  	s24 =	stileid.u32;
	[sflag:s23] =	ssyncadd.s32 @!p3 $0xFFFFC000  }
0x1ed: {  	s8 =	sshll.u32 s24, $0x6;
	s24 =	smov.u32 s9;
	[bflag:$0x0] =	sbarrier.arrive $0xFFFF  }
0x1ee: {  	s9 =	sshrl.u32 s9, $0x3;
	s8 =	sor.u32 $0x1C08, s8;
	s23 =	rddreg [dreg:$0x15]  }
0x1ef: {  	[hbm:s23], [sflag:s8] =	dma.local [spmem:s9], $0x800  }
0x1f0: {  	_ =	swait.ge [sflag:s29], $0x800  }
0x1f1: {  	[sflag:s29] =	ssyncset.done $0x0;
	s23 =	rddreg [dreg:$0x14]  }
0x1f2: {  	[sflag:s29] =	ssyncadd.s32 $0xFFFFF800;
	s9 =	sshrl.u32 s23, $0x3;
	s23 =	rddreg [dreg:$0x16]  }
0x1f3: {  	[hbm:s23], [sflag:s8] =	dma.local [spmem:s9], $0x800  }
0x1f4: {  	_ =	swait.ge [sflag:s29], $0x800  }
0x1f5: {  	[sflag:s29] =	ssyncset.done $0x0  }
0x1f6: {  	s9 =	sshrl.u32 s10, $0x3;
	s23 =	rddreg [dreg:$0x17];
	[sflag:s29] =	ssyncadd.s32 $0xFFFFF800  }
0x1f7: {  	[hbm:s23], [sflag:s8] =	dma.local [spmem:s9], $0x800  }
0x1f8: {  	_ =	swait.ge [sflag:s29], $0x800  }
0x1f9: {  	[sflag:s29] =	ssyncset.done $0x0  }
0x1fa: {  	s9 =	sshrl.u32 s11, $0x3;
	s23 =	rddreg [dreg:$0x18];
	[sflag:s29] =	ssyncadd.s32 $0xFFFFF800  }
0x1fb: {  	[hbm:s23], [sflag:s8] =	dma.local [spmem:s9], $0x800  }
0x1fc: {  	_ =	swait.ge [sflag:s29], $0x800  }
0x1fd: {  	[sflag:s29] =	ssyncset.done $0x0  }
0x1fe: {  	s22 =	sshrl.u32 @!p0 s12, $0x3;
	s9 =	rddreg [dreg:$0x19];
	[sflag:s29] =	ssyncadd.s32 $0xFFFFF800  }
0x1ff: {  	[hbm:s9], [sflag:s8] =	dma.local @!p0 [spmem:s22], $0x800  }
0x200: {  	s22 =	simm.s32 @!p0 $0x8  }
0x201: {  	_ =	swait.ge @!p0 [sflag:s22], $0x800  }
0x202: {  	[sflag:s22] =	ssyncset.done @!p0 $0x0  }
0x203: {  	s9 =	rddreg [dreg:$0x1e];
	[sflag:s22] =	ssyncadd.s32 @!p0 $0xFFFFF800;
	s22 =	sshrl.u32 @p4 s18, $0x3  }
0x204: {  	[hbm:s9], [sflag:s8] =	dma.local @p4 [spmem:s22], $0x100  }
0x205: {  	s8 =	simm.s32 @p4 $0x8  }
0x206: {  	_ =	swait.ge @p4 [sflag:s8], $0x100  }
0x207: {  	s21 =	sadd.s32 $0x1, s21;
	s23 =	rddreg [dreg:$0x1f]  }
0x208: {  	p5 =	sne.s32 s21, s23  }
.Ltmp2:
0x209: {  	_ = 	snop;
	(pc) =	sbr.rel @p5 .LBB2_1-.Ltmp2, $3  }
0x20a: {  	_ =	sdelay $0x1  }
0x20b: {  	[sflag:s8] =	ssyncset.done @p4 $0x0  }
0x20c: {  	[sflag:s8] =	ssyncadd.s32 @p4 $0xFFFFFF00  }
0x20d: {  	_ =	sfence.sel $0x180000  }
0x20e: {  	[bflag:$0x0] =	sbarrier.arrive $0xFFFF  }
0x20f: {  	_ =	strace $0x90000047  }
0x210: {  	s0 =	stileid.u32;
	[bflag:$0x2] =	sbarrier.arrive $0xFFFF  }
0x211: {  	p0 =	sne.s32 s0, $0x0;
	s0 =	rddreg [dreg:$0x4]  }
0x212: {  	s0 =	sadd.s32 @!p0 $0x100000, s0  }
0x213: {  	[sflag:s0] =	ssyncadd.tile.s32 @!p0 $0x1;
	_ =	shalt  }
.Lfunc_end2:
_tile_overlayer_lowered:
.L_overlay_start_2:
0x214: {  	(tag) =	ssettag $0x2  }
0x215: {  	s0 =	rddreg [dreg:$0x0];
	s2 =	stileid.u32  }
0x216: {  	s1 =	rddreg [dreg:$0x1];
	p0 =	sne.s32 s2, $0x0  }
0x217: {  	s3 =	rddreg [dreg:$0x2];
	[bflag:$0x3] =	sbarrier.arrive $0xFFFF;
	s2 =	simm.s32 @!p0 $0x1C08  }
0x218: {  	[timem:s3], [sflag:s2] =	dma.local @!p0 [hbm:s0], s1  }
0x219: {  	s0 =	simm.s32 @!p0 $0x8  }
0x21a: {  	_ =	swait.ge @!p0 [sflag:s0], s1  }
0x21b: {  	s1 =	ssub.s32 @!p0 $0x0, s1;
	[sflag:s0] =	ssyncset.done @!p0 $0x0  }
0x21c: {  	[sflag:s0] =	ssyncadd.s32 @!p0 s1  }
0x21d: {  	[bflag:$0x3] =	sbarrier.arrive $0xFFFF  }
0x21e: {  	_ =	shalt  }

</sc_bundles>
